<compile_context>
chip_gen: v7x
topology: tpu7x:2x2x1
jax: 0.10.2.dev20260603
libtpu: 0.0.44.dev20260713+nightly
codegen_flags: <defaults>
</compile_context>

<pallas_src>
import functools

import jax
import jax.numpy as jnp
from jax import lax
from jax.experimental import pallas as pl
from jax.experimental.pallas import tpu as pltpu
from jax.experimental.pallas import tpu_sc as plsc

NUM_FEATS = 100000
EMB_DIM = 64
BATCH = 4096
N_FIELDS = 26
PHYS_DIM = 128
PHYS_ROWS = 50048
TR_BLK = 2176
L = 16
NC, NS = 2, 16
NW = NC * NS
ROWS_PER_W = BATCH // NW
CB = 16
N_CHUNKS = ROWS_PER_W // CB
IDX_PER_W = ROWS_PER_W * N_FIELDS
IDX_PER_CHUNK = CB * N_FIELDS
SUB = 4
IDX_PER_SUB = IDX_PER_CHUNK // SUB
NBUF = 2
DG = 8
N_GROUPS = EMB_DIM // DG


def _fm_body(xf, xh, emb, bias, off, out,
             idx_v, idxh_v, rows_v, bias_v, out_v, off_v, sems):
    wid = lax.axis_index("s") * NC + lax.axis_index("c")
    pltpu.sync_copy(off, off_v)
    pltpu.sync_copy(xf.at[pl.ds(wid * IDX_PER_W, IDX_PER_W)], idx_v)
    pltpu.sync_copy(xh.at[pl.ds(wid * IDX_PER_W, IDX_PER_W)], idxh_v)

    lane = lax.iota(jnp.int32, L)
    lane_b = lane * N_FIELDS
    zero = jnp.zeros((L,), jnp.float32)

    def fire(c, buf):
        for j in range(SUB):
            s0 = c * IDX_PER_CHUNK + j * IDX_PER_SUB
            d0 = buf * IDX_PER_CHUNK + j * IDX_PER_SUB
            pltpu.async_copy(emb.at[idxh_v.at[pl.ds(s0, IDX_PER_SUB)]],
                             rows_v.at[pl.ds(d0, IDX_PER_SUB)], sems.at[buf])
            pltpu.async_copy(bias.at[idx_v.at[pl.ds(s0, IDX_PER_SUB)]],
                             bias_v.at[pl.ds(d0, IDX_PER_SUB)], sems.at[buf])

    def drain(buf):
        for j in range(SUB):
            d0 = buf * IDX_PER_CHUNK + j * IDX_PER_SUB
            pltpu.make_async_copy(
                emb.at[idxh_v.at[pl.ds(0, IDX_PER_SUB)]],
                rows_v.at[pl.ds(d0, IDX_PER_SUB)], sems.at[buf]).wait()
            pltpu.make_async_copy(
                bias.at[idx_v.at[pl.ds(0, IDX_PER_SUB)]],
                bias_v.at[pl.ds(d0, IDX_PER_SUB)], sems.at[buf]).wait()

    def compute(c, buf):
        rbase = buf * IDX_PER_CHUNK + lane_b
        pbase = c * IDX_PER_CHUNK + lane_b

        def per_group(g, carry):
            t, qt = carry
            dvec = lane + g * DG
            didx = [(dvec + dd) & (EMB_DIM - 1) for dd in range(DG)]
            s = [zero] * DG
            q = [zero] * DG
            for f in range(N_FIELDS):
                iv = plsc.load_gather(idx_v, [pbase + f])
                half = jnp.where(iv >= PHYS_ROWS, EMB_DIM, 0)
                ridx = rbase + f
                for dd in range(DG):
                    v = plsc.load_gather(rows_v, [ridx, didx[dd] + half])
                    s[dd] = s[dd] + v
                    q[dd] = q[dd] + v * v
            for dd in range(DG):
                t = t + s[dd] * s[dd]
                qt = qt + q[dd]
            return (t, qt)

        t, qt = lax.fori_loop(0, N_GROUPS, per_group, (zero, zero))
        bsum = zero
        for f in range(N_FIELDS):
            bsum = bsum + plsc.load_gather(bias_v,
                                           [buf * IDX_PER_CHUNK + lane_b + f])
        out_v[...] = 0.5 * (t - qt) + bsum + off_v[...]
        pltpu.sync_copy(out_v, out.at[pl.ds(wid * ROWS_PER_W + c * CB, CB)])

    fire(0, 0)

    def super_body(i, carry):
        c0 = 2 * i
        drain(0)
        fire(c0 + 1, 1)

        def h_body(h, hcarry):
            compute(c0 + h, h)

            @pl.when(h == 0)
            def _():
                drain(1)

            @pl.when((h == 0) & (i < N_CHUNKS // 2 - 1))
            def _():
                fire(c0 + 2, 0)

            return hcarry

        lax.fori_loop(0, 2, h_body, 0)
        return carry

    lax.fori_loop(0, N_CHUNKS // 2, super_body, 0)


@functools.cache
def _fm_kernel():
    return functools.partial(
        pl.kernel,
        out_type=jax.ShapeDtypeStruct((BATCH,), jnp.float32),
        mesh=plsc.VectorSubcoreMesh(core_axis_name="c", subcore_axis_name="s"),
        compiler_params=pltpu.CompilerParams(
            needs_layout_passes=False, use_tc_tiling_on_sc=True),
        scratch_types=[
            pltpu.VMEM((IDX_PER_W,), jnp.int32),
            pltpu.VMEM((IDX_PER_W,), jnp.int32),
            pltpu.VMEM((NBUF * IDX_PER_CHUNK, PHYS_DIM), jnp.float32),
            pltpu.VMEM((NBUF * IDX_PER_CHUNK,), jnp.float32),
            pltpu.VMEM((L,), jnp.float32),
            pltpu.VMEM((L,), jnp.float32),
            pltpu.SemaphoreType.DMA((NBUF,)),
        ],
    )(_fm_body)


def _tr_body(a_ref, b_ref, o_ref):
    eye = jnp.eye(EMB_DIM, dtype=jnp.float32)
    dn = (((0,), (0,)), ((), ()))
    o_ref[:, 0:EMB_DIM] = lax.dot_general(
        a_ref[...], eye, dn, preferred_element_type=jnp.float32)
    o_ref[:, EMB_DIM:PHYS_DIM] = lax.dot_general(
        b_ref[...], eye, dn, preferred_element_type=jnp.float32)


@functools.cache
def _tr_kernel():
    nb = PHYS_ROWS // TR_BLK
    return pl.pallas_call(
        _tr_body,
        grid=(nb,),
        in_specs=[
            pl.BlockSpec((EMB_DIM, TR_BLK), lambda i: (0, i)),
            pl.BlockSpec((EMB_DIM, TR_BLK), lambda i: (0, i + nb)),
        ],
        out_specs=pl.BlockSpec((TR_BLK, PHYS_DIM), lambda i: (i, 0)),
        out_shape=jax.ShapeDtypeStruct((PHYS_ROWS, PHYS_DIM), jnp.float32),
    )


def kernel(X, x_emb_weight, x_bias, offset):
    xf = X.reshape(-1).astype(jnp.int32)
    xh = jnp.where(xf >= PHYS_ROWS, xf - PHYS_ROWS, xf)
    emb_t = x_emb_weight.T
    emb2 = _tr_kernel()(emb_t, emb_t)
    off16 = jnp.broadcast_to(offset.astype(jnp.float32), (L,))
    return _fm_kernel()(xf, xh, emb2, x_bias, off16)

# --- scband reference (transcript-rebuilt; emitter-appended) ---
"""Pipeline reference for scband-fm-prod-75196287418802 (READ-ONLY COPY).

The authoritative reference and input builder live on the scoring server;
editing this copy changes nothing except your own understanding.
"""

import jax, jax.numpy as jnp
import numpy as np

NUM_FEATS = 100000
EMB_DIM = 64
BATCH = 4096
N_FIELDS = 26
INIT_STD = 0.01


def setup_inputs(seed: int = 0) -> dict:
    key = jax.random.key(seed)
    k1, k2 = jax.random.split(key)
    X = jax.random.randint(k1, (BATCH, N_FIELDS), 0, NUM_FEATS, dtype=jnp.int64) if jax.config.jax_enable_x64 else jax.random.randint(k1, (BATCH, N_FIELDS), 0, NUM_FEATS, dtype=jnp.int32)
    x_emb_weight = jax.random.normal(k2, (NUM_FEATS, EMB_DIM), dtype=jnp.float32) * INIT_STD
    x_bias = jnp.zeros((NUM_FEATS,), dtype=jnp.float32)
    offset = jnp.zeros((1,), dtype=jnp.float32)
    return {"X": X, "x_emb_weight": x_emb_weight, "x_bias": x_bias, "offset": offset}


def reference(X, x_emb_weight, x_bias, offset):
    # Embedding lookup: [B, F, d]
    x_emb = jnp.take(x_emb_weight, X, axis=0)
    num_feats = x_emb.shape[1]
    fm_out = jnp.zeros((x_emb.shape[0],), dtype=x_emb.dtype)
    # Faithful pairwise interaction loop: sum_{i > j} <e_i, e_j>
    for i_feat in range(num_feats):
        x_emb_i = x_emb[:, i_feat, :]
        for j_feat in range(i_feat):
            x_emb_j = x_emb[:, j_feat, :]
            fm_out = fm_out + (x_emb_i * x_emb_j).sum(1)
    # bias=True branch
    x_biases = jnp.take(x_bias, X, axis=0).sum(1)
    fm_out = fm_out + x_biases + offset
    return fm_out


if False:  # reference __main__ guard neutralized (emitter)
    inp = setup_inputs()
    out = reference(**inp)
    print(out.shape, out.dtype)

if __name__ == "__main__":
    import jax
    _d = setup_inputs()
    print(jax.jit(kernel)(*tuple(_d.values())))

</pallas_src>

<mosaic_0001>
#map = affine_map<(d0, d1) -> (0)>
#map1 = affine_map<(d0, d1) -> (0, 0)>
module attributes {stable_mosaic.version = 14 : i64} {
  func.func @_fm_body(%arg0: i32, %arg1: i32, %arg2: memref<106496xi32, #tpu.memory_space<hbm>>, %arg3: memref<106496xi32, #tpu.memory_space<hbm>>, %arg4: memref<50048x128xf32, #tpu.memory_space<hbm>>, %arg5: memref<100000xf32, #tpu.memory_space<hbm>>, %arg6: memref<16xf32, #tpu.memory_space<hbm>>, %arg7: memref<4096xf32, #tpu.memory_space<hbm>>, %arg8: memref<3328xi32, #tpu.memory_space<vmem>>, %arg9: memref<3328xi32, #tpu.memory_space<vmem>>, %arg10: memref<832x128xf32, #tpu.memory_space<vmem>>, %arg11: memref<832xf32, #tpu.memory_space<vmem>>, %arg12: memref<16xf32, #tpu.memory_space<vmem>>, %arg13: memref<16xf32, #tpu.memory_space<vmem>>, %arg14: memref<2x!tpu.dma_semaphore, #tpu.memory_space<semaphore_mem>>) attributes {dimension_semantics = [#tpu.dimension_semantics<core_parallel>, #tpu.dimension_semantics<subcore_parallel>], iteration_bounds = array<i64: 2, 16>, scalar_prefetch = 0 : i64, scratch_operands = 7 : i64, tpu.core_type = #tpu.core_type<sc_vector_subcore>, window_params = [{transform_indices = #map}, {transform_indices = #map}, {transform_indices = #map1}, {transform_indices = #map}, {transform_indices = #map}, {transform_indices = #map}]} {
    %mul3A = arith.constant 2 : i32
    %mul3A_0 = arith.muli %arg1, %mul3A : i32
    %add3A = arith.addi %mul3A_0, %arg0 : i32
    "tpu.region"() ({
      %run_scoped3A = tpu.sem_alloc : memref<!tpu.dma_semaphore, #tpu.memory_space<semaphore_mem>>
      tpu.enqueue_dma source(%arg6 : memref<16xf32, #tpu.memory_space<hbm>>) target(%arg13 : memref<16xf32, #tpu.memory_space<vmem>>) target_semaphore(%run_scoped3A : memref<!tpu.dma_semaphore, #tpu.memory_space<semaphore_mem>>)
      tpu.wait_dma2 semaphore(%run_scoped3A : memref<!tpu.dma_semaphore, #tpu.memory_space<semaphore_mem>>) src(%arg6 : memref<16xf32, #tpu.memory_space<hbm>>) dst(%arg13 : memref<16xf32, #tpu.memory_space<vmem>>)
      tpu.yield
    }) : () -> ()
    %mul3A_1 = arith.constant 3328 : i32
    %mul3A_2 = arith.muli %add3A, %mul3A_1 : i32
    "tpu.region"() ({
      %run_scoped3A = tpu.sem_alloc : memref<!tpu.dma_semaphore, #tpu.memory_space<semaphore_mem>>
      %dma_start3A_93 = tpu.memref_slice %arg2[%mul3A_2] : memref<106496xi32, #tpu.memory_space<hbm>> -> memref<3328xi32, #tpu.memory_space<hbm>>
      %dma_start3A_94 = tpu.memref_slice %arg2[%mul3A_2] : memref<106496xi32, #tpu.memory_space<hbm>> -> memref<3328xi32, #tpu.memory_space<hbm>>
      tpu.enqueue_dma source(%dma_start3A_94 : memref<3328xi32, #tpu.memory_space<hbm>>) target(%arg8 : memref<3328xi32, #tpu.memory_space<vmem>>) target_semaphore(%run_scoped3A : memref<!tpu.dma_semaphore, #tpu.memory_space<semaphore_mem>>)
      %dma_wait3A = tpu.memref_slice %arg2[%mul3A_2] : memref<106496xi32, #tpu.memory_space<hbm>> -> memref<3328xi32, #tpu.memory_space<hbm>>
      %dma_wait3A_95 = tpu.memref_slice %arg2[%mul3A_2] : memref<106496xi32, #tpu.memory_space<hbm>> -> memref<3328xi32, #tpu.memory_space<hbm>>
      tpu.wait_dma2 semaphore(%run_scoped3A : memref<!tpu.dma_semaphore, #tpu.memory_space<semaphore_mem>>) src(%dma_wait3A_95 : memref<3328xi32, #tpu.memory_space<hbm>>) dst(%arg8 : memref<3328xi32, #tpu.memory_space<vmem>>)
      tpu.yield
    }) : () -> ()
    %mul3A_3 = arith.constant 3328 : i32
    %mul3A_4 = arith.muli %add3A, %mul3A_3 : i32
    "tpu.region"() ({
      %run_scoped3A = tpu.sem_alloc : memref<!tpu.dma_semaphore, #tpu.memory_space<semaphore_mem>>
      %dma_start3A_93 = tpu.memref_slice %arg3[%mul3A_4] : memref<106496xi32, #tpu.memory_space<hbm>> -> memref<3328xi32, #tpu.memory_space<hbm>>
      %dma_start3A_94 = tpu.memref_slice %arg3[%mul3A_4] : memref<106496xi32, #tpu.memory_space<hbm>> -> memref<3328xi32, #tpu.memory_space<hbm>>
      tpu.enqueue_dma source(%dma_start3A_94 : memref<3328xi32, #tpu.memory_space<hbm>>) target(%arg9 : memref<3328xi32, #tpu.memory_space<vmem>>) target_semaphore(%run_scoped3A : memref<!tpu.dma_semaphore, #tpu.memory_space<semaphore_mem>>)
      %dma_wait3A = tpu.memref_slice %arg3[%mul3A_4] : memref<106496xi32, #tpu.memory_space<hbm>> -> memref<3328xi32, #tpu.memory_space<hbm>>
      %dma_wait3A_95 = tpu.memref_slice %arg3[%mul3A_4] : memref<106496xi32, #tpu.memory_space<hbm>> -> memref<3328xi32, #tpu.memory_space<hbm>>
      tpu.wait_dma2 semaphore(%run_scoped3A : memref<!tpu.dma_semaphore, #tpu.memory_space<semaphore_mem>>) src(%dma_wait3A_95 : memref<3328xi32, #tpu.memory_space<hbm>>) dst(%arg9 : memref<3328xi32, #tpu.memory_space<vmem>>)
      tpu.yield
    }) : () -> ()
    %iota3A = tpu.iota {dimensions = array<i32: 0>} : vector<16xi32>
    %mul3A_5 = arith.constant 26 : i32
    %mul3A_6 = vector.broadcast %mul3A_5 : i32 to vector<16xi32>
    %mul3A_7 = arith.muli %iota3A, %mul3A_6 : vector<16xi32>
    %broadcast_in_dim3A = arith.constant 0.000000e+00 : f32
    %broadcast_in_dim3A_8 = vector.broadcast %broadcast_in_dim3A : f32 to vector<16xf32>
    %dma_start3A = arith.constant 0 : i32
    %dma_start3A_9 = arith.constant 0 : i32
    %dma_start3A_10 = arith.constant 0 : i32
    %dma_start3A_11 = tpu.memref_slice %arg10[%dma_start3A_9, %dma_start3A_10] : memref<832x128xf32, #tpu.memory_space<vmem>> -> memref<104x128xf32, #tpu.memory_space<vmem>>
    %dma_start3A_12 = arith.constant 0 : i32
    %dma_start3A_13 = tpu.memref_slice %arg9[%dma_start3A_12] : memref<3328xi32, #tpu.memory_space<vmem>> -> memref<104xi32, #tpu.memory_space<vmem>>
    %dma_start3A_14 = arith.constant 0 : i32
    %dma_start3A_15 = arith.constant 0 : i32
    %dma_start3A_16 = tpu.memref_slice %arg4[%dma_start3A_14, %dma_start3A_15] : memref<50048x128xf32, #tpu.memory_space<hbm>> -> memref<50048x128xf32, #tpu.memory_space<hbm>>
    %dma_start3A_17 = tpu.memref_slice %arg14[%dma_start3A] : memref<2x!tpu.dma_semaphore, #tpu.memory_space<semaphore_mem>> -> memref<1x!tpu.dma_semaphore, #tpu.memory_space<semaphore_mem>>
    %dma_start3A_18 = tpu.memref_squeeze %dma_start3A_17 : memref<1x!tpu.dma_semaphore, #tpu.memory_space<semaphore_mem>> -> memref<!tpu.dma_semaphore, #tpu.memory_space<semaphore_mem>>
    tpu.enqueue_indirect_dma source(%dma_start3A_16 : memref<50048x128xf32, #tpu.memory_space<hbm>>) target(%dma_start3A_11 : memref<104x128xf32, #tpu.memory_space<vmem>>) offsets(%dma_start3A_13 : memref<104xi32, #tpu.memory_space<vmem>>) semaphore(%dma_start3A_18 : memref<!tpu.dma_semaphore, #tpu.memory_space<semaphore_mem>>)
    %dma_start3A_19 = arith.constant 0 : i32
    %dma_start3A_20 = arith.constant 0 : i32
    %dma_start3A_21 = tpu.memref_slice %arg11[%dma_start3A_20] : memref<832xf32, #tpu.memory_space<vmem>> -> memref<104xf32, #tpu.memory_space<vmem>>
    %dma_start3A_22 = arith.constant 0 : i32
    %dma_start3A_23 = tpu.memref_slice %arg8[%dma_start3A_22] : memref<3328xi32, #tpu.memory_space<vmem>> -> memref<104xi32, #tpu.memory_space<vmem>>
    %dma_start3A_24 = arith.constant 0 : i32
    %dma_start3A_25 = tpu.memref_slice %arg5[%dma_start3A_24] : memref<100000xf32, #tpu.memory_space<hbm>> -> memref<100000xf32, #tpu.memory_space<hbm>>
    %dma_start3A_26 = tpu.memref_slice %arg14[%dma_start3A_19] : memref<2x!tpu.dma_semaphore, #tpu.memory_space<semaphore_mem>> -> memref<1x!tpu.dma_semaphore, #tpu.memory_space<semaphore_mem>>
    %dma_start3A_27 = tpu.memref_squeeze %dma_start3A_26 : memref<1x!tpu.dma_semaphore, #tpu.memory_space<semaphore_mem>> -> memref<!tpu.dma_semaphore, #tpu.memory_space<semaphore_mem>>
    tpu.enqueue_indirect_dma source(%dma_start3A_25 : memref<100000xf32, #tpu.memory_space<hbm>>) target(%dma_start3A_21 : memref<104xf32, #tpu.memory_space<vmem>>) offsets(%dma_start3A_23 : memref<104xi32, #tpu.memory_space<vmem>>) semaphore(%dma_start3A_27 : memref<!tpu.dma_semaphore, #tpu.memory_space<semaphore_mem>>)
    %dma_start3A_28 = arith.constant 0 : i32
    %dma_start3A_29 = arith.constant 104 : i32
    %dma_start3A_30 = arith.constant 0 : i32
    %dma_start3A_31 = tpu.memref_slice %arg10[%dma_start3A_29, %dma_start3A_30] : memref<832x128xf32, #tpu.memory_space<vmem>> -> memref<104x128xf32, #tpu.memory_space<vmem>>
    %dma_start3A_32 = arith.constant 104 : i32
    %dma_start3A_33 = tpu.memref_slice %arg9[%dma_start3A_32] : memref<3328xi32, #tpu.memory_space<vmem>> -> memref<104xi32, #tpu.memory_space<vmem>>
    %dma_start3A_34 = arith.constant 0 : i32
    %dma_start3A_35 = arith.constant 0 : i32
    %dma_start3A_36 = tpu.memref_slice %arg4[%dma_start3A_34, %dma_start3A_35] : memref<50048x128xf32, #tpu.memory_space<hbm>> -> memref<50048x128xf32, #tpu.memory_space<hbm>>
    %dma_start3A_37 = tpu.memref_slice %arg14[%dma_start3A_28] : memref<2x!tpu.dma_semaphore, #tpu.memory_space<semaphore_mem>> -> memref<1x!tpu.dma_semaphore, #tpu.memory_space<semaphore_mem>>
    %dma_start3A_38 = tpu.memref_squeeze %dma_start3A_37 : memref<1x!tpu.dma_semaphore, #tpu.memory_space<semaphore_mem>> -> memref<!tpu.dma_semaphore, #tpu.memory_space<semaphore_mem>>
    tpu.enqueue_indirect_dma source(%dma_start3A_36 : memref<50048x128xf32, #tpu.memory_space<hbm>>) target(%dma_start3A_31 : memref<104x128xf32, #tpu.memory_space<vmem>>) offsets(%dma_start3A_33 : memref<104xi32, #tpu.memory_space<vmem>>) semaphore(%dma_start3A_38 : memref<!tpu.dma_semaphore, #tpu.memory_space<semaphore_mem>>)
    %dma_start3A_39 = arith.constant 0 : i32
    %dma_start3A_40 = arith.constant 104 : i32
    %dma_start3A_41 = tpu.memref_slice %arg11[%dma_start3A_40] : memref<832xf32, #tpu.memory_space<vmem>> -> memref<104xf32, #tpu.memory_space<vmem>>
    %dma_start3A_42 = arith.constant 104 : i32
    %dma_start3A_43 = tpu.memref_slice %arg8[%dma_start3A_42] : memref<3328xi32, #tpu.memory_space<vmem>> -> memref<104xi32, #tpu.memory_space<vmem>>
    %dma_start3A_44 = arith.constant 0 : i32
    %dma_start3A_45 = tpu.memref_slice %arg5[%dma_start3A_44] : memref<100000xf32, #tpu.memory_space<hbm>> -> memref<100000xf32, #tpu.memory_space<hbm>>
    %dma_start3A_46 = tpu.memref_slice %arg14[%dma_start3A_39] : memref<2x!tpu.dma_semaphore, #tpu.memory_space<semaphore_mem>> -> memref<1x!tpu.dma_semaphore, #tpu.memory_space<semaphore_mem>>
    %dma_start3A_47 = tpu.memref_squeeze %dma_start3A_46 : memref<1x!tpu.dma_semaphore, #tpu.memory_space<semaphore_mem>> -> memref<!tpu.dma_semaphore, #tpu.memory_space<semaphore_mem>>
    tpu.enqueue_indirect_dma source(%dma_start3A_45 : memref<100000xf32, #tpu.memory_space<hbm>>) target(%dma_start3A_41 : memref<104xf32, #tpu.memory_space<vmem>>) offsets(%dma_start3A_43 : memref<104xi32, #tpu.memory_space<vmem>>) semaphore(%dma_start3A_47 : memref<!tpu.dma_semaphore, #tpu.memory_space<semaphore_mem>>)
    %dma_start3A_48 = arith.constant 0 : i32
    %dma_start3A_49 = arith.constant 208 : i32
    %dma_start3A_50 = arith.constant 0 : i32
    %dma_start3A_51 = tpu.memref_slice %arg10[%dma_start3A_49, %dma_start3A_50] : memref<832x128xf32, #tpu.memory_space<vmem>> -> memref<104x128xf32, #tpu.memory_space<vmem>>
    %dma_start3A_52 = arith.constant 208 : i32
    %dma_start3A_53 = tpu.memref_slice %arg9[%dma_start3A_52] : memref<3328xi32, #tpu.memory_space<vmem>> -> memref<104xi32, #tpu.memory_space<vmem>>
    %dma_start3A_54 = arith.constant 0 : i32
    %dma_start3A_55 = arith.constant 0 : i32
    %dma_start3A_56 = tpu.memref_slice %arg4[%dma_start3A_54, %dma_start3A_55] : memref<50048x128xf32, #tpu.memory_space<hbm>> -> memref<50048x128xf32, #tpu.memory_space<hbm>>
    %dma_start3A_57 = tpu.memref_slice %arg14[%dma_start3A_48] : memref<2x!tpu.dma_semaphore, #tpu.memory_space<semaphore_mem>> -> memref<1x!tpu.dma_semaphore, #tpu.memory_space<semaphore_mem>>
    %dma_start3A_58 = tpu.memref_squeeze %dma_start3A_57 : memref<1x!tpu.dma_semaphore, #tpu.memory_space<semaphore_mem>> -> memref<!tpu.dma_semaphore, #tpu.memory_space<semaphore_mem>>
    tpu.enqueue_indirect_dma source(%dma_start3A_56 : memref<50048x128xf32, #tpu.memory_space<hbm>>) target(%dma_start3A_51 : memref<104x128xf32, #tpu.memory_space<vmem>>) offsets(%dma_start3A_53 : memref<104xi32, #tpu.memory_space<vmem>>) semaphore(%dma_start3A_58 : memref<!tpu.dma_semaphore, #tpu.memory_space<semaphore_mem>>)
    %dma_start3A_59 = arith.constant 0 : i32
    %dma_start3A_60 = arith.constant 208 : i32
    %dma_start3A_61 = tpu.memref_slice %arg11[%dma_start3A_60] : memref<832xf32, #tpu.memory_space<vmem>> -> memref<104xf32, #tpu.memory_space<vmem>>
    %dma_start3A_62 = arith.constant 208 : i32
    %dma_start3A_63 = tpu.memref_slice %arg8[%dma_start3A_62] : memref<3328xi32, #tpu.memory_space<vmem>> -> memref<104xi32, #tpu.memory_space<vmem>>
    %dma_start3A_64 = arith.constant 0 : i32
    %dma_start3A_65 = tpu.memref_slice %arg5[%dma_start3A_64] : memref<100000xf32, #tpu.memory_space<hbm>> -> memref<100000xf32, #tpu.memory_space<hbm>>
    %dma_start3A_66 = tpu.memref_slice %arg14[%dma_start3A_59] : memref<2x!tpu.dma_semaphore, #tpu.memory_space<semaphore_mem>> -> memref<1x!tpu.dma_semaphore, #tpu.memory_space<semaphore_mem>>
    %dma_start3A_67 = tpu.memref_squeeze %dma_start3A_66 : memref<1x!tpu.dma_semaphore, #tpu.memory_space<semaphore_mem>> -> memref<!tpu.dma_semaphore, #tpu.memory_space<semaphore_mem>>
    tpu.enqueue_indirect_dma source(%dma_start3A_65 : memref<100000xf32, #tpu.memory_space<hbm>>) target(%dma_start3A_61 : memref<104xf32, #tpu.memory_space<vmem>>) offsets(%dma_start3A_63 : memref<104xi32, #tpu.memory_space<vmem>>) semaphore(%dma_start3A_67 : memref<!tpu.dma_semaphore, #tpu.memory_space<semaphore_mem>>)
    %dma_start3A_68 = arith.constant 0 : i32
    %dma_start3A_69 = arith.constant 312 : i32
    %dma_start3A_70 = arith.constant 0 : i32
    %dma_start3A_71 = tpu.memref_slice %arg10[%dma_start3A_69, %dma_start3A_70] : memref<832x128xf32, #tpu.memory_space<vmem>> -> memref<104x128xf32, #tpu.memory_space<vmem>>
    %dma_start3A_72 = arith.constant 312 : i32
    %dma_start3A_73 = tpu.memref_slice %arg9[%dma_start3A_72] : memref<3328xi32, #tpu.memory_space<vmem>> -> memref<104xi32, #tpu.memory_space<vmem>>
    %dma_start3A_74 = arith.constant 0 : i32
    %dma_start3A_75 = arith.constant 0 : i32
    %dma_start3A_76 = tpu.memref_slice %arg4[%dma_start3A_74, %dma_start3A_75] : memref<50048x128xf32, #tpu.memory_space<hbm>> -> memref<50048x128xf32, #tpu.memory_space<hbm>>
    %dma_start3A_77 = tpu.memref_slice %arg14[%dma_start3A_68] : memref<2x!tpu.dma_semaphore, #tpu.memory_space<semaphore_mem>> -> memref<1x!tpu.dma_semaphore, #tpu.memory_space<semaphore_mem>>
    %dma_start3A_78 = tpu.memref_squeeze %dma_start3A_77 : memref<1x!tpu.dma_semaphore, #tpu.memory_space<semaphore_mem>> -> memref<!tpu.dma_semaphore, #tpu.memory_space<semaphore_mem>>
    tpu.enqueue_indirect_dma source(%dma_start3A_76 : memref<50048x128xf32, #tpu.memory_space<hbm>>) target(%dma_start3A_71 : memref<104x128xf32, #tpu.memory_space<vmem>>) offsets(%dma_start3A_73 : memref<104xi32, #tpu.memory_space<vmem>>) semaphore(%dma_start3A_78 : memref<!tpu.dma_semaphore, #tpu.memory_space<semaphore_mem>>)
    %dma_start3A_79 = arith.constant 0 : i32
    %dma_start3A_80 = arith.constant 312 : i32
    %dma_start3A_81 = tpu.memref_slice %arg11[%dma_start3A_80] : memref<832xf32, #tpu.memory_space<vmem>> -> memref<104xf32, #tpu.memory_space<vmem>>
    %dma_start3A_82 = arith.constant 312 : i32
    %dma_start3A_83 = tpu.memref_slice %arg8[%dma_start3A_82] : memref<3328xi32, #tpu.memory_space<vmem>> -> memref<104xi32, #tpu.memory_space<vmem>>
    %dma_start3A_84 = arith.constant 0 : i32
    %dma_start3A_85 = tpu.memref_slice %arg5[%dma_start3A_84] : memref<100000xf32, #tpu.memory_space<hbm>> -> memref<100000xf32, #tpu.memory_space<hbm>>
    %dma_start3A_86 = tpu.memref_slice %arg14[%dma_start3A_79] : memref<2x!tpu.dma_semaphore, #tpu.memory_space<semaphore_mem>> -> memref<1x!tpu.dma_semaphore, #tpu.memory_space<semaphore_mem>>
    %dma_start3A_87 = tpu.memref_squeeze %dma_start3A_86 : memref<1x!tpu.dma_semaphore, #tpu.memory_space<semaphore_mem>> -> memref<!tpu.dma_semaphore, #tpu.memory_space<semaphore_mem>>
    tpu.enqueue_indirect_dma source(%dma_start3A_85 : memref<100000xf32, #tpu.memory_space<hbm>>) target(%dma_start3A_81 : memref<104xf32, #tpu.memory_space<vmem>>) offsets(%dma_start3A_83 : memref<104xi32, #tpu.memory_space<vmem>>) semaphore(%dma_start3A_87 : memref<!tpu.dma_semaphore, #tpu.memory_space<semaphore_mem>>)
    %scan3A = arith.constant 0 : i32
    %scan3A_88 = arith.constant 0 : i32
    %scan3A_89 = arith.constant 4 : i32
    %scan3A_90 = arith.addi %scan3A_88, %scan3A_89 : i32
    %scan3A_91 = arith.constant 1 : i32
    scf.for %scan3A_93 = %scan3A_88 to %scan3A_90 step %scan3A_91  : i32 {
      %mul3A_94 = arith.constant 2 : i32
      %mul3A_95 = arith.muli %mul3A_94, %scan3A_93 : i32
      %dma_wait3A = arith.constant 0 : i32
      %dma_wait3A_96 = arith.constant 0 : i32
      %dma_wait3A_97 = arith.constant 0 : i32
      %dma_wait3A_98 = tpu.memref_slice %arg10[%dma_wait3A_96, %dma_wait3A_97] : memref<832x128xf32, #tpu.memory_space<vmem>> -> memref<104x128xf32, #tpu.memory_space<vmem>>
      %dma_wait3A_99 = arith.constant 0 : i32
      %dma_wait3A_100 = tpu.memref_slice %arg9[%dma_wait3A_99] : memref<3328xi32, #tpu.memory_space<vmem>> -> memref<104xi32, #tpu.memory_space<vmem>>
      %dma_wait3A_101 = arith.constant 0 : i32
      %dma_wait3A_102 = arith.constant 0 : i32
      %dma_wait3A_103 = tpu.memref_slice %arg4[%dma_wait3A_101, %dma_wait3A_102] : memref<50048x128xf32, #tpu.memory_space<hbm>> -> memref<50048x128xf32, #tpu.memory_space<hbm>>
      %dma_wait3A_104 = tpu.memref_slice %arg14[%dma_wait3A] : memref<2x!tpu.dma_semaphore, #tpu.memory_space<semaphore_mem>> -> memref<1x!tpu.dma_semaphore, #tpu.memory_space<semaphore_mem>>
      %dma_wait3A_105 = tpu.memref_squeeze %dma_wait3A_104 : memref<1x!tpu.dma_semaphore, #tpu.memory_space<semaphore_mem>> -> memref<!tpu.dma_semaphore, #tpu.memory_space<semaphore_mem>>
      tpu.wait_indirect_dma semaphore(%dma_wait3A_105 : memref<!tpu.dma_semaphore, #tpu.memory_space<semaphore_mem>>) src(%dma_wait3A_103 : memref<50048x128xf32, #tpu.memory_space<hbm>>) dst(%dma_wait3A_98 : memref<104x128xf32, #tpu.memory_space<vmem>>)
      %dma_wait3A_106 = arith.constant 0 : i32
      %dma_wait3A_107 = arith.constant 0 : i32
      %dma_wait3A_108 = tpu.memref_slice %arg11[%dma_wait3A_107] : memref<832xf32, #tpu.memory_space<vmem>> -> memref<104xf32, #tpu.memory_space<vmem>>
      %dma_wait3A_109 = arith.constant 0 : i32
      %dma_wait3A_110 = tpu.memref_slice %arg8[%dma_wait3A_109] : memref<3328xi32, #tpu.memory_space<vmem>> -> memref<104xi32, #tpu.memory_space<vmem>>
      %dma_wait3A_111 = arith.constant 0 : i32
      %dma_wait3A_112 = tpu.memref_slice %arg5[%dma_wait3A_111] : memref<100000xf32, #tpu.memory_space<hbm>> -> memref<100000xf32, #tpu.memory_space<hbm>>
      %dma_wait3A_113 = tpu.memref_slice %arg14[%dma_wait3A_106] : memref<2x!tpu.dma_semaphore, #tpu.memory_space<semaphore_mem>> -> memref<1x!tpu.dma_semaphore, #tpu.memory_space<semaphore_mem>>
      %dma_wait3A_114 = tpu.memref_squeeze %dma_wait3A_113 : memref<1x!tpu.dma_semaphore, #tpu.memory_space<semaphore_mem>> -> memref<!tpu.dma_semaphore, #tpu.memory_space<semaphore_mem>>
      tpu.wait_indirect_dma semaphore(%dma_wait3A_114 : memref<!tpu.dma_semaphore, #tpu.memory_space<semaphore_mem>>) src(%dma_wait3A_112 : memref<100000xf32, #tpu.memory_space<hbm>>) dst(%dma_wait3A_108 : memref<104xf32, #tpu.memory_space<vmem>>)
      %dma_wait3A_115 = arith.constant 0 : i32
      %dma_wait3A_116 = arith.constant 104 : i32
      %dma_wait3A_117 = arith.constant 0 : i32
      %dma_wait3A_118 = tpu.memref_slice %arg10[%dma_wait3A_116, %dma_wait3A_117] : memref<832x128xf32, #tpu.memory_space<vmem>> -> memref<104x128xf32, #tpu.memory_space<vmem>>
      %dma_wait3A_119 = arith.constant 0 : i32
      %dma_wait3A_120 = tpu.memref_slice %arg9[%dma_wait3A_119] : memref<3328xi32, #tpu.memory_space<vmem>> -> memref<104xi32, #tpu.memory_space<vmem>>
      %dma_wait3A_121 = arith.constant 0 : i32
      %dma_wait3A_122 = arith.constant 0 : i32
      %dma_wait3A_123 = tpu.memref_slice %arg4[%dma_wait3A_121, %dma_wait3A_122] : memref<50048x128xf32, #tpu.memory_space<hbm>> -> memref<50048x128xf32, #tpu.memory_space<hbm>>
      %dma_wait3A_124 = tpu.memref_slice %arg14[%dma_wait3A_115] : memref<2x!tpu.dma_semaphore, #tpu.memory_space<semaphore_mem>> -> memref<1x!tpu.dma_semaphore, #tpu.memory_space<semaphore_mem>>
      %dma_wait3A_125 = tpu.memref_squeeze %dma_wait3A_124 : memref<1x!tpu.dma_semaphore, #tpu.memory_space<semaphore_mem>> -> memref<!tpu.dma_semaphore, #tpu.memory_space<semaphore_mem>>
      tpu.wait_indirect_dma semaphore(%dma_wait3A_125 : memref<!tpu.dma_semaphore, #tpu.memory_space<semaphore_mem>>) src(%dma_wait3A_123 : memref<50048x128xf32, #tpu.memory_space<hbm>>) dst(%dma_wait3A_118 : memref<104x128xf32, #tpu.memory_space<vmem>>)
      %dma_wait3A_126 = arith.constant 0 : i32
      %dma_wait3A_127 = arith.constant 104 : i32
      %dma_wait3A_128 = tpu.memref_slice %arg11[%dma_wait3A_127] : memref<832xf32, #tpu.memory_space<vmem>> -> memref<104xf32, #tpu.memory_space<vmem>>
      %dma_wait3A_129 = arith.constant 0 : i32
      %dma_wait3A_130 = tpu.memref_slice %arg8[%dma_wait3A_129] : memref<3328xi32, #tpu.memory_space<vmem>> -> memref<104xi32, #tpu.memory_space<vmem>>
      %dma_wait3A_131 = arith.constant 0 : i32
      %dma_wait3A_132 = tpu.memref_slice %arg5[%dma_wait3A_131] : memref<100000xf32, #tpu.memory_space<hbm>> -> memref<100000xf32, #tpu.memory_space<hbm>>
      %dma_wait3A_133 = tpu.memref_slice %arg14[%dma_wait3A_126] : memref<2x!tpu.dma_semaphore, #tpu.memory_space<semaphore_mem>> -> memref<1x!tpu.dma_semaphore, #tpu.memory_space<semaphore_mem>>
      %dma_wait3A_134 = tpu.memref_squeeze %dma_wait3A_133 : memref<1x!tpu.dma_semaphore, #tpu.memory_space<semaphore_mem>> -> memref<!tpu.dma_semaphore, #tpu.memory_space<semaphore_mem>>
      tpu.wait_indirect_dma semaphore(%dma_wait3A_134 : memref<!tpu.dma_semaphore, #tpu.memory_space<semaphore_mem>>) src(%dma_wait3A_132 : memref<100000xf32, #tpu.memory_space<hbm>>) dst(%dma_wait3A_128 : memref<104xf32, #tpu.memory_space<vmem>>)
      %dma_wait3A_135 = arith.constant 0 : i32
      %dma_wait3A_136 = arith.constant 208 : i32
      %dma_wait3A_137 = arith.constant 0 : i32
      %dma_wait3A_138 = tpu.memref_slice %arg10[%dma_wait3A_136, %dma_wait3A_137] : memref<832x128xf32, #tpu.memory_space<vmem>> -> memref<104x128xf32, #tpu.memory_space<vmem>>
      %dma_wait3A_139 = arith.constant 0 : i32
      %dma_wait3A_140 = tpu.memref_slice %arg9[%dma_wait3A_139] : memref<3328xi32, #tpu.memory_space<vmem>> -> memref<104xi32, #tpu.memory_space<vmem>>
      %dma_wait3A_141 = arith.constant 0 : i32
      %dma_wait3A_142 = arith.constant 0 : i32
      %dma_wait3A_143 = tpu.memref_slice %arg4[%dma_wait3A_141, %dma_wait3A_142] : memref<50048x128xf32, #tpu.memory_space<hbm>> -> memref<50048x128xf32, #tpu.memory_space<hbm>>
      %dma_wait3A_144 = tpu.memref_slice %arg14[%dma_wait3A_135] : memref<2x!tpu.dma_semaphore, #tpu.memory_space<semaphore_mem>> -> memref<1x!tpu.dma_semaphore, #tpu.memory_space<semaphore_mem>>
      %dma_wait3A_145 = tpu.memref_squeeze %dma_wait3A_144 : memref<1x!tpu.dma_semaphore, #tpu.memory_space<semaphore_mem>> -> memref<!tpu.dma_semaphore, #tpu.memory_space<semaphore_mem>>
      tpu.wait_indirect_dma semaphore(%dma_wait3A_145 : memref<!tpu.dma_semaphore, #tpu.memory_space<semaphore_mem>>) src(%dma_wait3A_143 : memref<50048x128xf32, #tpu.memory_space<hbm>>) dst(%dma_wait3A_138 : memref<104x128xf32, #tpu.memory_space<vmem>>)
      %dma_wait3A_146 = arith.constant 0 : i32
      %dma_wait3A_147 = arith.constant 208 : i32
      %dma_wait3A_148 = tpu.memref_slice %arg11[%dma_wait3A_147] : memref<832xf32, #tpu.memory_space<vmem>> -> memref<104xf32, #tpu.memory_space<vmem>>
      %dma_wait3A_149 = arith.constant 0 : i32
      %dma_wait3A_150 = tpu.memref_slice %arg8[%dma_wait3A_149] : memref<3328xi32, #tpu.memory_space<vmem>> -> memref<104xi32, #tpu.memory_space<vmem>>
      %dma_wait3A_151 = arith.constant 0 : i32
      %dma_wait3A_152 = tpu.memref_slice %arg5[%dma_wait3A_151] : memref<100000xf32, #tpu.memory_space<hbm>> -> memref<100000xf32, #tpu.memory_space<hbm>>
      %dma_wait3A_153 = tpu.memref_slice %arg14[%dma_wait3A_146] : memref<2x!tpu.dma_semaphore, #tpu.memory_space<semaphore_mem>> -> memref<1x!tpu.dma_semaphore, #tpu.memory_space<semaphore_mem>>
      %dma_wait3A_154 = tpu.memref_squeeze %dma_wait3A_153 : memref<1x!tpu.dma_semaphore, #tpu.memory_space<semaphore_mem>> -> memref<!tpu.dma_semaphore, #tpu.memory_space<semaphore_mem>>
      tpu.wait_indirect_dma semaphore(%dma_wait3A_154 : memref<!tpu.dma_semaphore, #tpu.memory_space<semaphore_mem>>) src(%dma_wait3A_152 : memref<100000xf32, #tpu.memory_space<hbm>>) dst(%dma_wait3A_148 : memref<104xf32, #tpu.memory_space<vmem>>)
      %dma_wait3A_155 = arith.constant 0 : i32
      %dma_wait3A_156 = arith.constant 312 : i32
      %dma_wait3A_157 = arith.constant 0 : i32
      %dma_wait3A_158 = tpu.memref_slice %arg10[%dma_wait3A_156, %dma_wait3A_157] : memref<832x128xf32, #tpu.memory_space<vmem>> -> memref<104x128xf32, #tpu.memory_space<vmem>>
      %dma_wait3A_159 = arith.constant 0 : i32
      %dma_wait3A_160 = tpu.memref_slice %arg9[%dma_wait3A_159] : memref<3328xi32, #tpu.memory_space<vmem>> -> memref<104xi32, #tpu.memory_space<vmem>>
      %dma_wait3A_161 = arith.constant 0 : i32
      %dma_wait3A_162 = arith.constant 0 : i32
      %dma_wait3A_163 = tpu.memref_slice %arg4[%dma_wait3A_161, %dma_wait3A_162] : memref<50048x128xf32, #tpu.memory_space<hbm>> -> memref<50048x128xf32, #tpu.memory_space<hbm>>
      %dma_wait3A_164 = tpu.memref_slice %arg14[%dma_wait3A_155] : memref<2x!tpu.dma_semaphore, #tpu.memory_space<semaphore_mem>> -> memref<1x!tpu.dma_semaphore, #tpu.memory_space<semaphore_mem>>
      %dma_wait3A_165 = tpu.memref_squeeze %dma_wait3A_164 : memref<1x!tpu.dma_semaphore, #tpu.memory_space<semaphore_mem>> -> memref<!tpu.dma_semaphore, #tpu.memory_space<semaphore_mem>>
      tpu.wait_indirect_dma semaphore(%dma_wait3A_165 : memref<!tpu.dma_semaphore, #tpu.memory_space<semaphore_mem>>) src(%dma_wait3A_163 : memref<50048x128xf32, #tpu.memory_space<hbm>>) dst(%dma_wait3A_158 : memref<104x128xf32, #tpu.memory_space<vmem>>)
      %dma_wait3A_166 = arith.constant 0 : i32
      %dma_wait3A_167 = arith.constant 312 : i32
      %dma_wait3A_168 = tpu.memref_slice %arg11[%dma_wait3A_167] : memref<832xf32, #tpu.memory_space<vmem>> -> memref<104xf32, #tpu.memory_space<vmem>>
      %dma_wait3A_169 = arith.constant 0 : i32
      %dma_wait3A_170 = tpu.memref_slice %arg8[%dma_wait3A_169] : memref<3328xi32, #tpu.memory_space<vmem>> -> memref<104xi32, #tpu.memory_space<vmem>>
      %dma_wait3A_171 = arith.constant 0 : i32
      %dma_wait3A_172 = tpu.memref_slice %arg5[%dma_wait3A_171] : memref<100000xf32, #tpu.memory_space<hbm>> -> memref<100000xf32, #tpu.memory_space<hbm>>
      %dma_wait3A_173 = tpu.memref_slice %arg14[%dma_wait3A_166] : memref<2x!tpu.dma_semaphore, #tpu.memory_space<semaphore_mem>> -> memref<1x!tpu.dma_semaphore, #tpu.memory_space<semaphore_mem>>
      %dma_wait3A_174 = tpu.memref_squeeze %dma_wait3A_173 : memref<1x!tpu.dma_semaphore, #tpu.memory_space<semaphore_mem>> -> memref<!tpu.dma_semaphore, #tpu.memory_space<semaphore_mem>>
      tpu.wait_indirect_dma semaphore(%dma_wait3A_174 : memref<!tpu.dma_semaphore, #tpu.memory_space<semaphore_mem>>) src(%dma_wait3A_172 : memref<100000xf32, #tpu.memory_space<hbm>>) dst(%dma_wait3A_168 : memref<104xf32, #tpu.memory_space<vmem>>)
      %add3A_175 = arith.constant 1 : i32
      %add3A_176 = arith.addi %mul3A_95, %add3A_175 : i32
      %mul3A_177 = arith.constant 416 : i32
      %mul3A_178 = arith.muli %add3A_176, %mul3A_177 : i32
      %add3A_179 = arith.constant 0 : i32
      %add3A_180 = arith.addi %mul3A_178, %add3A_179 : i32
      %dma_start3A_181 = arith.constant 1 : i32
      %dma_start3A_182 = arith.constant 416 : i32
      %dma_start3A_183 = arith.constant 0 : i32
      %dma_start3A_184 = tpu.memref_slice %arg10[%dma_start3A_182, %dma_start3A_183] : memref<832x128xf32, #tpu.memory_space<vmem>> -> memref<104x128xf32, #tpu.memory_space<vmem>>
      %dma_start3A_185 = tpu.memref_slice %arg9[%add3A_180] : memref<3328xi32, #tpu.memory_space<vmem>> -> memref<104xi32, #tpu.memory_space<vmem>>
      %dma_start3A_186 = arith.constant 0 : i32
      %dma_start3A_187 = arith.constant 0 : i32
      %dma_start3A_188 = tpu.memref_slice %arg4[%dma_start3A_186, %dma_start3A_187] : memref<50048x128xf32, #tpu.memory_space<hbm>> -> memref<50048x128xf32, #tpu.memory_space<hbm>>
      %dma_start3A_189 = tpu.memref_slice %arg14[%dma_start3A_181] : memref<2x!tpu.dma_semaphore, #tpu.memory_space<semaphore_mem>> -> memref<1x!tpu.dma_semaphore, #tpu.memory_space<semaphore_mem>>
      %dma_start3A_190 = tpu.memref_squeeze %dma_start3A_189 : memref<1x!tpu.dma_semaphore, #tpu.memory_space<semaphore_mem>> -> memref<!tpu.dma_semaphore, #tpu.memory_space<semaphore_mem>>
      tpu.enqueue_indirect_dma source(%dma_start3A_188 : memref<50048x128xf32, #tpu.memory_space<hbm>>) target(%dma_start3A_184 : memref<104x128xf32, #tpu.memory_space<vmem>>) offsets(%dma_start3A_185 : memref<104xi32, #tpu.memory_space<vmem>>) semaphore(%dma_start3A_190 : memref<!tpu.dma_semaphore, #tpu.memory_space<semaphore_mem>>)
      %dma_start3A_191 = arith.constant 1 : i32
      %dma_start3A_192 = arith.constant 416 : i32
      %dma_start3A_193 = tpu.memref_slice %arg11[%dma_start3A_192] : memref<832xf32, #tpu.memory_space<vmem>> -> memref<104xf32, #tpu.memory_space<vmem>>
      %dma_start3A_194 = tpu.memref_slice %arg8[%add3A_180] : memref<3328xi32, #tpu.memory_space<vmem>> -> memref<104xi32, #tpu.memory_space<vmem>>
      %dma_start3A_195 = arith.constant 0 : i32
      %dma_start3A_196 = tpu.memref_slice %arg5[%dma_start3A_195] : memref<100000xf32, #tpu.memory_space<hbm>> -> memref<100000xf32, #tpu.memory_space<hbm>>
      %dma_start3A_197 = tpu.memref_slice %arg14[%dma_start3A_191] : memref<2x!tpu.dma_semaphore, #tpu.memory_space<semaphore_mem>> -> memref<1x!tpu.dma_semaphore, #tpu.memory_space<semaphore_mem>>
      %dma_start3A_198 = tpu.memref_squeeze %dma_start3A_197 : memref<1x!tpu.dma_semaphore, #tpu.memory_space<semaphore_mem>> -> memref<!tpu.dma_semaphore, #tpu.memory_space<semaphore_mem>>
      tpu.enqueue_indirect_dma source(%dma_start3A_196 : memref<100000xf32, #tpu.memory_space<hbm>>) target(%dma_start3A_193 : memref<104xf32, #tpu.memory_space<vmem>>) offsets(%dma_start3A_194 : memref<104xi32, #tpu.memory_space<vmem>>) semaphore(%dma_start3A_198 : memref<!tpu.dma_semaphore, #tpu.memory_space<semaphore_mem>>)
      %mul3A_199 = arith.constant 416 : i32
      %mul3A_200 = arith.muli %add3A_176, %mul3A_199 : i32
      %add3A_201 = arith.constant 104 : i32
      %add3A_202 = arith.addi %mul3A_200, %add3A_201 : i32
      %dma_start3A_203 = arith.constant 1 : i32
      %dma_start3A_204 = arith.constant 520 : i32
      %dma_start3A_205 = arith.constant 0 : i32
      %dma_start3A_206 = tpu.memref_slice %arg10[%dma_start3A_204, %dma_start3A_205] : memref<832x128xf32, #tpu.memory_space<vmem>> -> memref<104x128xf32, #tpu.memory_space<vmem>>
      %dma_start3A_207 = tpu.memref_slice %arg9[%add3A_202] : memref<3328xi32, #tpu.memory_space<vmem>> -> memref<104xi32, #tpu.memory_space<vmem>>
      %dma_start3A_208 = arith.constant 0 : i32
      %dma_start3A_209 = arith.constant 0 : i32
      %dma_start3A_210 = tpu.memref_slice %arg4[%dma_start3A_208, %dma_start3A_209] : memref<50048x128xf32, #tpu.memory_space<hbm>> -> memref<50048x128xf32, #tpu.memory_space<hbm>>
      %dma_start3A_211 = tpu.memref_slice %arg14[%dma_start3A_203] : memref<2x!tpu.dma_semaphore, #tpu.memory_space<semaphore_mem>> -> memref<1x!tpu.dma_semaphore, #tpu.memory_space<semaphore_mem>>
      %dma_start3A_212 = tpu.memref_squeeze %dma_start3A_211 : memref<1x!tpu.dma_semaphore, #tpu.memory_space<semaphore_mem>> -> memref<!tpu.dma_semaphore, #tpu.memory_space<semaphore_mem>>
      tpu.enqueue_indirect_dma source(%dma_start3A_210 : memref<50048x128xf32, #tpu.memory_space<hbm>>) target(%dma_start3A_206 : memref<104x128xf32, #tpu.memory_space<vmem>>) offsets(%dma_start3A_207 : memref<104xi32, #tpu.memory_space<vmem>>) semaphore(%dma_start3A_212 : memref<!tpu.dma_semaphore, #tpu.memory_space<semaphore_mem>>)
      %dma_start3A_213 = arith.constant 1 : i32
      %dma_start3A_214 = arith.constant 520 : i32
      %dma_start3A_215 = tpu.memref_slice %arg11[%dma_start3A_214] : memref<832xf32, #tpu.memory_space<vmem>> -> memref<104xf32, #tpu.memory_space<vmem>>
      %dma_start3A_216 = tpu.memref_slice %arg8[%add3A_202] : memref<3328xi32, #tpu.memory_space<vmem>> -> memref<104xi32, #tpu.memory_space<vmem>>
      %dma_start3A_217 = arith.constant 0 : i32
      %dma_start3A_218 = tpu.memref_slice %arg5[%dma_start3A_217] : memref<100000xf32, #tpu.memory_space<hbm>> -> memref<100000xf32, #tpu.memory_space<hbm>>
      %dma_start3A_219 = tpu.memref_slice %arg14[%dma_start3A_213] : memref<2x!tpu.dma_semaphore, #tpu.memory_space<semaphore_mem>> -> memref<1x!tpu.dma_semaphore, #tpu.memory_space<semaphore_mem>>
      %dma_start3A_220 = tpu.memref_squeeze %dma_start3A_219 : memref<1x!tpu.dma_semaphore, #tpu.memory_space<semaphore_mem>> -> memref<!tpu.dma_semaphore, #tpu.memory_space<semaphore_mem>>
      tpu.enqueue_indirect_dma source(%dma_start3A_218 : memref<100000xf32, #tpu.memory_space<hbm>>) target(%dma_start3A_215 : memref<104xf32, #tpu.memory_space<vmem>>) offsets(%dma_start3A_216 : memref<104xi32, #tpu.memory_space<vmem>>) semaphore(%dma_start3A_220 : memref<!tpu.dma_semaphore, #tpu.memory_space<semaphore_mem>>)
      %mul3A_221 = arith.constant 416 : i32
      %mul3A_222 = arith.muli %add3A_176, %mul3A_221 : i32
      %add3A_223 = arith.constant 208 : i32
      %add3A_224 = arith.addi %mul3A_222, %add3A_223 : i32
      %dma_start3A_225 = arith.constant 1 : i32
      %dma_start3A_226 = arith.constant 624 : i32
      %dma_start3A_227 = arith.constant 0 : i32
      %dma_start3A_228 = tpu.memref_slice %arg10[%dma_start3A_226, %dma_start3A_227] : memref<832x128xf32, #tpu.memory_space<vmem>> -> memref<104x128xf32, #tpu.memory_space<vmem>>
      %dma_start3A_229 = tpu.memref_slice %arg9[%add3A_224] : memref<3328xi32, #tpu.memory_space<vmem>> -> memref<104xi32, #tpu.memory_space<vmem>>
      %dma_start3A_230 = arith.constant 0 : i32
      %dma_start3A_231 = arith.constant 0 : i32
      %dma_start3A_232 = tpu.memref_slice %arg4[%dma_start3A_230, %dma_start3A_231] : memref<50048x128xf32, #tpu.memory_space<hbm>> -> memref<50048x128xf32, #tpu.memory_space<hbm>>
      %dma_start3A_233 = tpu.memref_slice %arg14[%dma_start3A_225] : memref<2x!tpu.dma_semaphore, #tpu.memory_space<semaphore_mem>> -> memref<1x!tpu.dma_semaphore, #tpu.memory_space<semaphore_mem>>
      %dma_start3A_234 = tpu.memref_squeeze %dma_start3A_233 : memref<1x!tpu.dma_semaphore, #tpu.memory_space<semaphore_mem>> -> memref<!tpu.dma_semaphore, #tpu.memory_space<semaphore_mem>>
      tpu.enqueue_indirect_dma source(%dma_start3A_232 : memref<50048x128xf32, #tpu.memory_space<hbm>>) target(%dma_start3A_228 : memref<104x128xf32, #tpu.memory_space<vmem>>) offsets(%dma_start3A_229 : memref<104xi32, #tpu.memory_space<vmem>>) semaphore(%dma_start3A_234 : memref<!tpu.dma_semaphore, #tpu.memory_space<semaphore_mem>>)
      %dma_start3A_235 = arith.constant 1 : i32
      %dma_start3A_236 = arith.constant 624 : i32
      %dma_start3A_237 = tpu.memref_slice %arg11[%dma_start3A_236] : memref<832xf32, #tpu.memory_space<vmem>> -> memref<104xf32, #tpu.memory_space<vmem>>
      %dma_start3A_238 = tpu.memref_slice %arg8[%add3A_224] : memref<3328xi32, #tpu.memory_space<vmem>> -> memref<104xi32, #tpu.memory_space<vmem>>
      %dma_start3A_239 = arith.constant 0 : i32
      %dma_start3A_240 = tpu.memref_slice %arg5[%dma_start3A_239] : memref<100000xf32, #tpu.memory_space<hbm>> -> memref<100000xf32, #tpu.memory_space<hbm>>
      %dma_start3A_241 = tpu.memref_slice %arg14[%dma_start3A_235] : memref<2x!tpu.dma_semaphore, #tpu.memory_space<semaphore_mem>> -> memref<1x!tpu.dma_semaphore, #tpu.memory_space<semaphore_mem>>
      %dma_start3A_242 = tpu.memref_squeeze %dma_start3A_241 : memref<1x!tpu.dma_semaphore, #tpu.memory_space<semaphore_mem>> -> memref<!tpu.dma_semaphore, #tpu.memory_space<semaphore_mem>>
      tpu.enqueue_indirect_dma source(%dma_start3A_240 : memref<100000xf32, #tpu.memory_space<hbm>>) target(%dma_start3A_237 : memref<104xf32, #tpu.memory_space<vmem>>) offsets(%dma_start3A_238 : memref<104xi32, #tpu.memory_space<vmem>>) semaphore(%dma_start3A_242 : memref<!tpu.dma_semaphore, #tpu.memory_space<semaphore_mem>>)
      %mul3A_243 = arith.constant 416 : i32
      %mul3A_244 = arith.muli %add3A_176, %mul3A_243 : i32
      %add3A_245 = arith.constant 312 : i32
      %add3A_246 = arith.addi %mul3A_244, %add3A_245 : i32
      %dma_start3A_247 = arith.constant 1 : i32
      %dma_start3A_248 = arith.constant 728 : i32
      %dma_start3A_249 = arith.constant 0 : i32
      %dma_start3A_250 = tpu.memref_slice %arg10[%dma_start3A_248, %dma_start3A_249] : memref<832x128xf32, #tpu.memory_space<vmem>> -> memref<104x128xf32, #tpu.memory_space<vmem>>
      %dma_start3A_251 = tpu.memref_slice %arg9[%add3A_246] : memref<3328xi32, #tpu.memory_space<vmem>> -> memref<104xi32, #tpu.memory_space<vmem>>
      %dma_start3A_252 = arith.constant 0 : i32
      %dma_start3A_253 = arith.constant 0 : i32
      %dma_start3A_254 = tpu.memref_slice %arg4[%dma_start3A_252, %dma_start3A_253] : memref<50048x128xf32, #tpu.memory_space<hbm>> -> memref<50048x128xf32, #tpu.memory_space<hbm>>
      %dma_start3A_255 = tpu.memref_slice %arg14[%dma_start3A_247] : memref<2x!tpu.dma_semaphore, #tpu.memory_space<semaphore_mem>> -> memref<1x!tpu.dma_semaphore, #tpu.memory_space<semaphore_mem>>
      %dma_start3A_256 = tpu.memref_squeeze %dma_start3A_255 : memref<1x!tpu.dma_semaphore, #tpu.memory_space<semaphore_mem>> -> memref<!tpu.dma_semaphore, #tpu.memory_space<semaphore_mem>>
      tpu.enqueue_indirect_dma source(%dma_start3A_254 : memref<50048x128xf32, #tpu.memory_space<hbm>>) target(%dma_start3A_250 : memref<104x128xf32, #tpu.memory_space<vmem>>) offsets(%dma_start3A_251 : memref<104xi32, #tpu.memory_space<vmem>>) semaphore(%dma_start3A_256 : memref<!tpu.dma_semaphore, #tpu.memory_space<semaphore_mem>>)
      %dma_start3A_257 = arith.constant 1 : i32
      %dma_start3A_258 = arith.constant 728 : i32
      %dma_start3A_259 = tpu.memref_slice %arg11[%dma_start3A_258] : memref<832xf32, #tpu.memory_space<vmem>> -> memref<104xf32, #tpu.memory_space<vmem>>
      %dma_start3A_260 = tpu.memref_slice %arg8[%add3A_246] : memref<3328xi32, #tpu.memory_space<vmem>> -> memref<104xi32, #tpu.memory_space<vmem>>
      %dma_start3A_261 = arith.constant 0 : i32
      %dma_start3A_262 = tpu.memref_slice %arg5[%dma_start3A_261] : memref<100000xf32, #tpu.memory_space<hbm>> -> memref<100000xf32, #tpu.memory_space<hbm>>
      %dma_start3A_263 = tpu.memref_slice %arg14[%dma_start3A_257] : memref<2x!tpu.dma_semaphore, #tpu.memory_space<semaphore_mem>> -> memref<1x!tpu.dma_semaphore, #tpu.memory_space<semaphore_mem>>
      %dma_start3A_264 = tpu.memref_squeeze %dma_start3A_263 : memref<1x!tpu.dma_semaphore, #tpu.memory_space<semaphore_mem>> -> memref<!tpu.dma_semaphore, #tpu.memory_space<semaphore_mem>>
      tpu.enqueue_indirect_dma source(%dma_start3A_262 : memref<100000xf32, #tpu.memory_space<hbm>>) target(%dma_start3A_259 : memref<104xf32, #tpu.memory_space<vmem>>) offsets(%dma_start3A_260 : memref<104xi32, #tpu.memory_space<vmem>>) semaphore(%dma_start3A_264 : memref<!tpu.dma_semaphore, #tpu.memory_space<semaphore_mem>>)
      %scan3A_265 = arith.constant 0 : i32
      %scan3A_266 = arith.constant 0 : i32
      %scan3A_267 = arith.constant 2 : i32
      %scan3A_268 = arith.addi %scan3A_266, %scan3A_267 : i32
      %scan3A_269 = arith.constant 1 : i32
      scf.for %scan3A_271 = %scan3A_266 to %scan3A_268 step %scan3A_269  : i32 {
        %add3A_272 = arith.addi %mul3A_95, %scan3A_271 : i32
        %mul3A_273 = arith.constant 416 : i32
        %mul3A_274 = arith.muli %scan3A_271, %mul3A_273 : i32
        %add3A_275 = vector.broadcast %mul3A_274 : i32 to vector<16xi32>
        %add3A_276 = arith.addi %add3A_275, %mul3A_7 : vector<16xi32>
        %mul3A_277 = arith.constant 416 : i32
        %mul3A_278 = arith.muli %add3A_272, %mul3A_277 : i32
        %add3A_279 = vector.broadcast %mul3A_278 : i32 to vector<16xi32>
        %add3A_280 = arith.addi %add3A_279, %mul3A_7 : vector<16xi32>
        %scan3A_281 = arith.constant 0 : i32
        %scan3A_282 = arith.constant 8 : i32
        %scan3A_283 = arith.addi %scan3A_281, %scan3A_282 : i32
        %scan3A_284 = arith.constant 1 : i32
        %scan3A_285:2 = scf.for %scan3A_540 = %scan3A_281 to %scan3A_283 step %scan3A_284 iter_args(%scan3A_541 = %broadcast_in_dim3A_8, %scan3A_542 = %broadcast_in_dim3A_8) -> (vector<16xf32>, vector<16xf32>)  : i32 {
          %mul3A_543 = arith.constant 8 : i32
          %mul3A_544 = arith.muli %scan3A_540, %mul3A_543 : i32
          %add3A_545 = vector.broadcast %mul3A_544 : i32 to vector<16xi32>
          %add3A_546 = arith.addi %iota3A, %add3A_545 : vector<16xi32>
          %add3A_547 = arith.constant 0 : i32
          %add3A_548 = vector.broadcast %add3A_547 : i32 to vector<16xi32>
          %add3A_549 = arith.addi %add3A_546, %add3A_548 : vector<16xi32>
          %and3A_550 = arith.constant 63 : i32
          %and3A_551 = vector.broadcast %and3A_550 : i32 to vector<16xi32>
          %and3A_552 = arith.andi %add3A_549, %and3A_551 : vector<16xi32>
          %add3A_553 = arith.constant 1 : i32
          %add3A_554 = vector.broadcast %add3A_553 : i32 to vector<16xi32>
          %add3A_555 = arith.addi %add3A_546, %add3A_554 : vector<16xi32>
          %and3A_556 = arith.constant 63 : i32
          %and3A_557 = vector.broadcast %and3A_556 : i32 to vector<16xi32>
          %and3A_558 = arith.andi %add3A_555, %and3A_557 : vector<16xi32>
          %add3A_559 = arith.constant 2 : i32
          %add3A_560 = vector.broadcast %add3A_559 : i32 to vector<16xi32>
          %add3A_561 = arith.addi %add3A_546, %add3A_560 : vector<16xi32>
          %and3A_562 = arith.constant 63 : i32
          %and3A_563 = vector.broadcast %and3A_562 : i32 to vector<16xi32>
          %and3A_564 = arith.andi %add3A_561, %and3A_563 : vector<16xi32>
          %add3A_565 = arith.constant 3 : i32
          %add3A_566 = vector.broadcast %add3A_565 : i32 to vector<16xi32>
          %add3A_567 = arith.addi %add3A_546, %add3A_566 : vector<16xi32>
          %and3A_568 = arith.constant 63 : i32
          %and3A_569 = vector.broadcast %and3A_568 : i32 to vector<16xi32>
          %and3A_570 = arith.andi %add3A_567, %and3A_569 : vector<16xi32>
          %add3A_571 = arith.constant 4 : i32
          %add3A_572 = vector.broadcast %add3A_571 : i32 to vector<16xi32>
          %add3A_573 = arith.addi %add3A_546, %add3A_572 : vector<16xi32>
          %and3A_574 = arith.constant 63 : i32
          %and3A_575 = vector.broadcast %and3A_574 : i32 to vector<16xi32>
          %and3A_576 = arith.andi %add3A_573, %and3A_575 : vector<16xi32>
          %add3A_577 = arith.constant 5 : i32
          %add3A_578 = vector.broadcast %add3A_577 : i32 to vector<16xi32>
          %add3A_579 = arith.addi %add3A_546, %add3A_578 : vector<16xi32>
          %and3A_580 = arith.constant 63 : i32
          %and3A_581 = vector.broadcast %and3A_580 : i32 to vector<16xi32>
          %and3A_582 = arith.andi %add3A_579, %and3A_581 : vector<16xi32>
          %add3A_583 = arith.constant 6 : i32
          %add3A_584 = vector.broadcast %add3A_583 : i32 to vector<16xi32>
          %add3A_585 = arith.addi %add3A_546, %add3A_584 : vector<16xi32>
          %and3A_586 = arith.constant 63 : i32
          %and3A_587 = vector.broadcast %and3A_586 : i32 to vector<16xi32>
          %and3A_588 = arith.andi %add3A_585, %and3A_587 : vector<16xi32>
          %add3A_589 = arith.constant 7 : i32
          %add3A_590 = vector.broadcast %add3A_589 : i32 to vector<16xi32>
          %add3A_591 = arith.addi %add3A_546, %add3A_590 : vector<16xi32>
          %and3A_592 = arith.constant 63 : i32
          %and3A_593 = vector.broadcast %and3A_592 : i32 to vector<16xi32>
          %and3A_594 = arith.andi %add3A_591, %and3A_593 : vector<16xi32>
          %add3A_595 = arith.constant 0 : i32
          %add3A_596 = vector.broadcast %add3A_595 : i32 to vector<16xi32>
          %add3A_597 = arith.addi %add3A_280, %add3A_596 : vector<16xi32>
          %gather3A_598 = tpu.vector_load_idx %arg8[%add3A_597] : memref<3328xi32, #tpu.memory_space<vmem>>[vector<16xi32>], vector<16xi32>,
          %ge3A = arith.constant 50048 : i32
          %ge3A_599 = vector.broadcast %ge3A : i32 to vector<16xi32>
          %ge3A_600 = arith.cmpi sge, %gather3A_598, %ge3A_599 : vector<16xi32>
          %jit3A = arith.constant 64 : i32
          %jit3A_601 = arith.constant 0 : i32
          %broadcast_in_dim3A_602 = vector.broadcast %jit3A : i32 to vector<16xi32>
          %broadcast_in_dim3A_603 = vector.broadcast %jit3A_601 : i32 to vector<16xi32>
          %select_n3A = arith.select %ge3A_600, %broadcast_in_dim3A_602, %broadcast_in_dim3A_603 : vector<16xi1>, vector<16xi32>
          %add3A_604 = arith.constant 0 : i32
          %add3A_605 = vector.broadcast %add3A_604 : i32 to vector<16xi32>
          %add3A_606 = arith.addi %add3A_276, %add3A_605 : vector<16xi32>
          %add3A_607 = arith.addi %and3A_552, %select_n3A : vector<16xi32>
          %gather3A_608 = tpu.vector_load_idx %arg10[%add3A_606, %add3A_607] : memref<832x128xf32, #tpu.memory_space<vmem>>[vector<16xi32>, vector<16xi32>], vector<16xf32>,
          %add3A_609 = arith.addf %broadcast_in_dim3A_8, %gather3A_608 : vector<16xf32>
          %mul3A_610 = arith.mulf %gather3A_608, %gather3A_608 : vector<16xf32>
          %add3A_611 = arith.addf %broadcast_in_dim3A_8, %mul3A_610 : vector<16xf32>
          %add3A_612 = arith.addi %and3A_558, %select_n3A : vector<16xi32>
          %gather3A_613 = tpu.vector_load_idx %arg10[%add3A_606, %add3A_612] : memref<832x128xf32, #tpu.memory_space<vmem>>[vector<16xi32>, vector<16xi32>], vector<16xf32>,
          %add3A_614 = arith.addf %broadcast_in_dim3A_8, %gather3A_613 : vector<16xf32>
          %mul3A_615 = arith.mulf %gather3A_613, %gather3A_613 : vector<16xf32>
          %add3A_616 = arith.addf %broadcast_in_dim3A_8, %mul3A_615 : vector<16xf32>
          %add3A_617 = arith.addi %and3A_564, %select_n3A : vector<16xi32>
          %gather3A_618 = tpu.vector_load_idx %arg10[%add3A_606, %add3A_617] : memref<832x128xf32, #tpu.memory_space<vmem>>[vector<16xi32>, vector<16xi32>], vector<16xf32>,
          %add3A_619 = arith.addf %broadcast_in_dim3A_8, %gather3A_618 : vector<16xf32>
          %mul3A_620 = arith.mulf %gather3A_618, %gather3A_618 : vector<16xf32>
          %add3A_621 = arith.addf %broadcast_in_dim3A_8, %mul3A_620 : vector<16xf32>
          %add3A_622 = arith.addi %and3A_570, %select_n3A : vector<16xi32>
          %gather3A_623 = tpu.vector_load_idx %arg10[%add3A_606, %add3A_622] : memref<832x128xf32, #tpu.memory_space<vmem>>[vector<16xi32>, vector<16xi32>], vector<16xf32>,
          %add3A_624 = arith.addf %broadcast_in_dim3A_8, %gather3A_623 : vector<16xf32>
          %mul3A_625 = arith.mulf %gather3A_623, %gather3A_623 : vector<16xf32>
          %add3A_626 = arith.addf %broadcast_in_dim3A_8, %mul3A_625 : vector<16xf32>
          %add3A_627 = arith.addi %and3A_576, %select_n3A : vector<16xi32>
          %gather3A_628 = tpu.vector_load_idx %arg10[%add3A_606, %add3A_627] : memref<832x128xf32, #tpu.memory_space<vmem>>[vector<16xi32>, vector<16xi32>], vector<16xf32>,
          %add3A_629 = arith.addf %broadcast_in_dim3A_8, %gather3A_628 : vector<16xf32>
          %mul3A_630 = arith.mulf %gather3A_628, %gather3A_628 : vector<16xf32>
          %add3A_631 = arith.addf %broadcast_in_dim3A_8, %mul3A_630 : vector<16xf32>
          %add3A_632 = arith.addi %and3A_582, %select_n3A : vector<16xi32>
          %gather3A_633 = tpu.vector_load_idx %arg10[%add3A_606, %add3A_632] : memref<832x128xf32, #tpu.memory_space<vmem>>[vector<16xi32>, vector<16xi32>], vector<16xf32>,
          %add3A_634 = arith.addf %broadcast_in_dim3A_8, %gather3A_633 : vector<16xf32>
          %mul3A_635 = arith.mulf %gather3A_633, %gather3A_633 : vector<16xf32>
          %add3A_636 = arith.addf %broadcast_in_dim3A_8, %mul3A_635 : vector<16xf32>
          %add3A_637 = arith.addi %and3A_588, %select_n3A : vector<16xi32>
          %gather3A_638 = tpu.vector_load_idx %arg10[%add3A_606, %add3A_637] : memref<832x128xf32, #tpu.memory_space<vmem>>[vector<16xi32>, vector<16xi32>], vector<16xf32>,
          %add3A_639 = arith.addf %broadcast_in_dim3A_8, %gather3A_638 : vector<16xf32>
          %mul3A_640 = arith.mulf %gather3A_638, %gather3A_638 : vector<16xf32>
          %add3A_641 = arith.addf %broadcast_in_dim3A_8, %mul3A_640 : vector<16xf32>
          %add3A_642 = arith.addi %and3A_594, %select_n3A : vector<16xi32>
          %gather3A_643 = tpu.vector_load_idx %arg10[%add3A_606, %add3A_642] : memref<832x128xf32, #tpu.memory_space<vmem>>[vector<16xi32>, vector<16xi32>], vector<16xf32>,
          %add3A_644 = arith.addf %broadcast_in_dim3A_8, %gather3A_643 : vector<16xf32>
          %mul3A_645 = arith.mulf %gather3A_643, %gather3A_643 : vector<16xf32>
          %add3A_646 = arith.addf %broadcast_in_dim3A_8, %mul3A_645 : vector<16xf32>
          %add3A_647 = arith.constant 1 : i32
          %add3A_648 = vector.broadcast %add3A_647 : i32 to vector<16xi32>
          %add3A_649 = arith.addi %add3A_280, %add3A_648 : vector<16xi32>
          %gather3A_650 = tpu.vector_load_idx %arg8[%add3A_649] : memref<3328xi32, #tpu.memory_space<vmem>>[vector<16xi32>], vector<16xi32>,
          %ge3A_651 = arith.constant 50048 : i32
          %ge3A_652 = vector.broadcast %ge3A_651 : i32 to vector<16xi32>
          %ge3A_653 = arith.cmpi sge, %gather3A_650, %ge3A_652 : vector<16xi32>
          %jit3A_654 = arith.constant 64 : i32
          %jit3A_655 = arith.constant 0 : i32
          %broadcast_in_dim3A_656 = vector.broadcast %jit3A_654 : i32 to vector<16xi32>
          %broadcast_in_dim3A_657 = vector.broadcast %jit3A_655 : i32 to vector<16xi32>
          %select_n3A_658 = arith.select %ge3A_653, %broadcast_in_dim3A_656, %broadcast_in_dim3A_657 : vector<16xi1>, vector<16xi32>
          %add3A_659 = arith.constant 1 : i32
          %add3A_660 = vector.broadcast %add3A_659 : i32 to vector<16xi32>
          %add3A_661 = arith.addi %add3A_276, %add3A_660 : vector<16xi32>
          %add3A_662 = arith.addi %and3A_552, %select_n3A_658 : vector<16xi32>
          %gather3A_663 = tpu.vector_load_idx %arg10[%add3A_661, %add3A_662] : memref<832x128xf32, #tpu.memory_space<vmem>>[vector<16xi32>, vector<16xi32>], vector<16xf32>,
          %add3A_664 = arith.addf %add3A_609, %gather3A_663 : vector<16xf32>
          %mul3A_665 = arith.mulf %gather3A_663, %gather3A_663 : vector<16xf32>
          %add3A_666 = arith.addf %add3A_611, %mul3A_665 : vector<16xf32>
          %add3A_667 = arith.addi %and3A_558, %select_n3A_658 : vector<16xi32>
          %gather3A_668 = tpu.vector_load_idx %arg10[%add3A_661, %add3A_667] : memref<832x128xf32, #tpu.memory_space<vmem>>[vector<16xi32>, vector<16xi32>], vector<16xf32>,
          %add3A_669 = arith.addf %add3A_614, %gather3A_668 : vector<16xf32>
          %mul3A_670 = arith.mulf %gather3A_668, %gather3A_668 : vector<16xf32>
          %add3A_671 = arith.addf %add3A_616, %mul3A_670 : vector<16xf32>
          %add3A_672 = arith.addi %and3A_564, %select_n3A_658 : vector<16xi32>
          %gather3A_673 = tpu.vector_load_idx %arg10[%add3A_661, %add3A_672] : memref<832x128xf32, #tpu.memory_space<vmem>>[vector<16xi32>, vector<16xi32>], vector<16xf32>,
          %add3A_674 = arith.addf %add3A_619, %gather3A_673 : vector<16xf32>
          %mul3A_675 = arith.mulf %gather3A_673, %gather3A_673 : vector<16xf32>
          %add3A_676 = arith.addf %add3A_621, %mul3A_675 : vector<16xf32>
          %add3A_677 = arith.addi %and3A_570, %select_n3A_658 : vector<16xi32>
          %gather3A_678 = tpu.vector_load_idx %arg10[%add3A_661, %add3A_677] : memref<832x128xf32, #tpu.memory_space<vmem>>[vector<16xi32>, vector<16xi32>], vector<16xf32>,
          %add3A_679 = arith.addf %add3A_624, %gather3A_678 : vector<16xf32>
          %mul3A_680 = arith.mulf %gather3A_678, %gather3A_678 : vector<16xf32>
          %add3A_681 = arith.addf %add3A_626, %mul3A_680 : vector<16xf32>
          %add3A_682 = arith.addi %and3A_576, %select_n3A_658 : vector<16xi32>
          %gather3A_683 = tpu.vector_load_idx %arg10[%add3A_661, %add3A_682] : memref<832x128xf32, #tpu.memory_space<vmem>>[vector<16xi32>, vector<16xi32>], vector<16xf32>,
          %add3A_684 = arith.addf %add3A_629, %gather3A_683 : vector<16xf32>
          %mul3A_685 = arith.mulf %gather3A_683, %gather3A_683 : vector<16xf32>
          %add3A_686 = arith.addf %add3A_631, %mul3A_685 : vector<16xf32>
          %add3A_687 = arith.addi %and3A_582, %select_n3A_658 : vector<16xi32>
          %gather3A_688 = tpu.vector_load_idx %arg10[%add3A_661, %add3A_687] : memref<832x128xf32, #tpu.memory_space<vmem>>[vector<16xi32>, vector<16xi32>], vector<16xf32>,
          %add3A_689 = arith.addf %add3A_634, %gather3A_688 : vector<16xf32>
          %mul3A_690 = arith.mulf %gather3A_688, %gather3A_688 : vector<16xf32>
          %add3A_691 = arith.addf %add3A_636, %mul3A_690 : vector<16xf32>
          %add3A_692 = arith.addi %and3A_588, %select_n3A_658 : vector<16xi32>
          %gather3A_693 = tpu.vector_load_idx %arg10[%add3A_661, %add3A_692] : memref<832x128xf32, #tpu.memory_space<vmem>>[vector<16xi32>, vector<16xi32>], vector<16xf32>,
          %add3A_694 = arith.addf %add3A_639, %gather3A_693 : vector<16xf32>
          %mul3A_695 = arith.mulf %gather3A_693, %gather3A_693 : vector<16xf32>
          %add3A_696 = arith.addf %add3A_641, %mul3A_695 : vector<16xf32>
          %add3A_697 = arith.addi %and3A_594, %select_n3A_658 : vector<16xi32>
          %gather3A_698 = tpu.vector_load_idx %arg10[%add3A_661, %add3A_697] : memref<832x128xf32, #tpu.memory_space<vmem>>[vector<16xi32>, vector<16xi32>], vector<16xf32>,
          %add3A_699 = arith.addf %add3A_644, %gather3A_698 : vector<16xf32>
          %mul3A_700 = arith.mulf %gather3A_698, %gather3A_698 : vector<16xf32>
          %add3A_701 = arith.addf %add3A_646, %mul3A_700 : vector<16xf32>
          %add3A_702 = arith.constant 2 : i32
          %add3A_703 = vector.broadcast %add3A_702 : i32 to vector<16xi32>
          %add3A_704 = arith.addi %add3A_280, %add3A_703 : vector<16xi32>
          %gather3A_705 = tpu.vector_load_idx %arg8[%add3A_704] : memref<3328xi32, #tpu.memory_space<vmem>>[vector<16xi32>], vector<16xi32>,
          %ge3A_706 = arith.constant 50048 : i32
          %ge3A_707 = vector.broadcast %ge3A_706 : i32 to vector<16xi32>
          %ge3A_708 = arith.cmpi sge, %gather3A_705, %ge3A_707 : vector<16xi32>
          %jit3A_709 = arith.constant 64 : i32
          %jit3A_710 = arith.constant 0 : i32
          %broadcast_in_dim3A_711 = vector.broadcast %jit3A_709 : i32 to vector<16xi32>
          %broadcast_in_dim3A_712 = vector.broadcast %jit3A_710 : i32 to vector<16xi32>
          %select_n3A_713 = arith.select %ge3A_708, %broadcast_in_dim3A_711, %broadcast_in_dim3A_712 : vector<16xi1>, vector<16xi32>
          %add3A_714 = arith.constant 2 : i32
          %add3A_715 = vector.broadcast %add3A_714 : i32 to vector<16xi32>
          %add3A_716 = arith.addi %add3A_276, %add3A_715 : vector<16xi32>
          %add3A_717 = arith.addi %and3A_552, %select_n3A_713 : vector<16xi32>
          %gather3A_718 = tpu.vector_load_idx %arg10[%add3A_716, %add3A_717] : memref<832x128xf32, #tpu.memory_space<vmem>>[vector<16xi32>, vector<16xi32>], vector<16xf32>,
          %add3A_719 = arith.addf %add3A_664, %gather3A_718 : vector<16xf32>
          %mul3A_720 = arith.mulf %gather3A_718, %gather3A_718 : vector<16xf32>
          %add3A_721 = arith.addf %add3A_666, %mul3A_720 : vector<16xf32>
          %add3A_722 = arith.addi %and3A_558, %select_n3A_713 : vector<16xi32>
          %gather3A_723 = tpu.vector_load_idx %arg10[%add3A_716, %add3A_722] : memref<832x128xf32, #tpu.memory_space<vmem>>[vector<16xi32>, vector<16xi32>], vector<16xf32>,
          %add3A_724 = arith.addf %add3A_669, %gather3A_723 : vector<16xf32>
          %mul3A_725 = arith.mulf %gather3A_723, %gather3A_723 : vector<16xf32>
          %add3A_726 = arith.addf %add3A_671, %mul3A_725 : vector<16xf32>
          %add3A_727 = arith.addi %and3A_564, %select_n3A_713 : vector<16xi32>
          %gather3A_728 = tpu.vector_load_idx %arg10[%add3A_716, %add3A_727] : memref<832x128xf32, #tpu.memory_space<vmem>>[vector<16xi32>, vector<16xi32>], vector<16xf32>,
          %add3A_729 = arith.addf %add3A_674, %gather3A_728 : vector<16xf32>
          %mul3A_730 = arith.mulf %gather3A_728, %gather3A_728 : vector<16xf32>
          %add3A_731 = arith.addf %add3A_676, %mul3A_730 : vector<16xf32>
          %add3A_732 = arith.addi %and3A_570, %select_n3A_713 : vector<16xi32>
          %gather3A_733 = tpu.vector_load_idx %arg10[%add3A_716, %add3A_732] : memref<832x128xf32, #tpu.memory_space<vmem>>[vector<16xi32>, vector<16xi32>], vector<16xf32>,
          %add3A_734 = arith.addf %add3A_679, %gather3A_733 : vector<16xf32>
          %mul3A_735 = arith.mulf %gather3A_733, %gather3A_733 : vector<16xf32>
          %add3A_736 = arith.addf %add3A_681, %mul3A_735 : vector<16xf32>
          %add3A_737 = arith.addi %and3A_576, %select_n3A_713 : vector<16xi32>
          %gather3A_738 = tpu.vector_load_idx %arg10[%add3A_716, %add3A_737] : memref<832x128xf32, #tpu.memory_space<vmem>>[vector<16xi32>, vector<16xi32>], vector<16xf32>,
          %add3A_739 = arith.addf %add3A_684, %gather3A_738 : vector<16xf32>
          %mul3A_740 = arith.mulf %gather3A_738, %gather3A_738 : vector<16xf32>
          %add3A_741 = arith.addf %add3A_686, %mul3A_740 : vector<16xf32>
          %add3A_742 = arith.addi %and3A_582, %select_n3A_713 : vector<16xi32>
          %gather3A_743 = tpu.vector_load_idx %arg10[%add3A_716, %add3A_742] : memref<832x128xf32, #tpu.memory_space<vmem>>[vector<16xi32>, vector<16xi32>], vector<16xf32>,
          %add3A_744 = arith.addf %add3A_689, %gather3A_743 : vector<16xf32>
          %mul3A_745 = arith.mulf %gather3A_743, %gather3A_743 : vector<16xf32>
          %add3A_746 = arith.addf %add3A_691, %mul3A_745 : vector<16xf32>
          %add3A_747 = arith.addi %and3A_588, %select_n3A_713 : vector<16xi32>
          %gather3A_748 = tpu.vector_load_idx %arg10[%add3A_716, %add3A_747] : memref<832x128xf32, #tpu.memory_space<vmem>>[vector<16xi32>, vector<16xi32>], vector<16xf32>,
          %add3A_749 = arith.addf %add3A_694, %gather3A_748 : vector<16xf32>
          %mul3A_750 = arith.mulf %gather3A_748, %gather3A_748 : vector<16xf32>
          %add3A_751 = arith.addf %add3A_696, %mul3A_750 : vector<16xf32>
          %add3A_752 = arith.addi %and3A_594, %select_n3A_713 : vector<16xi32>
          %gather3A_753 = tpu.vector_load_idx %arg10[%add3A_716, %add3A_752] : memref<832x128xf32, #tpu.memory_space<vmem>>[vector<16xi32>, vector<16xi32>], vector<16xf32>,
          %add3A_754 = arith.addf %add3A_699, %gather3A_753 : vector<16xf32>
          %mul3A_755 = arith.mulf %gather3A_753, %gather3A_753 : vector<16xf32>
          %add3A_756 = arith.addf %add3A_701, %mul3A_755 : vector<16xf32>
          %add3A_757 = arith.constant 3 : i32
          %add3A_758 = vector.broadcast %add3A_757 : i32 to vector<16xi32>
          %add3A_759 = arith.addi %add3A_280, %add3A_758 : vector<16xi32>
          %gather3A_760 = tpu.vector_load_idx %arg8[%add3A_759] : memref<3328xi32, #tpu.memory_space<vmem>>[vector<16xi32>], vector<16xi32>,
          %ge3A_761 = arith.constant 50048 : i32
          %ge3A_762 = vector.broadcast %ge3A_761 : i32 to vector<16xi32>
          %ge3A_763 = arith.cmpi sge, %gather3A_760, %ge3A_762 : vector<16xi32>
          %jit3A_764 = arith.constant 64 : i32
          %jit3A_765 = arith.constant 0 : i32
          %broadcast_in_dim3A_766 = vector.broadcast %jit3A_764 : i32 to vector<16xi32>
          %broadcast_in_dim3A_767 = vector.broadcast %jit3A_765 : i32 to vector<16xi32>
          %select_n3A_768 = arith.select %ge3A_763, %broadcast_in_dim3A_766, %broadcast_in_dim3A_767 : vector<16xi1>, vector<16xi32>
          %add3A_769 = arith.constant 3 : i32
          %add3A_770 = vector.broadcast %add3A_769 : i32 to vector<16xi32>
          %add3A_771 = arith.addi %add3A_276, %add3A_770 : vector<16xi32>
          %add3A_772 = arith.addi %and3A_552, %select_n3A_768 : vector<16xi32>
          %gather3A_773 = tpu.vector_load_idx %arg10[%add3A_771, %add3A_772] : memref<832x128xf32, #tpu.memory_space<vmem>>[vector<16xi32>, vector<16xi32>], vector<16xf32>,
          %add3A_774 = arith.addf %add3A_719, %gather3A_773 : vector<16xf32>
          %mul3A_775 = arith.mulf %gather3A_773, %gather3A_773 : vector<16xf32>
          %add3A_776 = arith.addf %add3A_721, %mul3A_775 : vector<16xf32>
          %add3A_777 = arith.addi %and3A_558, %select_n3A_768 : vector<16xi32>
          %gather3A_778 = tpu.vector_load_idx %arg10[%add3A_771, %add3A_777] : memref<832x128xf32, #tpu.memory_space<vmem>>[vector<16xi32>, vector<16xi32>], vector<16xf32>,
          %add3A_779 = arith.addf %add3A_724, %gather3A_778 : vector<16xf32>
          %mul3A_780 = arith.mulf %gather3A_778, %gather3A_778 : vector<16xf32>
          %add3A_781 = arith.addf %add3A_726, %mul3A_780 : vector<16xf32>
          %add3A_782 = arith.addi %and3A_564, %select_n3A_768 : vector<16xi32>
          %gather3A_783 = tpu.vector_load_idx %arg10[%add3A_771, %add3A_782] : memref<832x128xf32, #tpu.memory_space<vmem>>[vector<16xi32>, vector<16xi32>], vector<16xf32>,
          %add3A_784 = arith.addf %add3A_729, %gather3A_783 : vector<16xf32>
          %mul3A_785 = arith.mulf %gather3A_783, %gather3A_783 : vector<16xf32>
          %add3A_786 = arith.addf %add3A_731, %mul3A_785 : vector<16xf32>
          %add3A_787 = arith.addi %and3A_570, %select_n3A_768 : vector<16xi32>
          %gather3A_788 = tpu.vector_load_idx %arg10[%add3A_771, %add3A_787] : memref<832x128xf32, #tpu.memory_space<vmem>>[vector<16xi32>, vector<16xi32>], vector<16xf32>,
          %add3A_789 = arith.addf %add3A_734, %gather3A_788 : vector<16xf32>
          %mul3A_790 = arith.mulf %gather3A_788, %gather3A_788 : vector<16xf32>
          %add3A_791 = arith.addf %add3A_736, %mul3A_790 : vector<16xf32>
          %add3A_792 = arith.addi %and3A_576, %select_n3A_768 : vector<16xi32>
          %gather3A_793 = tpu.vector_load_idx %arg10[%add3A_771, %add3A_792] : memref<832x128xf32, #tpu.memory_space<vmem>>[vector<16xi32>, vector<16xi32>], vector<16xf32>,
          %add3A_794 = arith.addf %add3A_739, %gather3A_793 : vector<16xf32>
          %mul3A_795 = arith.mulf %gather3A_793, %gather3A_793 : vector<16xf32>
          %add3A_796 = arith.addf %add3A_741, %mul3A_795 : vector<16xf32>
          %add3A_797 = arith.addi %and3A_582, %select_n3A_768 : vector<16xi32>
          %gather3A_798 = tpu.vector_load_idx %arg10[%add3A_771, %add3A_797] : memref<832x128xf32, #tpu.memory_space<vmem>>[vector<16xi32>, vector<16xi32>], vector<16xf32>,
          %add3A_799 = arith.addf %add3A_744, %gather3A_798 : vector<16xf32>
          %mul3A_800 = arith.mulf %gather3A_798, %gather3A_798 : vector<16xf32>
          %add3A_801 = arith.addf %add3A_746, %mul3A_800 : vector<16xf32>
          %add3A_802 = arith.addi %and3A_588, %select_n3A_768 : vector<16xi32>
          %gather3A_803 = tpu.vector_load_idx %arg10[%add3A_771, %add3A_802] : memref<832x128xf32, #tpu.memory_space<vmem>>[vector<16xi32>, vector<16xi32>], vector<16xf32>,
          %add3A_804 = arith.addf %add3A_749, %gather3A_803 : vector<16xf32>
          %mul3A_805 = arith.mulf %gather3A_803, %gather3A_803 : vector<16xf32>
          %add3A_806 = arith.addf %add3A_751, %mul3A_805 : vector<16xf32>
          %add3A_807 = arith.addi %and3A_594, %select_n3A_768 : vector<16xi32>
          %gather3A_808 = tpu.vector_load_idx %arg10[%add3A_771, %add3A_807] : memref<832x128xf32, #tpu.memory_space<vmem>>[vector<16xi32>, vector<16xi32>], vector<16xf32>,
          %add3A_809 = arith.addf %add3A_754, %gather3A_808 : vector<16xf32>
          %mul3A_810 = arith.mulf %gather3A_808, %gather3A_808 : vector<16xf32>
          %add3A_811 = arith.addf %add3A_756, %mul3A_810 : vector<16xf32>
          %add3A_812 = arith.constant 4 : i32
          %add3A_813 = vector.broadcast %add3A_812 : i32 to vector<16xi32>
          %add3A_814 = arith.addi %add3A_280, %add3A_813 : vector<16xi32>
          %gather3A_815 = tpu.vector_load_idx %arg8[%add3A_814] : memref<3328xi32, #tpu.memory_space<vmem>>[vector<16xi32>], vector<16xi32>,
          %ge3A_816 = arith.constant 50048 : i32
          %ge3A_817 = vector.broadcast %ge3A_816 : i32 to vector<16xi32>
          %ge3A_818 = arith.cmpi sge, %gather3A_815, %ge3A_817 : vector<16xi32>
          %jit3A_819 = arith.constant 64 : i32
          %jit3A_820 = arith.constant 0 : i32
          %broadcast_in_dim3A_821 = vector.broadcast %jit3A_819 : i32 to vector<16xi32>
          %broadcast_in_dim3A_822 = vector.broadcast %jit3A_820 : i32 to vector<16xi32>
          %select_n3A_823 = arith.select %ge3A_818, %broadcast_in_dim3A_821, %broadcast_in_dim3A_822 : vector<16xi1>, vector<16xi32>
          %add3A_824 = arith.constant 4 : i32
          %add3A_825 = vector.broadcast %add3A_824 : i32 to vector<16xi32>
          %add3A_826 = arith.addi %add3A_276, %add3A_825 : vector<16xi32>
          %add3A_827 = arith.addi %and3A_552, %select_n3A_823 : vector<16xi32>
          %gather3A_828 = tpu.vector_load_idx %arg10[%add3A_826, %add3A_827] : memref<832x128xf32, #tpu.memory_space<vmem>>[vector<16xi32>, vector<16xi32>], vector<16xf32>,
          %add3A_829 = arith.addf %add3A_774, %gather3A_828 : vector<16xf32>
          %mul3A_830 = arith.mulf %gather3A_828, %gather3A_828 : vector<16xf32>
          %add3A_831 = arith.addf %add3A_776, %mul3A_830 : vector<16xf32>
          %add3A_832 = arith.addi %and3A_558, %select_n3A_823 : vector<16xi32>
          %gather3A_833 = tpu.vector_load_idx %arg10[%add3A_826, %add3A_832] : memref<832x128xf32, #tpu.memory_space<vmem>>[vector<16xi32>, vector<16xi32>], vector<16xf32>,
          %add3A_834 = arith.addf %add3A_779, %gather3A_833 : vector<16xf32>
          %mul3A_835 = arith.mulf %gather3A_833, %gather3A_833 : vector<16xf32>
          %add3A_836 = arith.addf %add3A_781, %mul3A_835 : vector<16xf32>
          %add3A_837 = arith.addi %and3A_564, %select_n3A_823 : vector<16xi32>
          %gather3A_838 = tpu.vector_load_idx %arg10[%add3A_826, %add3A_837] : memref<832x128xf32, #tpu.memory_space<vmem>>[vector<16xi32>, vector<16xi32>], vector<16xf32>,
          %add3A_839 = arith.addf %add3A_784, %gather3A_838 : vector<16xf32>
          %mul3A_840 = arith.mulf %gather3A_838, %gather3A_838 : vector<16xf32>
          %add3A_841 = arith.addf %add3A_786, %mul3A_840 : vector<16xf32>
          %add3A_842 = arith.addi %and3A_570, %select_n3A_823 : vector<16xi32>
          %gather3A_843 = tpu.vector_load_idx %arg10[%add3A_826, %add3A_842] : memref<832x128xf32, #tpu.memory_space<vmem>>[vector<16xi32>, vector<16xi32>], vector<16xf32>,
          %add3A_844 = arith.addf %add3A_789, %gather3A_843 : vector<16xf32>
          %mul3A_845 = arith.mulf %gather3A_843, %gather3A_843 : vector<16xf32>
          %add3A_846 = arith.addf %add3A_791, %mul3A_845 : vector<16xf32>
          %add3A_847 = arith.addi %and3A_576, %select_n3A_823 : vector<16xi32>
          %gather3A_848 = tpu.vector_load_idx %arg10[%add3A_826, %add3A_847] : memref<832x128xf32, #tpu.memory_space<vmem>>[vector<16xi32>, vector<16xi32>], vector<16xf32>,
          %add3A_849 = arith.addf %add3A_794, %gather3A_848 : vector<16xf32>
          %mul3A_850 = arith.mulf %gather3A_848, %gather3A_848 : vector<16xf32>
          %add3A_851 = arith.addf %add3A_796, %mul3A_850 : vector<16xf32>
          %add3A_852 = arith.addi %and3A_582, %select_n3A_823 : vector<16xi32>
          %gather3A_853 = tpu.vector_load_idx %arg10[%add3A_826, %add3A_852] : memref<832x128xf32, #tpu.memory_space<vmem>>[vector<16xi32>, vector<16xi32>], vector<16xf32>,
          %add3A_854 = arith.addf %add3A_799, %gather3A_853 : vector<16xf32>
          %mul3A_855 = arith.mulf %gather3A_853, %gather3A_853 : vector<16xf32>
          %add3A_856 = arith.addf %add3A_801, %mul3A_855 : vector<16xf32>
          %add3A_857 = arith.addi %and3A_588, %select_n3A_823 : vector<16xi32>
          %gather3A_858 = tpu.vector_load_idx %arg10[%add3A_826, %add3A_857] : memref<832x128xf32, #tpu.memory_space<vmem>>[vector<16xi32>, vector<16xi32>], vector<16xf32>,
          %add3A_859 = arith.addf %add3A_804, %gather3A_858 : vector<16xf32>
          %mul3A_860 = arith.mulf %gather3A_858, %gather3A_858 : vector<16xf32>
          %add3A_861 = arith.addf %add3A_806, %mul3A_860 : vector<16xf32>
          %add3A_862 = arith.addi %and3A_594, %select_n3A_823 : vector<16xi32>
          %gather3A_863 = tpu.vector_load_idx %arg10[%add3A_826, %add3A_862] : memref<832x128xf32, #tpu.memory_space<vmem>>[vector<16xi32>, vector<16xi32>], vector<16xf32>,
          %add3A_864 = arith.addf %add3A_809, %gather3A_863 : vector<16xf32>
          %mul3A_865 = arith.mulf %gather3A_863, %gather3A_863 : vector<16xf32>
          %add3A_866 = arith.addf %add3A_811, %mul3A_865 : vector<16xf32>
          %add3A_867 = arith.constant 5 : i32
          %add3A_868 = vector.broadcast %add3A_867 : i32 to vector<16xi32>
          %add3A_869 = arith.addi %add3A_280, %add3A_868 : vector<16xi32>
          %gather3A_870 = tpu.vector_load_idx %arg8[%add3A_869] : memref<3328xi32, #tpu.memory_space<vmem>>[vector<16xi32>], vector<16xi32>,
          %ge3A_871 = arith.constant 50048 : i32
          %ge3A_872 = vector.broadcast %ge3A_871 : i32 to vector<16xi32>
          %ge3A_873 = arith.cmpi sge, %gather3A_870, %ge3A_872 : vector<16xi32>
          %jit3A_874 = arith.constant 64 : i32
          %jit3A_875 = arith.constant 0 : i32
          %broadcast_in_dim3A_876 = vector.broadcast %jit3A_874 : i32 to vector<16xi32>
          %broadcast_in_dim3A_877 = vector.broadcast %jit3A_875 : i32 to vector<16xi32>
          %select_n3A_878 = arith.select %ge3A_873, %broadcast_in_dim3A_876, %broadcast_in_dim3A_877 : vector<16xi1>, vector<16xi32>
          %add3A_879 = arith.constant 5 : i32
          %add3A_880 = vector.broadcast %add3A_879 : i32 to vector<16xi32>
          %add3A_881 = arith.addi %add3A_276, %add3A_880 : vector<16xi32>
          %add3A_882 = arith.addi %and3A_552, %select_n3A_878 : vector<16xi32>
          %gather3A_883 = tpu.vector_load_idx %arg10[%add3A_881, %add3A_882] : memref<832x128xf32, #tpu.memory_space<vmem>>[vector<16xi32>, vector<16xi32>], vector<16xf32>,
          %add3A_884 = arith.addf %add3A_829, %gather3A_883 : vector<16xf32>
          %mul3A_885 = arith.mulf %gather3A_883, %gather3A_883 : vector<16xf32>
          %add3A_886 = arith.addf %add3A_831, %mul3A_885 : vector<16xf32>
          %add3A_887 = arith.addi %and3A_558, %select_n3A_878 : vector<16xi32>
          %gather3A_888 = tpu.vector_load_idx %arg10[%add3A_881, %add3A_887] : memref<832x128xf32, #tpu.memory_space<vmem>>[vector<16xi32>, vector<16xi32>], vector<16xf32>,
          %add3A_889 = arith.addf %add3A_834, %gather3A_888 : vector<16xf32>
          %mul3A_890 = arith.mulf %gather3A_888, %gather3A_888 : vector<16xf32>
          %add3A_891 = arith.addf %add3A_836, %mul3A_890 : vector<16xf32>
          %add3A_892 = arith.addi %and3A_564, %select_n3A_878 : vector<16xi32>
          %gather3A_893 = tpu.vector_load_idx %arg10[%add3A_881, %add3A_892] : memref<832x128xf32, #tpu.memory_space<vmem>>[vector<16xi32>, vector<16xi32>], vector<16xf32>,
          %add3A_894 = arith.addf %add3A_839, %gather3A_893 : vector<16xf32>
          %mul3A_895 = arith.mulf %gather3A_893, %gather3A_893 : vector<16xf32>
          %add3A_896 = arith.addf %add3A_841, %mul3A_895 : vector<16xf32>
          %add3A_897 = arith.addi %and3A_570, %select_n3A_878 : vector<16xi32>
          %gather3A_898 = tpu.vector_load_idx %arg10[%add3A_881, %add3A_897] : memref<832x128xf32, #tpu.memory_space<vmem>>[vector<16xi32>, vector<16xi32>], vector<16xf32>,
          %add3A_899 = arith.addf %add3A_844, %gather3A_898 : vector<16xf32>
          %mul3A_900 = arith.mulf %gather3A_898, %gather3A_898 : vector<16xf32>
          %add3A_901 = arith.addf %add3A_846, %mul3A_900 : vector<16xf32>
          %add3A_902 = arith.addi %and3A_576, %select_n3A_878 : vector<16xi32>
          %gather3A_903 = tpu.vector_load_idx %arg10[%add3A_881, %add3A_902] : memref<832x128xf32, #tpu.memory_space<vmem>>[vector<16xi32>, vector<16xi32>], vector<16xf32>,
          %add3A_904 = arith.addf %add3A_849, %gather3A_903 : vector<16xf32>
          %mul3A_905 = arith.mulf %gather3A_903, %gather3A_903 : vector<16xf32>
          %add3A_906 = arith.addf %add3A_851, %mul3A_905 : vector<16xf32>
          %add3A_907 = arith.addi %and3A_582, %select_n3A_878 : vector<16xi32>
          %gather3A_908 = tpu.vector_load_idx %arg10[%add3A_881, %add3A_907] : memref<832x128xf32, #tpu.memory_space<vmem>>[vector<16xi32>, vector<16xi32>], vector<16xf32>,
          %add3A_909 = arith.addf %add3A_854, %gather3A_908 : vector<16xf32>
          %mul3A_910 = arith.mulf %gather3A_908, %gather3A_908 : vector<16xf32>
          %add3A_911 = arith.addf %add3A_856, %mul3A_910 : vector<16xf32>
          %add3A_912 = arith.addi %and3A_588, %select_n3A_878 : vector<16xi32>
          %gather3A_913 = tpu.vector_load_idx %arg10[%add3A_881, %add3A_912] : memref<832x128xf32, #tpu.memory_space<vmem>>[vector<16xi32>, vector<16xi32>], vector<16xf32>,
          %add3A_914 = arith.addf %add3A_859, %gather3A_913 : vector<16xf32>
          %mul3A_915 = arith.mulf %gather3A_913, %gather3A_913 : vector<16xf32>
          %add3A_916 = arith.addf %add3A_861, %mul3A_915 : vector<16xf32>
          %add3A_917 = arith.addi %and3A_594, %select_n3A_878 : vector<16xi32>
          %gather3A_918 = tpu.vector_load_idx %arg10[%add3A_881, %add3A_917] : memref<832x128xf32, #tpu.memory_space<vmem>>[vector<16xi32>, vector<16xi32>], vector<16xf32>,
          %add3A_919 = arith.addf %add3A_864, %gather3A_918 : vector<16xf32>
          %mul3A_920 = arith.mulf %gather3A_918, %gather3A_918 : vector<16xf32>
          %add3A_921 = arith.addf %add3A_866, %mul3A_920 : vector<16xf32>
          %add3A_922 = arith.constant 6 : i32
          %add3A_923 = vector.broadcast %add3A_922 : i32 to vector<16xi32>
          %add3A_924 = arith.addi %add3A_280, %add3A_923 : vector<16xi32>
          %gather3A_925 = tpu.vector_load_idx %arg8[%add3A_924] : memref<3328xi32, #tpu.memory_space<vmem>>[vector<16xi32>], vector<16xi32>,
          %ge3A_926 = arith.constant 50048 : i32
          %ge3A_927 = vector.broadcast %ge3A_926 : i32 to vector<16xi32>
          %ge3A_928 = arith.cmpi sge, %gather3A_925, %ge3A_927 : vector<16xi32>
          %jit3A_929 = arith.constant 64 : i32
          %jit3A_930 = arith.constant 0 : i32
          %broadcast_in_dim3A_931 = vector.broadcast %jit3A_929 : i32 to vector<16xi32>
          %broadcast_in_dim3A_932 = vector.broadcast %jit3A_930 : i32 to vector<16xi32>
          %select_n3A_933 = arith.select %ge3A_928, %broadcast_in_dim3A_931, %broadcast_in_dim3A_932 : vector<16xi1>, vector<16xi32>
          %add3A_934 = arith.constant 6 : i32
          %add3A_935 = vector.broadcast %add3A_934 : i32 to vector<16xi32>
          %add3A_936 = arith.addi %add3A_276, %add3A_935 : vector<16xi32>
          %add3A_937 = arith.addi %and3A_552, %select_n3A_933 : vector<16xi32>
          %gather3A_938 = tpu.vector_load_idx %arg10[%add3A_936, %add3A_937] : memref<832x128xf32, #tpu.memory_space<vmem>>[vector<16xi32>, vector<16xi32>], vector<16xf32>,
          %add3A_939 = arith.addf %add3A_884, %gather3A_938 : vector<16xf32>
          %mul3A_940 = arith.mulf %gather3A_938, %gather3A_938 : vector<16xf32>
          %add3A_941 = arith.addf %add3A_886, %mul3A_940 : vector<16xf32>
          %add3A_942 = arith.addi %and3A_558, %select_n3A_933 : vector<16xi32>
          %gather3A_943 = tpu.vector_load_idx %arg10[%add3A_936, %add3A_942] : memref<832x128xf32, #tpu.memory_space<vmem>>[vector<16xi32>, vector<16xi32>], vector<16xf32>,
          %add3A_944 = arith.addf %add3A_889, %gather3A_943 : vector<16xf32>
          %mul3A_945 = arith.mulf %gather3A_943, %gather3A_943 : vector<16xf32>
          %add3A_946 = arith.addf %add3A_891, %mul3A_945 : vector<16xf32>
          %add3A_947 = arith.addi %and3A_564, %select_n3A_933 : vector<16xi32>
          %gather3A_948 = tpu.vector_load_idx %arg10[%add3A_936, %add3A_947] : memref<832x128xf32, #tpu.memory_space<vmem>>[vector<16xi32>, vector<16xi32>], vector<16xf32>,
          %add3A_949 = arith.addf %add3A_894, %gather3A_948 : vector<16xf32>
          %mul3A_950 = arith.mulf %gather3A_948, %gather3A_948 : vector<16xf32>
          %add3A_951 = arith.addf %add3A_896, %mul3A_950 : vector<16xf32>
          %add3A_952 = arith.addi %and3A_570, %select_n3A_933 : vector<16xi32>
          %gather3A_953 = tpu.vector_load_idx %arg10[%add3A_936, %add3A_952] : memref<832x128xf32, #tpu.memory_space<vmem>>[vector<16xi32>, vector<16xi32>], vector<16xf32>,
          %add3A_954 = arith.addf %add3A_899, %gather3A_953 : vector<16xf32>
          %mul3A_955 = arith.mulf %gather3A_953, %gather3A_953 : vector<16xf32>
          %add3A_956 = arith.addf %add3A_901, %mul3A_955 : vector<16xf32>
          %add3A_957 = arith.addi %and3A_576, %select_n3A_933 : vector<16xi32>
          %gather3A_958 = tpu.vector_load_idx %arg10[%add3A_936, %add3A_957] : memref<832x128xf32, #tpu.memory_space<vmem>>[vector<16xi32>, vector<16xi32>], vector<16xf32>,
          %add3A_959 = arith.addf %add3A_904, %gather3A_958 : vector<16xf32>
          %mul3A_960 = arith.mulf %gather3A_958, %gather3A_958 : vector<16xf32>
          %add3A_961 = arith.addf %add3A_906, %mul3A_960 : vector<16xf32>
          %add3A_962 = arith.addi %and3A_582, %select_n3A_933 : vector<16xi32>
          %gather3A_963 = tpu.vector_load_idx %arg10[%add3A_936, %add3A_962] : memref<832x128xf32, #tpu.memory_space<vmem>>[vector<16xi32>, vector<16xi32>], vector<16xf32>,
          %add3A_964 = arith.addf %add3A_909, %gather3A_963 : vector<16xf32>
          %mul3A_965 = arith.mulf %gather3A_963, %gather3A_963 : vector<16xf32>
          %add3A_966 = arith.addf %add3A_911, %mul3A_965 : vector<16xf32>
          %add3A_967 = arith.addi %and3A_588, %select_n3A_933 : vector<16xi32>
          %gather3A_968 = tpu.vector_load_idx %arg10[%add3A_936, %add3A_967] : memref<832x128xf32, #tpu.memory_space<vmem>>[vector<16xi32>, vector<16xi32>], vector<16xf32>,
          %add3A_969 = arith.addf %add3A_914, %gather3A_968 : vector<16xf32>
          %mul3A_970 = arith.mulf %gather3A_968, %gather3A_968 : vector<16xf32>
          %add3A_971 = arith.addf %add3A_916, %mul3A_970 : vector<16xf32>
          %add3A_972 = arith.addi %and3A_594, %select_n3A_933 : vector<16xi32>
          %gather3A_973 = tpu.vector_load_idx %arg10[%add3A_936, %add3A_972] : memref<832x128xf32, #tpu.memory_space<vmem>>[vector<16xi32>, vector<16xi32>], vector<16xf32>,
          %add3A_974 = arith.addf %add3A_919, %gather3A_973 : vector<16xf32>
          %mul3A_975 = arith.mulf %gather3A_973, %gather3A_973 : vector<16xf32>
          %add3A_976 = arith.addf %add3A_921, %mul3A_975 : vector<16xf32>
          %add3A_977 = arith.constant 7 : i32
          %add3A_978 = vector.broadcast %add3A_977 : i32 to vector<16xi32>
          %add3A_979 = arith.addi %add3A_280, %add3A_978 : vector<16xi32>
          %gather3A_980 = tpu.vector_load_idx %arg8[%add3A_979] : memref<3328xi32, #tpu.memory_space<vmem>>[vector<16xi32>], vector<16xi32>,
          %ge3A_981 = arith.constant 50048 : i32
          %ge3A_982 = vector.broadcast %ge3A_981 : i32 to vector<16xi32>
          %ge3A_983 = arith.cmpi sge, %gather3A_980, %ge3A_982 : vector<16xi32>
          %jit3A_984 = arith.constant 64 : i32
          %jit3A_985 = arith.constant 0 : i32
          %broadcast_in_dim3A_986 = vector.broadcast %jit3A_984 : i32 to vector<16xi32>
          %broadcast_in_dim3A_987 = vector.broadcast %jit3A_985 : i32 to vector<16xi32>
          %select_n3A_988 = arith.select %ge3A_983, %broadcast_in_dim3A_986, %broadcast_in_dim3A_987 : vector<16xi1>, vector<16xi32>
          %add3A_989 = arith.constant 7 : i32
          %add3A_990 = vector.broadcast %add3A_989 : i32 to vector<16xi32>
          %add3A_991 = arith.addi %add3A_276, %add3A_990 : vector<16xi32>
          %add3A_992 = arith.addi %and3A_552, %select_n3A_988 : vector<16xi32>
          %gather3A_993 = tpu.vector_load_idx %arg10[%add3A_991, %add3A_992] : memref<832x128xf32, #tpu.memory_space<vmem>>[vector<16xi32>, vector<16xi32>], vector<16xf32>,
          %add3A_994 = arith.addf %add3A_939, %gather3A_993 : vector<16xf32>
          %mul3A_995 = arith.mulf %gather3A_993, %gather3A_993 : vector<16xf32>
          %add3A_996 = arith.addf %add3A_941, %mul3A_995 : vector<16xf32>
          %add3A_997 = arith.addi %and3A_558, %select_n3A_988 : vector<16xi32>
          %gather3A_998 = tpu.vector_load_idx %arg10[%add3A_991, %add3A_997] : memref<832x128xf32, #tpu.memory_space<vmem>>[vector<16xi32>, vector<16xi32>], vector<16xf32>,
          %add3A_999 = arith.addf %add3A_944, %gather3A_998 : vector<16xf32>
          %mul3A_1000 = arith.mulf %gather3A_998, %gather3A_998 : vector<16xf32>
          %add3A_1001 = arith.addf %add3A_946, %mul3A_1000 : vector<16xf32>
          %add3A_1002 = arith.addi %and3A_564, %select_n3A_988 : vector<16xi32>
          %gather3A_1003 = tpu.vector_load_idx %arg10[%add3A_991, %add3A_1002] : memref<832x128xf32, #tpu.memory_space<vmem>>[vector<16xi32>, vector<16xi32>], vector<16xf32>,
          %add3A_1004 = arith.addf %add3A_949, %gather3A_1003 : vector<16xf32>
          %mul3A_1005 = arith.mulf %gather3A_1003, %gather3A_1003 : vector<16xf32>
          %add3A_1006 = arith.addf %add3A_951, %mul3A_1005 : vector<16xf32>
          %add3A_1007 = arith.addi %and3A_570, %select_n3A_988 : vector<16xi32>
          %gather3A_1008 = tpu.vector_load_idx %arg10[%add3A_991, %add3A_1007] : memref<832x128xf32, #tpu.memory_space<vmem>>[vector<16xi32>, vector<16xi32>], vector<16xf32>,
          %add3A_1009 = arith.addf %add3A_954, %gather3A_1008 : vector<16xf32>
          %mul3A_1010 = arith.mulf %gather3A_1008, %gather3A_1008 : vector<16xf32>
          %add3A_1011 = arith.addf %add3A_956, %mul3A_1010 : vector<16xf32>
          %add3A_1012 = arith.addi %and3A_576, %select_n3A_988 : vector<16xi32>
          %gather3A_1013 = tpu.vector_load_idx %arg10[%add3A_991, %add3A_1012] : memref<832x128xf32, #tpu.memory_space<vmem>>[vector<16xi32>, vector<16xi32>], vector<16xf32>,
          %add3A_1014 = arith.addf %add3A_959, %gather3A_1013 : vector<16xf32>
          %mul3A_1015 = arith.mulf %gather3A_1013, %gather3A_1013 : vector<16xf32>
          %add3A_1016 = arith.addf %add3A_961, %mul3A_1015 : vector<16xf32>
          %add3A_1017 = arith.addi %and3A_582, %select_n3A_988 : vector<16xi32>
          %gather3A_1018 = tpu.vector_load_idx %arg10[%add3A_991, %add3A_1017] : memref<832x128xf32, #tpu.memory_space<vmem>>[vector<16xi32>, vector<16xi32>], vector<16xf32>,
          %add3A_1019 = arith.addf %add3A_964, %gather3A_1018 : vector<16xf32>
          %mul3A_1020 = arith.mulf %gather3A_1018, %gather3A_1018 : vector<16xf32>
          %add3A_1021 = arith.addf %add3A_966, %mul3A_1020 : vector<16xf32>
          %add3A_1022 = arith.addi %and3A_588, %select_n3A_988 : vector<16xi32>
          %gather3A_1023 = tpu.vector_load_idx %arg10[%add3A_991, %add3A_1022] : memref<832x128xf32, #tpu.memory_space<vmem>>[vector<16xi32>, vector<16xi32>], vector<16xf32>,
          %add3A_1024 = arith.addf %add3A_969, %gather3A_1023 : vector<16xf32>
          %mul3A_1025 = arith.mulf %gather3A_1023, %gather3A_1023 : vector<16xf32>
          %add3A_1026 = arith.addf %add3A_971, %mul3A_1025 : vector<16xf32>
          %add3A_1027 = arith.addi %and3A_594, %select_n3A_988 : vector<16xi32>
          %gather3A_1028 = tpu.vector_load_idx %arg10[%add3A_991, %add3A_1027] : memref<832x128xf32, #tpu.memory_space<vmem>>[vector<16xi32>, vector<16xi32>], vector<16xf32>,
          %add3A_1029 = arith.addf %add3A_974, %gather3A_1028 : vector<16xf32>
          %mul3A_1030 = arith.mulf %gather3A_1028, %gather3A_1028 : vector<16xf32>
          %add3A_1031 = arith.addf %add3A_976, %mul3A_1030 : vector<16xf32>
          %add3A_1032 = arith.constant 8 : i32
          %add3A_1033 = vector.broadcast %add3A_1032 : i32 to vector<16xi32>
          %add3A_1034 = arith.addi %add3A_280, %add3A_1033 : vector<16xi32>
          %gather3A_1035 = tpu.vector_load_idx %arg8[%add3A_1034] : memref<3328xi32, #tpu.memory_space<vmem>>[vector<16xi32>], vector<16xi32>,
          %ge3A_1036 = arith.constant 50048 : i32
          %ge3A_1037 = vector.broadcast %ge3A_1036 : i32 to vector<16xi32>
          %ge3A_1038 = arith.cmpi sge, %gather3A_1035, %ge3A_1037 : vector<16xi32>
          %jit3A_1039 = arith.constant 64 : i32
          %jit3A_1040 = arith.constant 0 : i32
          %broadcast_in_dim3A_1041 = vector.broadcast %jit3A_1039 : i32 to vector<16xi32>
          %broadcast_in_dim3A_1042 = vector.broadcast %jit3A_1040 : i32 to vector<16xi32>
          %select_n3A_1043 = arith.select %ge3A_1038, %broadcast_in_dim3A_1041, %broadcast_in_dim3A_1042 : vector<16xi1>, vector<16xi32>
          %add3A_1044 = arith.constant 8 : i32
          %add3A_1045 = vector.broadcast %add3A_1044 : i32 to vector<16xi32>
          %add3A_1046 = arith.addi %add3A_276, %add3A_1045 : vector<16xi32>
          %add3A_1047 = arith.addi %and3A_552, %select_n3A_1043 : vector<16xi32>
          %gather3A_1048 = tpu.vector_load_idx %arg10[%add3A_1046, %add3A_1047] : memref<832x128xf32, #tpu.memory_space<vmem>>[vector<16xi32>, vector<16xi32>], vector<16xf32>,
          %add3A_1049 = arith.addf %add3A_994, %gather3A_1048 : vector<16xf32>
          %mul3A_1050 = arith.mulf %gather3A_1048, %gather3A_1048 : vector<16xf32>
          %add3A_1051 = arith.addf %add3A_996, %mul3A_1050 : vector<16xf32>
          %add3A_1052 = arith.addi %and3A_558, %select_n3A_1043 : vector<16xi32>
          %gather3A_1053 = tpu.vector_load_idx %arg10[%add3A_1046, %add3A_1052] : memref<832x128xf32, #tpu.memory_space<vmem>>[vector<16xi32>, vector<16xi32>], vector<16xf32>,
          %add3A_1054 = arith.addf %add3A_999, %gather3A_1053 : vector<16xf32>
          %mul3A_1055 = arith.mulf %gather3A_1053, %gather3A_1053 : vector<16xf32>
          %add3A_1056 = arith.addf %add3A_1001, %mul3A_1055 : vector<16xf32>
          %add3A_1057 = arith.addi %and3A_564, %select_n3A_1043 : vector<16xi32>
          %gather3A_1058 = tpu.vector_load_idx %arg10[%add3A_1046, %add3A_1057] : memref<832x128xf32, #tpu.memory_space<vmem>>[vector<16xi32>, vector<16xi32>], vector<16xf32>,
          %add3A_1059 = arith.addf %add3A_1004, %gather3A_1058 : vector<16xf32>
          %mul3A_1060 = arith.mulf %gather3A_1058, %gather3A_1058 : vector<16xf32>
          %add3A_1061 = arith.addf %add3A_1006, %mul3A_1060 : vector<16xf32>
          %add3A_1062 = arith.addi %and3A_570, %select_n3A_1043 : vector<16xi32>
          %gather3A_1063 = tpu.vector_load_idx %arg10[%add3A_1046, %add3A_1062] : memref<832x128xf32, #tpu.memory_space<vmem>>[vector<16xi32>, vector<16xi32>], vector<16xf32>,
          %add3A_1064 = arith.addf %add3A_1009, %gather3A_1063 : vector<16xf32>
          %mul3A_1065 = arith.mulf %gather3A_1063, %gather3A_1063 : vector<16xf32>
          %add3A_1066 = arith.addf %add3A_1011, %mul3A_1065 : vector<16xf32>
          %add3A_1067 = arith.addi %and3A_576, %select_n3A_1043 : vector<16xi32>
          %gather3A_1068 = tpu.vector_load_idx %arg10[%add3A_1046, %add3A_1067] : memref<832x128xf32, #tpu.memory_space<vmem>>[vector<16xi32>, vector<16xi32>], vector<16xf32>,
          %add3A_1069 = arith.addf %add3A_1014, %gather3A_1068 : vector<16xf32>
          %mul3A_1070 = arith.mulf %gather3A_1068, %gather3A_1068 : vector<16xf32>
          %add3A_1071 = arith.addf %add3A_1016, %mul3A_1070 : vector<16xf32>
          %add3A_1072 = arith.addi %and3A_582, %select_n3A_1043 : vector<16xi32>
          %gather3A_1073 = tpu.vector_load_idx %arg10[%add3A_1046, %add3A_1072] : memref<832x128xf32, #tpu.memory_space<vmem>>[vector<16xi32>, vector<16xi32>], vector<16xf32>,
          %add3A_1074 = arith.addf %add3A_1019, %gather3A_1073 : vector<16xf32>
          %mul3A_1075 = arith.mulf %gather3A_1073, %gather3A_1073 : vector<16xf32>
          %add3A_1076 = arith.addf %add3A_1021, %mul3A_1075 : vector<16xf32>
          %add3A_1077 = arith.addi %and3A_588, %select_n3A_1043 : vector<16xi32>
          %gather3A_1078 = tpu.vector_load_idx %arg10[%add3A_1046, %add3A_1077] : memref<832x128xf32, #tpu.memory_space<vmem>>[vector<16xi32>, vector<16xi32>], vector<16xf32>,
          %add3A_1079 = arith.addf %add3A_1024, %gather3A_1078 : vector<16xf32>
          %mul3A_1080 = arith.mulf %gather3A_1078, %gather3A_1078 : vector<16xf32>
          %add3A_1081 = arith.addf %add3A_1026, %mul3A_1080 : vector<16xf32>
          %add3A_1082 = arith.addi %and3A_594, %select_n3A_1043 : vector<16xi32>
          %gather3A_1083 = tpu.vector_load_idx %arg10[%add3A_1046, %add3A_1082] : memref<832x128xf32, #tpu.memory_space<vmem>>[vector<16xi32>, vector<16xi32>], vector<16xf32>,
          %add3A_1084 = arith.addf %add3A_1029, %gather3A_1083 : vector<16xf32>
          %mul3A_1085 = arith.mulf %gather3A_1083, %gather3A_1083 : vector<16xf32>
          %add3A_1086 = arith.addf %add3A_1031, %mul3A_1085 : vector<16xf32>
          %add3A_1087 = arith.constant 9 : i32
          %add3A_1088 = vector.broadcast %add3A_1087 : i32 to vector<16xi32>
          %add3A_1089 = arith.addi %add3A_280, %add3A_1088 : vector<16xi32>
          %gather3A_1090 = tpu.vector_load_idx %arg8[%add3A_1089] : memref<3328xi32, #tpu.memory_space<vmem>>[vector<16xi32>], vector<16xi32>,
          %ge3A_1091 = arith.constant 50048 : i32
          %ge3A_1092 = vector.broadcast %ge3A_1091 : i32 to vector<16xi32>
          %ge3A_1093 = arith.cmpi sge, %gather3A_1090, %ge3A_1092 : vector<16xi32>
          %jit3A_1094 = arith.constant 64 : i32
          %jit3A_1095 = arith.constant 0 : i32
          %broadcast_in_dim3A_1096 = vector.broadcast %jit3A_1094 : i32 to vector<16xi32>
          %broadcast_in_dim3A_1097 = vector.broadcast %jit3A_1095 : i32 to vector<16xi32>
          %select_n3A_1098 = arith.select %ge3A_1093, %broadcast_in_dim3A_1096, %broadcast_in_dim3A_1097 : vector<16xi1>, vector<16xi32>
          %add3A_1099 = arith.constant 9 : i32
          %add3A_1100 = vector.broadcast %add3A_1099 : i32 to vector<16xi32>
          %add3A_1101 = arith.addi %add3A_276, %add3A_1100 : vector<16xi32>
          %add3A_1102 = arith.addi %and3A_552, %select_n3A_1098 : vector<16xi32>
          %gather3A_1103 = tpu.vector_load_idx %arg10[%add3A_1101, %add3A_1102] : memref<832x128xf32, #tpu.memory_space<vmem>>[vector<16xi32>, vector<16xi32>], vector<16xf32>,
          %add3A_1104 = arith.addf %add3A_1049, %gather3A_1103 : vector<16xf32>
          %mul3A_1105 = arith.mulf %gather3A_1103, %gather3A_1103 : vector<16xf32>
          %add3A_1106 = arith.addf %add3A_1051, %mul3A_1105 : vector<16xf32>
          %add3A_1107 = arith.addi %and3A_558, %select_n3A_1098 : vector<16xi32>
          %gather3A_1108 = tpu.vector_load_idx %arg10[%add3A_1101, %add3A_1107] : memref<832x128xf32, #tpu.memory_space<vmem>>[vector<16xi32>, vector<16xi32>], vector<16xf32>,
          %add3A_1109 = arith.addf %add3A_1054, %gather3A_1108 : vector<16xf32>
          %mul3A_1110 = arith.mulf %gather3A_1108, %gather3A_1108 : vector<16xf32>
          %add3A_1111 = arith.addf %add3A_1056, %mul3A_1110 : vector<16xf32>
          %add3A_1112 = arith.addi %and3A_564, %select_n3A_1098 : vector<16xi32>
          %gather3A_1113 = tpu.vector_load_idx %arg10[%add3A_1101, %add3A_1112] : memref<832x128xf32, #tpu.memory_space<vmem>>[vector<16xi32>, vector<16xi32>], vector<16xf32>,
          %add3A_1114 = arith.addf %add3A_1059, %gather3A_1113 : vector<16xf32>
          %mul3A_1115 = arith.mulf %gather3A_1113, %gather3A_1113 : vector<16xf32>
          %add3A_1116 = arith.addf %add3A_1061, %mul3A_1115 : vector<16xf32>
          %add3A_1117 = arith.addi %and3A_570, %select_n3A_1098 : vector<16xi32>
          %gather3A_1118 = tpu.vector_load_idx %arg10[%add3A_1101, %add3A_1117] : memref<832x128xf32, #tpu.memory_space<vmem>>[vector<16xi32>, vector<16xi32>], vector<16xf32>,
          %add3A_1119 = arith.addf %add3A_1064, %gather3A_1118 : vector<16xf32>
          %mul3A_1120 = arith.mulf %gather3A_1118, %gather3A_1118 : vector<16xf32>
          %add3A_1121 = arith.addf %add3A_1066, %mul3A_1120 : vector<16xf32>
          %add3A_1122 = arith.addi %and3A_576, %select_n3A_1098 : vector<16xi32>
          %gather3A_1123 = tpu.vector_load_idx %arg10[%add3A_1101, %add3A_1122] : memref<832x128xf32, #tpu.memory_space<vmem>>[vector<16xi32>, vector<16xi32>], vector<16xf32>,
          %add3A_1124 = arith.addf %add3A_1069, %gather3A_1123 : vector<16xf32>
          %mul3A_1125 = arith.mulf %gather3A_1123, %gather3A_1123 : vector<16xf32>
          %add3A_1126 = arith.addf %add3A_1071, %mul3A_1125 : vector<16xf32>
          %add3A_1127 = arith.addi %and3A_582, %select_n3A_1098 : vector<16xi32>
          %gather3A_1128 = tpu.vector_load_idx %arg10[%add3A_1101, %add3A_1127] : memref<832x128xf32, #tpu.memory_space<vmem>>[vector<16xi32>, vector<16xi32>], vector<16xf32>,
          %add3A_1129 = arith.addf %add3A_1074, %gather3A_1128 : vector<16xf32>
          %mul3A_1130 = arith.mulf %gather3A_1128, %gather3A_1128 : vector<16xf32>
          %add3A_1131 = arith.addf %add3A_1076, %mul3A_1130 : vector<16xf32>
          %add3A_1132 = arith.addi %and3A_588, %select_n3A_1098 : vector<16xi32>
          %gather3A_1133 = tpu.vector_load_idx %arg10[%add3A_1101, %add3A_1132] : memref<832x128xf32, #tpu.memory_space<vmem>>[vector<16xi32>, vector<16xi32>], vector<16xf32>,
          %add3A_1134 = arith.addf %add3A_1079, %gather3A_1133 : vector<16xf32>
          %mul3A_1135 = arith.mulf %gather3A_1133, %gather3A_1133 : vector<16xf32>
          %add3A_1136 = arith.addf %add3A_1081, %mul3A_1135 : vector<16xf32>
          %add3A_1137 = arith.addi %and3A_594, %select_n3A_1098 : vector<16xi32>
          %gather3A_1138 = tpu.vector_load_idx %arg10[%add3A_1101, %add3A_1137] : memref<832x128xf32, #tpu.memory_space<vmem>>[vector<16xi32>, vector<16xi32>], vector<16xf32>,
          %add3A_1139 = arith.addf %add3A_1084, %gather3A_1138 : vector<16xf32>
          %mul3A_1140 = arith.mulf %gather3A_1138, %gather3A_1138 : vector<16xf32>
          %add3A_1141 = arith.addf %add3A_1086, %mul3A_1140 : vector<16xf32>
          %add3A_1142 = arith.constant 10 : i32
          %add3A_1143 = vector.broadcast %add3A_1142 : i32 to vector<16xi32>
          %add3A_1144 = arith.addi %add3A_280, %add3A_1143 : vector<16xi32>
          %gather3A_1145 = tpu.vector_load_idx %arg8[%add3A_1144] : memref<3328xi32, #tpu.memory_space<vmem>>[vector<16xi32>], vector<16xi32>,
          %ge3A_1146 = arith.constant 50048 : i32
          %ge3A_1147 = vector.broadcast %ge3A_1146 : i32 to vector<16xi32>
          %ge3A_1148 = arith.cmpi sge, %gather3A_1145, %ge3A_1147 : vector<16xi32>
          %jit3A_1149 = arith.constant 64 : i32
          %jit3A_1150 = arith.constant 0 : i32
          %broadcast_in_dim3A_1151 = vector.broadcast %jit3A_1149 : i32 to vector<16xi32>
          %broadcast_in_dim3A_1152 = vector.broadcast %jit3A_1150 : i32 to vector<16xi32>
          %select_n3A_1153 = arith.select %ge3A_1148, %broadcast_in_dim3A_1151, %broadcast_in_dim3A_1152 : vector<16xi1>, vector<16xi32>
          %add3A_1154 = arith.constant 10 : i32
          %add3A_1155 = vector.broadcast %add3A_1154 : i32 to vector<16xi32>
          %add3A_1156 = arith.addi %add3A_276, %add3A_1155 : vector<16xi32>
          %add3A_1157 = arith.addi %and3A_552, %select_n3A_1153 : vector<16xi32>
          %gather3A_1158 = tpu.vector_load_idx %arg10[%add3A_1156, %add3A_1157] : memref<832x128xf32, #tpu.memory_space<vmem>>[vector<16xi32>, vector<16xi32>], vector<16xf32>,
          %add3A_1159 = arith.addf %add3A_1104, %gather3A_1158 : vector<16xf32>
          %mul3A_1160 = arith.mulf %gather3A_1158, %gather3A_1158 : vector<16xf32>
          %add3A_1161 = arith.addf %add3A_1106, %mul3A_1160 : vector<16xf32>
          %add3A_1162 = arith.addi %and3A_558, %select_n3A_1153 : vector<16xi32>
          %gather3A_1163 = tpu.vector_load_idx %arg10[%add3A_1156, %add3A_1162] : memref<832x128xf32, #tpu.memory_space<vmem>>[vector<16xi32>, vector<16xi32>], vector<16xf32>,
          %add3A_1164 = arith.addf %add3A_1109, %gather3A_1163 : vector<16xf32>
          %mul3A_1165 = arith.mulf %gather3A_1163, %gather3A_1163 : vector<16xf32>
          %add3A_1166 = arith.addf %add3A_1111, %mul3A_1165 : vector<16xf32>
          %add3A_1167 = arith.addi %and3A_564, %select_n3A_1153 : vector<16xi32>
          %gather3A_1168 = tpu.vector_load_idx %arg10[%add3A_1156, %add3A_1167] : memref<832x128xf32, #tpu.memory_space<vmem>>[vector<16xi32>, vector<16xi32>], vector<16xf32>,
          %add3A_1169 = arith.addf %add3A_1114, %gather3A_1168 : vector<16xf32>
          %mul3A_1170 = arith.mulf %gather3A_1168, %gather3A_1168 : vector<16xf32>
          %add3A_1171 = arith.addf %add3A_1116, %mul3A_1170 : vector<16xf32>
          %add3A_1172 = arith.addi %and3A_570, %select_n3A_1153 : vector<16xi32>
          %gather3A_1173 = tpu.vector_load_idx %arg10[%add3A_1156, %add3A_1172] : memref<832x128xf32, #tpu.memory_space<vmem>>[vector<16xi32>, vector<16xi32>], vector<16xf32>,
          %add3A_1174 = arith.addf %add3A_1119, %gather3A_1173 : vector<16xf32>
          %mul3A_1175 = arith.mulf %gather3A_1173, %gather3A_1173 : vector<16xf32>
          %add3A_1176 = arith.addf %add3A_1121, %mul3A_1175 : vector<16xf32>
          %add3A_1177 = arith.addi %and3A_576, %select_n3A_1153 : vector<16xi32>
          %gather3A_1178 = tpu.vector_load_idx %arg10[%add3A_1156, %add3A_1177] : memref<832x128xf32, #tpu.memory_space<vmem>>[vector<16xi32>, vector<16xi32>], vector<16xf32>,
          %add3A_1179 = arith.addf %add3A_1124, %gather3A_1178 : vector<16xf32>
          %mul3A_1180 = arith.mulf %gather3A_1178, %gather3A_1178 : vector<16xf32>
          %add3A_1181 = arith.addf %add3A_1126, %mul3A_1180 : vector<16xf32>
          %add3A_1182 = arith.addi %and3A_582, %select_n3A_1153 : vector<16xi32>
          %gather3A_1183 = tpu.vector_load_idx %arg10[%add3A_1156, %add3A_1182] : memref<832x128xf32, #tpu.memory_space<vmem>>[vector<16xi32>, vector<16xi32>], vector<16xf32>,
          %add3A_1184 = arith.addf %add3A_1129, %gather3A_1183 : vector<16xf32>
          %mul3A_1185 = arith.mulf %gather3A_1183, %gather3A_1183 : vector<16xf32>
          %add3A_1186 = arith.addf %add3A_1131, %mul3A_1185 : vector<16xf32>
          %add3A_1187 = arith.addi %and3A_588, %select_n3A_1153 : vector<16xi32>
          %gather3A_1188 = tpu.vector_load_idx %arg10[%add3A_1156, %add3A_1187] : memref<832x128xf32, #tpu.memory_space<vmem>>[vector<16xi32>, vector<16xi32>], vector<16xf32>,
          %add3A_1189 = arith.addf %add3A_1134, %gather3A_1188 : vector<16xf32>
          %mul3A_1190 = arith.mulf %gather3A_1188, %gather3A_1188 : vector<16xf32>
          %add3A_1191 = arith.addf %add3A_1136, %mul3A_1190 : vector<16xf32>
          %add3A_1192 = arith.addi %and3A_594, %select_n3A_1153 : vector<16xi32>
          %gather3A_1193 = tpu.vector_load_idx %arg10[%add3A_1156, %add3A_1192] : memref<832x128xf32, #tpu.memory_space<vmem>>[vector<16xi32>, vector<16xi32>], vector<16xf32>,
          %add3A_1194 = arith.addf %add3A_1139, %gather3A_1193 : vector<16xf32>
          %mul3A_1195 = arith.mulf %gather3A_1193, %gather3A_1193 : vector<16xf32>
          %add3A_1196 = arith.addf %add3A_1141, %mul3A_1195 : vector<16xf32>
          %add3A_1197 = arith.constant 11 : i32
          %add3A_1198 = vector.broadcast %add3A_1197 : i32 to vector<16xi32>
          %add3A_1199 = arith.addi %add3A_280, %add3A_1198 : vector<16xi32>
          %gather3A_1200 = tpu.vector_load_idx %arg8[%add3A_1199] : memref<3328xi32, #tpu.memory_space<vmem>>[vector<16xi32>], vector<16xi32>,
          %ge3A_1201 = arith.constant 50048 : i32
          %ge3A_1202 = vector.broadcast %ge3A_1201 : i32 to vector<16xi32>
          %ge3A_1203 = arith.cmpi sge, %gather3A_1200, %ge3A_1202 : vector<16xi32>
          %jit3A_1204 = arith.constant 64 : i32
          %jit3A_1205 = arith.constant 0 : i32
          %broadcast_in_dim3A_1206 = vector.broadcast %jit3A_1204 : i32 to vector<16xi32>
          %broadcast_in_dim3A_1207 = vector.broadcast %jit3A_1205 : i32 to vector<16xi32>
          %select_n3A_1208 = arith.select %ge3A_1203, %broadcast_in_dim3A_1206, %broadcast_in_dim3A_1207 : vector<16xi1>, vector<16xi32>
          %add3A_1209 = arith.constant 11 : i32
          %add3A_1210 = vector.broadcast %add3A_1209 : i32 to vector<16xi32>
          %add3A_1211 = arith.addi %add3A_276, %add3A_1210 : vector<16xi32>
          %add3A_1212 = arith.addi %and3A_552, %select_n3A_1208 : vector<16xi32>
          %gather3A_1213 = tpu.vector_load_idx %arg10[%add3A_1211, %add3A_1212] : memref<832x128xf32, #tpu.memory_space<vmem>>[vector<16xi32>, vector<16xi32>], vector<16xf32>,
          %add3A_1214 = arith.addf %add3A_1159, %gather3A_1213 : vector<16xf32>
          %mul3A_1215 = arith.mulf %gather3A_1213, %gather3A_1213 : vector<16xf32>
          %add3A_1216 = arith.addf %add3A_1161, %mul3A_1215 : vector<16xf32>
          %add3A_1217 = arith.addi %and3A_558, %select_n3A_1208 : vector<16xi32>
          %gather3A_1218 = tpu.vector_load_idx %arg10[%add3A_1211, %add3A_1217] : memref<832x128xf32, #tpu.memory_space<vmem>>[vector<16xi32>, vector<16xi32>], vector<16xf32>,
          %add3A_1219 = arith.addf %add3A_1164, %gather3A_1218 : vector<16xf32>
          %mul3A_1220 = arith.mulf %gather3A_1218, %gather3A_1218 : vector<16xf32>
          %add3A_1221 = arith.addf %add3A_1166, %mul3A_1220 : vector<16xf32>
          %add3A_1222 = arith.addi %and3A_564, %select_n3A_1208 : vector<16xi32>
          %gather3A_1223 = tpu.vector_load_idx %arg10[%add3A_1211, %add3A_1222] : memref<832x128xf32, #tpu.memory_space<vmem>>[vector<16xi32>, vector<16xi32>], vector<16xf32>,
          %add3A_1224 = arith.addf %add3A_1169, %gather3A_1223 : vector<16xf32>
          %mul3A_1225 = arith.mulf %gather3A_1223, %gather3A_1223 : vector<16xf32>
          %add3A_1226 = arith.addf %add3A_1171, %mul3A_1225 : vector<16xf32>
          %add3A_1227 = arith.addi %and3A_570, %select_n3A_1208 : vector<16xi32>
          %gather3A_1228 = tpu.vector_load_idx %arg10[%add3A_1211, %add3A_1227] : memref<832x128xf32, #tpu.memory_space<vmem>>[vector<16xi32>, vector<16xi32>], vector<16xf32>,
          %add3A_1229 = arith.addf %add3A_1174, %gather3A_1228 : vector<16xf32>
          %mul3A_1230 = arith.mulf %gather3A_1228, %gather3A_1228 : vector<16xf32>
          %add3A_1231 = arith.addf %add3A_1176, %mul3A_1230 : vector<16xf32>
          %add3A_1232 = arith.addi %and3A_576, %select_n3A_1208 : vector<16xi32>
          %gather3A_1233 = tpu.vector_load_idx %arg10[%add3A_1211, %add3A_1232] : memref<832x128xf32, #tpu.memory_space<vmem>>[vector<16xi32>, vector<16xi32>], vector<16xf32>,
          %add3A_1234 = arith.addf %add3A_1179, %gather3A_1233 : vector<16xf32>
          %mul3A_1235 = arith.mulf %gather3A_1233, %gather3A_1233 : vector<16xf32>
          %add3A_1236 = arith.addf %add3A_1181, %mul3A_1235 : vector<16xf32>
          %add3A_1237 = arith.addi %and3A_582, %select_n3A_1208 : vector<16xi32>
          %gather3A_1238 = tpu.vector_load_idx %arg10[%add3A_1211, %add3A_1237] : memref<832x128xf32, #tpu.memory_space<vmem>>[vector<16xi32>, vector<16xi32>], vector<16xf32>,
          %add3A_1239 = arith.addf %add3A_1184, %gather3A_1238 : vector<16xf32>
          %mul3A_1240 = arith.mulf %gather3A_1238, %gather3A_1238 : vector<16xf32>
          %add3A_1241 = arith.addf %add3A_1186, %mul3A_1240 : vector<16xf32>
          %add3A_1242 = arith.addi %and3A_588, %select_n3A_1208 : vector<16xi32>
          %gather3A_1243 = tpu.vector_load_idx %arg10[%add3A_1211, %add3A_1242] : memref<832x128xf32, #tpu.memory_space<vmem>>[vector<16xi32>, vector<16xi32>], vector<16xf32>,
          %add3A_1244 = arith.addf %add3A_1189, %gather3A_1243 : vector<16xf32>
          %mul3A_1245 = arith.mulf %gather3A_1243, %gather3A_1243 : vector<16xf32>
          %add3A_1246 = arith.addf %add3A_1191, %mul3A_1245 : vector<16xf32>
          %add3A_1247 = arith.addi %and3A_594, %select_n3A_1208 : vector<16xi32>
          %gather3A_1248 = tpu.vector_load_idx %arg10[%add3A_1211, %add3A_1247] : memref<832x128xf32, #tpu.memory_space<vmem>>[vector<16xi32>, vector<16xi32>], vector<16xf32>,
          %add3A_1249 = arith.addf %add3A_1194, %gather3A_1248 : vector<16xf32>
          %mul3A_1250 = arith.mulf %gather3A_1248, %gather3A_1248 : vector<16xf32>
          %add3A_1251 = arith.addf %add3A_1196, %mul3A_1250 : vector<16xf32>
          %add3A_1252 = arith.constant 12 : i32
          %add3A_1253 = vector.broadcast %add3A_1252 : i32 to vector<16xi32>
          %add3A_1254 = arith.addi %add3A_280, %add3A_1253 : vector<16xi32>
          %gather3A_1255 = tpu.vector_load_idx %arg8[%add3A_1254] : memref<3328xi32, #tpu.memory_space<vmem>>[vector<16xi32>], vector<16xi32>,
          %ge3A_1256 = arith.constant 50048 : i32
          %ge3A_1257 = vector.broadcast %ge3A_1256 : i32 to vector<16xi32>
          %ge3A_1258 = arith.cmpi sge, %gather3A_1255, %ge3A_1257 : vector<16xi32>
          %jit3A_1259 = arith.constant 64 : i32
          %jit3A_1260 = arith.constant 0 : i32
          %broadcast_in_dim3A_1261 = vector.broadcast %jit3A_1259 : i32 to vector<16xi32>
          %broadcast_in_dim3A_1262 = vector.broadcast %jit3A_1260 : i32 to vector<16xi32>
          %select_n3A_1263 = arith.select %ge3A_1258, %broadcast_in_dim3A_1261, %broadcast_in_dim3A_1262 : vector<16xi1>, vector<16xi32>
          %add3A_1264 = arith.constant 12 : i32
          %add3A_1265 = vector.broadcast %add3A_1264 : i32 to vector<16xi32>
          %add3A_1266 = arith.addi %add3A_276, %add3A_1265 : vector<16xi32>
          %add3A_1267 = arith.addi %and3A_552, %select_n3A_1263 : vector<16xi32>
          %gather3A_1268 = tpu.vector_load_idx %arg10[%add3A_1266, %add3A_1267] : memref<832x128xf32, #tpu.memory_space<vmem>>[vector<16xi32>, vector<16xi32>], vector<16xf32>,
          %add3A_1269 = arith.addf %add3A_1214, %gather3A_1268 : vector<16xf32>
          %mul3A_1270 = arith.mulf %gather3A_1268, %gather3A_1268 : vector<16xf32>
          %add3A_1271 = arith.addf %add3A_1216, %mul3A_1270 : vector<16xf32>
          %add3A_1272 = arith.addi %and3A_558, %select_n3A_1263 : vector<16xi32>
          %gather3A_1273 = tpu.vector_load_idx %arg10[%add3A_1266, %add3A_1272] : memref<832x128xf32, #tpu.memory_space<vmem>>[vector<16xi32>, vector<16xi32>], vector<16xf32>,
          %add3A_1274 = arith.addf %add3A_1219, %gather3A_1273 : vector<16xf32>
          %mul3A_1275 = arith.mulf %gather3A_1273, %gather3A_1273 : vector<16xf32>
          %add3A_1276 = arith.addf %add3A_1221, %mul3A_1275 : vector<16xf32>
          %add3A_1277 = arith.addi %and3A_564, %select_n3A_1263 : vector<16xi32>
          %gather3A_1278 = tpu.vector_load_idx %arg10[%add3A_1266, %add3A_1277] : memref<832x128xf32, #tpu.memory_space<vmem>>[vector<16xi32>, vector<16xi32>], vector<16xf32>,
          %add3A_1279 = arith.addf %add3A_1224, %gather3A_1278 : vector<16xf32>
          %mul3A_1280 = arith.mulf %gather3A_1278, %gather3A_1278 : vector<16xf32>
          %add3A_1281 = arith.addf %add3A_1226, %mul3A_1280 : vector<16xf32>
          %add3A_1282 = arith.addi %and3A_570, %select_n3A_1263 : vector<16xi32>
          %gather3A_1283 = tpu.vector_load_idx %arg10[%add3A_1266, %add3A_1282] : memref<832x128xf32, #tpu.memory_space<vmem>>[vector<16xi32>, vector<16xi32>], vector<16xf32>,
          %add3A_1284 = arith.addf %add3A_1229, %gather3A_1283 : vector<16xf32>
          %mul3A_1285 = arith.mulf %gather3A_1283, %gather3A_1283 : vector<16xf32>
          %add3A_1286 = arith.addf %add3A_1231, %mul3A_1285 : vector<16xf32>
          %add3A_1287 = arith.addi %and3A_576, %select_n3A_1263 : vector<16xi32>
          %gather3A_1288 = tpu.vector_load_idx %arg10[%add3A_1266, %add3A_1287] : memref<832x128xf32, #tpu.memory_space<vmem>>[vector<16xi32>, vector<16xi32>], vector<16xf32>,
          %add3A_1289 = arith.addf %add3A_1234, %gather3A_1288 : vector<16xf32>
          %mul3A_1290 = arith.mulf %gather3A_1288, %gather3A_1288 : vector<16xf32>
          %add3A_1291 = arith.addf %add3A_1236, %mul3A_1290 : vector<16xf32>
          %add3A_1292 = arith.addi %and3A_582, %select_n3A_1263 : vector<16xi32>
          %gather3A_1293 = tpu.vector_load_idx %arg10[%add3A_1266, %add3A_1292] : memref<832x128xf32, #tpu.memory_space<vmem>>[vector<16xi32>, vector<16xi32>], vector<16xf32>,
          %add3A_1294 = arith.addf %add3A_1239, %gather3A_1293 : vector<16xf32>
          %mul3A_1295 = arith.mulf %gather3A_1293, %gather3A_1293 : vector<16xf32>
          %add3A_1296 = arith.addf %add3A_1241, %mul3A_1295 : vector<16xf32>
          %add3A_1297 = arith.addi %and3A_588, %select_n3A_1263 : vector<16xi32>
          %gather3A_1298 = tpu.vector_load_idx %arg10[%add3A_1266, %add3A_1297] : memref<832x128xf32, #tpu.memory_space<vmem>>[vector<16xi32>, vector<16xi32>], vector<16xf32>,
          %add3A_1299 = arith.addf %add3A_1244, %gather3A_1298 : vector<16xf32>
          %mul3A_1300 = arith.mulf %gather3A_1298, %gather3A_1298 : vector<16xf32>
          %add3A_1301 = arith.addf %add3A_1246, %mul3A_1300 : vector<16xf32>
          %add3A_1302 = arith.addi %and3A_594, %select_n3A_1263 : vector<16xi32>
          %gather3A_1303 = tpu.vector_load_idx %arg10[%add3A_1266, %add3A_1302] : memref<832x128xf32, #tpu.memory_space<vmem>>[vector<16xi32>, vector<16xi32>], vector<16xf32>,
          %add3A_1304 = arith.addf %add3A_1249, %gather3A_1303 : vector<16xf32>
          %mul3A_1305 = arith.mulf %gather3A_1303, %gather3A_1303 : vector<16xf32>
          %add3A_1306 = arith.addf %add3A_1251, %mul3A_1305 : vector<16xf32>
          %add3A_1307 = arith.constant 13 : i32
          %add3A_1308 = vector.broadcast %add3A_1307 : i32 to vector<16xi32>
          %add3A_1309 = arith.addi %add3A_280, %add3A_1308 : vector<16xi32>
          %gather3A_1310 = tpu.vector_load_idx %arg8[%add3A_1309] : memref<3328xi32, #tpu.memory_space<vmem>>[vector<16xi32>], vector<16xi32>,
          %ge3A_1311 = arith.constant 50048 : i32
          %ge3A_1312 = vector.broadcast %ge3A_1311 : i32 to vector<16xi32>
          %ge3A_1313 = arith.cmpi sge, %gather3A_1310, %ge3A_1312 : vector<16xi32>
          %jit3A_1314 = arith.constant 64 : i32
          %jit3A_1315 = arith.constant 0 : i32
          %broadcast_in_dim3A_1316 = vector.broadcast %jit3A_1314 : i32 to vector<16xi32>
          %broadcast_in_dim3A_1317 = vector.broadcast %jit3A_1315 : i32 to vector<16xi32>
          %select_n3A_1318 = arith.select %ge3A_1313, %broadcast_in_dim3A_1316, %broadcast_in_dim3A_1317 : vector<16xi1>, vector<16xi32>
          %add3A_1319 = arith.constant 13 : i32
          %add3A_1320 = vector.broadcast %add3A_1319 : i32 to vector<16xi32>
          %add3A_1321 = arith.addi %add3A_276, %add3A_1320 : vector<16xi32>
          %add3A_1322 = arith.addi %and3A_552, %select_n3A_1318 : vector<16xi32>
          %gather3A_1323 = tpu.vector_load_idx %arg10[%add3A_1321, %add3A_1322] : memref<832x128xf32, #tpu.memory_space<vmem>>[vector<16xi32>, vector<16xi32>], vector<16xf32>,
          %add3A_1324 = arith.addf %add3A_1269, %gather3A_1323 : vector<16xf32>
          %mul3A_1325 = arith.mulf %gather3A_1323, %gather3A_1323 : vector<16xf32>
          %add3A_1326 = arith.addf %add3A_1271, %mul3A_1325 : vector<16xf32>
          %add3A_1327 = arith.addi %and3A_558, %select_n3A_1318 : vector<16xi32>
          %gather3A_1328 = tpu.vector_load_idx %arg10[%add3A_1321, %add3A_1327] : memref<832x128xf32, #tpu.memory_space<vmem>>[vector<16xi32>, vector<16xi32>], vector<16xf32>,
          %add3A_1329 = arith.addf %add3A_1274, %gather3A_1328 : vector<16xf32>
          %mul3A_1330 = arith.mulf %gather3A_1328, %gather3A_1328 : vector<16xf32>
          %add3A_1331 = arith.addf %add3A_1276, %mul3A_1330 : vector<16xf32>
          %add3A_1332 = arith.addi %and3A_564, %select_n3A_1318 : vector<16xi32>
          %gather3A_1333 = tpu.vector_load_idx %arg10[%add3A_1321, %add3A_1332] : memref<832x128xf32, #tpu.memory_space<vmem>>[vector<16xi32>, vector<16xi32>], vector<16xf32>,
          %add3A_1334 = arith.addf %add3A_1279, %gather3A_1333 : vector<16xf32>
          %mul3A_1335 = arith.mulf %gather3A_1333, %gather3A_1333 : vector<16xf32>
          %add3A_1336 = arith.addf %add3A_1281, %mul3A_1335 : vector<16xf32>
          %add3A_1337 = arith.addi %and3A_570, %select_n3A_1318 : vector<16xi32>
          %gather3A_1338 = tpu.vector_load_idx %arg10[%add3A_1321, %add3A_1337] : memref<832x128xf32, #tpu.memory_space<vmem>>[vector<16xi32>, vector<16xi32>], vector<16xf32>,
          %add3A_1339 = arith.addf %add3A_1284, %gather3A_1338 : vector<16xf32>
          %mul3A_1340 = arith.mulf %gather3A_1338, %gather3A_1338 : vector<16xf32>
          %add3A_1341 = arith.addf %add3A_1286, %mul3A_1340 : vector<16xf32>
          %add3A_1342 = arith.addi %and3A_576, %select_n3A_1318 : vector<16xi32>
          %gather3A_1343 = tpu.vector_load_idx %arg10[%add3A_1321, %add3A_1342] : memref<832x128xf32, #tpu.memory_space<vmem>>[vector<16xi32>, vector<16xi32>], vector<16xf32>,
          %add3A_1344 = arith.addf %add3A_1289, %gather3A_1343 : vector<16xf32>
          %mul3A_1345 = arith.mulf %gather3A_1343, %gather3A_1343 : vector<16xf32>
          %add3A_1346 = arith.addf %add3A_1291, %mul3A_1345 : vector<16xf32>
          %add3A_1347 = arith.addi %and3A_582, %select_n3A_1318 : vector<16xi32>
          %gather3A_1348 = tpu.vector_load_idx %arg10[%add3A_1321, %add3A_1347] : memref<832x128xf32, #tpu.memory_space<vmem>>[vector<16xi32>, vector<16xi32>], vector<16xf32>,
          %add3A_1349 = arith.addf %add3A_1294, %gather3A_1348 : vector<16xf32>
          %mul3A_1350 = arith.mulf %gather3A_1348, %gather3A_1348 : vector<16xf32>
          %add3A_1351 = arith.addf %add3A_1296, %mul3A_1350 : vector<16xf32>
          %add3A_1352 = arith.addi %and3A_588, %select_n3A_1318 : vector<16xi32>
          %gather3A_1353 = tpu.vector_load_idx %arg10[%add3A_1321, %add3A_1352] : memref<832x128xf32, #tpu.memory_space<vmem>>[vector<16xi32>, vector<16xi32>], vector<16xf32>,
          %add3A_1354 = arith.addf %add3A_1299, %gather3A_1353 : vector<16xf32>
          %mul3A_1355 = arith.mulf %gather3A_1353, %gather3A_1353 : vector<16xf32>
          %add3A_1356 = arith.addf %add3A_1301, %mul3A_1355 : vector<16xf32>
          %add3A_1357 = arith.addi %and3A_594, %select_n3A_1318 : vector<16xi32>
          %gather3A_1358 = tpu.vector_load_idx %arg10[%add3A_1321, %add3A_1357] : memref<832x128xf32, #tpu.memory_space<vmem>>[vector<16xi32>, vector<16xi32>], vector<16xf32>,
          %add3A_1359 = arith.addf %add3A_1304, %gather3A_1358 : vector<16xf32>
          %mul3A_1360 = arith.mulf %gather3A_1358, %gather3A_1358 : vector<16xf32>
          %add3A_1361 = arith.addf %add3A_1306, %mul3A_1360 : vector<16xf32>
          %add3A_1362 = arith.constant 14 : i32
          %add3A_1363 = vector.broadcast %add3A_1362 : i32 to vector<16xi32>
          %add3A_1364 = arith.addi %add3A_280, %add3A_1363 : vector<16xi32>
          %gather3A_1365 = tpu.vector_load_idx %arg8[%add3A_1364] : memref<3328xi32, #tpu.memory_space<vmem>>[vector<16xi32>], vector<16xi32>,
          %ge3A_1366 = arith.constant 50048 : i32
          %ge3A_1367 = vector.broadcast %ge3A_1366 : i32 to vector<16xi32>
          %ge3A_1368 = arith.cmpi sge, %gather3A_1365, %ge3A_1367 : vector<16xi32>
          %jit3A_1369 = arith.constant 64 : i32
          %jit3A_1370 = arith.constant 0 : i32
          %broadcast_in_dim3A_1371 = vector.broadcast %jit3A_1369 : i32 to vector<16xi32>
          %broadcast_in_dim3A_1372 = vector.broadcast %jit3A_1370 : i32 to vector<16xi32>
          %select_n3A_1373 = arith.select %ge3A_1368, %broadcast_in_dim3A_1371, %broadcast_in_dim3A_1372 : vector<16xi1>, vector<16xi32>
          %add3A_1374 = arith.constant 14 : i32
          %add3A_1375 = vector.broadcast %add3A_1374 : i32 to vector<16xi32>
          %add3A_1376 = arith.addi %add3A_276, %add3A_1375 : vector<16xi32>
          %add3A_1377 = arith.addi %and3A_552, %select_n3A_1373 : vector<16xi32>
          %gather3A_1378 = tpu.vector_load_idx %arg10[%add3A_1376, %add3A_1377] : memref<832x128xf32, #tpu.memory_space<vmem>>[vector<16xi32>, vector<16xi32>], vector<16xf32>,
          %add3A_1379 = arith.addf %add3A_1324, %gather3A_1378 : vector<16xf32>
          %mul3A_1380 = arith.mulf %gather3A_1378, %gather3A_1378 : vector<16xf32>
          %add3A_1381 = arith.addf %add3A_1326, %mul3A_1380 : vector<16xf32>
          %add3A_1382 = arith.addi %and3A_558, %select_n3A_1373 : vector<16xi32>
          %gather3A_1383 = tpu.vector_load_idx %arg10[%add3A_1376, %add3A_1382] : memref<832x128xf32, #tpu.memory_space<vmem>>[vector<16xi32>, vector<16xi32>], vector<16xf32>,
          %add3A_1384 = arith.addf %add3A_1329, %gather3A_1383 : vector<16xf32>
          %mul3A_1385 = arith.mulf %gather3A_1383, %gather3A_1383 : vector<16xf32>
          %add3A_1386 = arith.addf %add3A_1331, %mul3A_1385 : vector<16xf32>
          %add3A_1387 = arith.addi %and3A_564, %select_n3A_1373 : vector<16xi32>
          %gather3A_1388 = tpu.vector_load_idx %arg10[%add3A_1376, %add3A_1387] : memref<832x128xf32, #tpu.memory_space<vmem>>[vector<16xi32>, vector<16xi32>], vector<16xf32>,
          %add3A_1389 = arith.addf %add3A_1334, %gather3A_1388 : vector<16xf32>
          %mul3A_1390 = arith.mulf %gather3A_1388, %gather3A_1388 : vector<16xf32>
          %add3A_1391 = arith.addf %add3A_1336, %mul3A_1390 : vector<16xf32>
          %add3A_1392 = arith.addi %and3A_570, %select_n3A_1373 : vector<16xi32>
          %gather3A_1393 = tpu.vector_load_idx %arg10[%add3A_1376, %add3A_1392] : memref<832x128xf32, #tpu.memory_space<vmem>>[vector<16xi32>, vector<16xi32>], vector<16xf32>,
          %add3A_1394 = arith.addf %add3A_1339, %gather3A_1393 : vector<16xf32>
          %mul3A_1395 = arith.mulf %gather3A_1393, %gather3A_1393 : vector<16xf32>
          %add3A_1396 = arith.addf %add3A_1341, %mul3A_1395 : vector<16xf32>
          %add3A_1397 = arith.addi %and3A_576, %select_n3A_1373 : vector<16xi32>
          %gather3A_1398 = tpu.vector_load_idx %arg10[%add3A_1376, %add3A_1397] : memref<832x128xf32, #tpu.memory_space<vmem>>[vector<16xi32>, vector<16xi32>], vector<16xf32>,
          %add3A_1399 = arith.addf %add3A_1344, %gather3A_1398 : vector<16xf32>
          %mul3A_1400 = arith.mulf %gather3A_1398, %gather3A_1398 : vector<16xf32>
          %add3A_1401 = arith.addf %add3A_1346, %mul3A_1400 : vector<16xf32>
          %add3A_1402 = arith.addi %and3A_582, %select_n3A_1373 : vector<16xi32>
          %gather3A_1403 = tpu.vector_load_idx %arg10[%add3A_1376, %add3A_1402] : memref<832x128xf32, #tpu.memory_space<vmem>>[vector<16xi32>, vector<16xi32>], vector<16xf32>,
          %add3A_1404 = arith.addf %add3A_1349, %gather3A_1403 : vector<16xf32>
          %mul3A_1405 = arith.mulf %gather3A_1403, %gather3A_1403 : vector<16xf32>
          %add3A_1406 = arith.addf %add3A_1351, %mul3A_1405 : vector<16xf32>
          %add3A_1407 = arith.addi %and3A_588, %select_n3A_1373 : vector<16xi32>
          %gather3A_1408 = tpu.vector_load_idx %arg10[%add3A_1376, %add3A_1407] : memref<832x128xf32, #tpu.memory_space<vmem>>[vector<16xi32>, vector<16xi32>], vector<16xf32>,
          %add3A_1409 = arith.addf %add3A_1354, %gather3A_1408 : vector<16xf32>
          %mul3A_1410 = arith.mulf %gather3A_1408, %gather3A_1408 : vector<16xf32>
          %add3A_1411 = arith.addf %add3A_1356, %mul3A_1410 : vector<16xf32>
          %add3A_1412 = arith.addi %and3A_594, %select_n3A_1373 : vector<16xi32>
          %gather3A_1413 = tpu.vector_load_idx %arg10[%add3A_1376, %add3A_1412] : memref<832x128xf32, #tpu.memory_space<vmem>>[vector<16xi32>, vector<16xi32>], vector<16xf32>,
          %add3A_1414 = arith.addf %add3A_1359, %gather3A_1413 : vector<16xf32>
          %mul3A_1415 = arith.mulf %gather3A_1413, %gather3A_1413 : vector<16xf32>
          %add3A_1416 = arith.addf %add3A_1361, %mul3A_1415 : vector<16xf32>
          %add3A_1417 = arith.constant 15 : i32
          %add3A_1418 = vector.broadcast %add3A_1417 : i32 to vector<16xi32>
          %add3A_1419 = arith.addi %add3A_280, %add3A_1418 : vector<16xi32>
          %gather3A_1420 = tpu.vector_load_idx %arg8[%add3A_1419] : memref<3328xi32, #tpu.memory_space<vmem>>[vector<16xi32>], vector<16xi32>,
          %ge3A_1421 = arith.constant 50048 : i32
          %ge3A_1422 = vector.broadcast %ge3A_1421 : i32 to vector<16xi32>
          %ge3A_1423 = arith.cmpi sge, %gather3A_1420, %ge3A_1422 : vector<16xi32>
          %jit3A_1424 = arith.constant 64 : i32
          %jit3A_1425 = arith.constant 0 : i32
          %broadcast_in_dim3A_1426 = vector.broadcast %jit3A_1424 : i32 to vector<16xi32>
          %broadcast_in_dim3A_1427 = vector.broadcast %jit3A_1425 : i32 to vector<16xi32>
          %select_n3A_1428 = arith.select %ge3A_1423, %broadcast_in_dim3A_1426, %broadcast_in_dim3A_1427 : vector<16xi1>, vector<16xi32>
          %add3A_1429 = arith.constant 15 : i32
          %add3A_1430 = vector.broadcast %add3A_1429 : i32 to vector<16xi32>
          %add3A_1431 = arith.addi %add3A_276, %add3A_1430 : vector<16xi32>
          %add3A_1432 = arith.addi %and3A_552, %select_n3A_1428 : vector<16xi32>
          %gather3A_1433 = tpu.vector_load_idx %arg10[%add3A_1431, %add3A_1432] : memref<832x128xf32, #tpu.memory_space<vmem>>[vector<16xi32>, vector<16xi32>], vector<16xf32>,
          %add3A_1434 = arith.addf %add3A_1379, %gather3A_1433 : vector<16xf32>
          %mul3A_1435 = arith.mulf %gather3A_1433, %gather3A_1433 : vector<16xf32>
          %add3A_1436 = arith.addf %add3A_1381, %mul3A_1435 : vector<16xf32>
          %add3A_1437 = arith.addi %and3A_558, %select_n3A_1428 : vector<16xi32>
          %gather3A_1438 = tpu.vector_load_idx %arg10[%add3A_1431, %add3A_1437] : memref<832x128xf32, #tpu.memory_space<vmem>>[vector<16xi32>, vector<16xi32>], vector<16xf32>,
          %add3A_1439 = arith.addf %add3A_1384, %gather3A_1438 : vector<16xf32>
          %mul3A_1440 = arith.mulf %gather3A_1438, %gather3A_1438 : vector<16xf32>
          %add3A_1441 = arith.addf %add3A_1386, %mul3A_1440 : vector<16xf32>
          %add3A_1442 = arith.addi %and3A_564, %select_n3A_1428 : vector<16xi32>
          %gather3A_1443 = tpu.vector_load_idx %arg10[%add3A_1431, %add3A_1442] : memref<832x128xf32, #tpu.memory_space<vmem>>[vector<16xi32>, vector<16xi32>], vector<16xf32>,
          %add3A_1444 = arith.addf %add3A_1389, %gather3A_1443 : vector<16xf32>
          %mul3A_1445 = arith.mulf %gather3A_1443, %gather3A_1443 : vector<16xf32>
          %add3A_1446 = arith.addf %add3A_1391, %mul3A_1445 : vector<16xf32>
          %add3A_1447 = arith.addi %and3A_570, %select_n3A_1428 : vector<16xi32>
          %gather3A_1448 = tpu.vector_load_idx %arg10[%add3A_1431, %add3A_1447] : memref<832x128xf32, #tpu.memory_space<vmem>>[vector<16xi32>, vector<16xi32>], vector<16xf32>,
          %add3A_1449 = arith.addf %add3A_1394, %gather3A_1448 : vector<16xf32>
          %mul3A_1450 = arith.mulf %gather3A_1448, %gather3A_1448 : vector<16xf32>
          %add3A_1451 = arith.addf %add3A_1396, %mul3A_1450 : vector<16xf32>
          %add3A_1452 = arith.addi %and3A_576, %select_n3A_1428 : vector<16xi32>
          %gather3A_1453 = tpu.vector_load_idx %arg10[%add3A_1431, %add3A_1452] : memref<832x128xf32, #tpu.memory_space<vmem>>[vector<16xi32>, vector<16xi32>], vector<16xf32>,
          %add3A_1454 = arith.addf %add3A_1399, %gather3A_1453 : vector<16xf32>
          %mul3A_1455 = arith.mulf %gather3A_1453, %gather3A_1453 : vector<16xf32>
          %add3A_1456 = arith.addf %add3A_1401, %mul3A_1455 : vector<16xf32>
          %add3A_1457 = arith.addi %and3A_582, %select_n3A_1428 : vector<16xi32>
          %gather3A_1458 = tpu.vector_load_idx %arg10[%add3A_1431, %add3A_1457] : memref<832x128xf32, #tpu.memory_space<vmem>>[vector<16xi32>, vector<16xi32>], vector<16xf32>,
          %add3A_1459 = arith.addf %add3A_1404, %gather3A_1458 : vector<16xf32>
          %mul3A_1460 = arith.mulf %gather3A_1458, %gather3A_1458 : vector<16xf32>
          %add3A_1461 = arith.addf %add3A_1406, %mul3A_1460 : vector<16xf32>
          %add3A_1462 = arith.addi %and3A_588, %select_n3A_1428 : vector<16xi32>
          %gather3A_1463 = tpu.vector_load_idx %arg10[%add3A_1431, %add3A_1462] : memref<832x128xf32, #tpu.memory_space<vmem>>[vector<16xi32>, vector<16xi32>], vector<16xf32>,
          %add3A_1464 = arith.addf %add3A_1409, %gather3A_1463 : vector<16xf32>
          %mul3A_1465 = arith.mulf %gather3A_1463, %gather3A_1463 : vector<16xf32>
          %add3A_1466 = arith.addf %add3A_1411, %mul3A_1465 : vector<16xf32>
          %add3A_1467 = arith.addi %and3A_594, %select_n3A_1428 : vector<16xi32>
          %gather3A_1468 = tpu.vector_load_idx %arg10[%add3A_1431, %add3A_1467] : memref<832x128xf32, #tpu.memory_space<vmem>>[vector<16xi32>, vector<16xi32>], vector<16xf32>,
          %add3A_1469 = arith.addf %add3A_1414, %gather3A_1468 : vector<16xf32>
          %mul3A_1470 = arith.mulf %gather3A_1468, %gather3A_1468 : vector<16xf32>
          %add3A_1471 = arith.addf %add3A_1416, %mul3A_1470 : vector<16xf32>
          %add3A_1472 = arith.constant 16 : i32
          %add3A_1473 = vector.broadcast %add3A_1472 : i32 to vector<16xi32>
          %add3A_1474 = arith.addi %add3A_280, %add3A_1473 : vector<16xi32>
          %gather3A_1475 = tpu.vector_load_idx %arg8[%add3A_1474] : memref<3328xi32, #tpu.memory_space<vmem>>[vector<16xi32>], vector<16xi32>,
          %ge3A_1476 = arith.constant 50048 : i32
          %ge3A_1477 = vector.broadcast %ge3A_1476 : i32 to vector<16xi32>
          %ge3A_1478 = arith.cmpi sge, %gather3A_1475, %ge3A_1477 : vector<16xi32>
          %jit3A_1479 = arith.constant 64 : i32
          %jit3A_1480 = arith.constant 0 : i32
          %broadcast_in_dim3A_1481 = vector.broadcast %jit3A_1479 : i32 to vector<16xi32>
          %broadcast_in_dim3A_1482 = vector.broadcast %jit3A_1480 : i32 to vector<16xi32>
          %select_n3A_1483 = arith.select %ge3A_1478, %broadcast_in_dim3A_1481, %broadcast_in_dim3A_1482 : vector<16xi1>, vector<16xi32>
          %add3A_1484 = arith.constant 16 : i32
          %add3A_1485 = vector.broadcast %add3A_1484 : i32 to vector<16xi32>
          %add3A_1486 = arith.addi %add3A_276, %add3A_1485 : vector<16xi32>
          %add3A_1487 = arith.addi %and3A_552, %select_n3A_1483 : vector<16xi32>
          %gather3A_1488 = tpu.vector_load_idx %arg10[%add3A_1486, %add3A_1487] : memref<832x128xf32, #tpu.memory_space<vmem>>[vector<16xi32>, vector<16xi32>], vector<16xf32>,
          %add3A_1489 = arith.addf %add3A_1434, %gather3A_1488 : vector<16xf32>
          %mul3A_1490 = arith.mulf %gather3A_1488, %gather3A_1488 : vector<16xf32>
          %add3A_1491 = arith.addf %add3A_1436, %mul3A_1490 : vector<16xf32>
          %add3A_1492 = arith.addi %and3A_558, %select_n3A_1483 : vector<16xi32>
          %gather3A_1493 = tpu.vector_load_idx %arg10[%add3A_1486, %add3A_1492] : memref<832x128xf32, #tpu.memory_space<vmem>>[vector<16xi32>, vector<16xi32>], vector<16xf32>,
          %add3A_1494 = arith.addf %add3A_1439, %gather3A_1493 : vector<16xf32>
          %mul3A_1495 = arith.mulf %gather3A_1493, %gather3A_1493 : vector<16xf32>
          %add3A_1496 = arith.addf %add3A_1441, %mul3A_1495 : vector<16xf32>
          %add3A_1497 = arith.addi %and3A_564, %select_n3A_1483 : vector<16xi32>
          %gather3A_1498 = tpu.vector_load_idx %arg10[%add3A_1486, %add3A_1497] : memref<832x128xf32, #tpu.memory_space<vmem>>[vector<16xi32>, vector<16xi32>], vector<16xf32>,
          %add3A_1499 = arith.addf %add3A_1444, %gather3A_1498 : vector<16xf32>
          %mul3A_1500 = arith.mulf %gather3A_1498, %gather3A_1498 : vector<16xf32>
          %add3A_1501 = arith.addf %add3A_1446, %mul3A_1500 : vector<16xf32>
          %add3A_1502 = arith.addi %and3A_570, %select_n3A_1483 : vector<16xi32>
          %gather3A_1503 = tpu.vector_load_idx %arg10[%add3A_1486, %add3A_1502] : memref<832x128xf32, #tpu.memory_space<vmem>>[vector<16xi32>, vector<16xi32>], vector<16xf32>,
          %add3A_1504 = arith.addf %add3A_1449, %gather3A_1503 : vector<16xf32>
          %mul3A_1505 = arith.mulf %gather3A_1503, %gather3A_1503 : vector<16xf32>
          %add3A_1506 = arith.addf %add3A_1451, %mul3A_1505 : vector<16xf32>
          %add3A_1507 = arith.addi %and3A_576, %select_n3A_1483 : vector<16xi32>
          %gather3A_1508 = tpu.vector_load_idx %arg10[%add3A_1486, %add3A_1507] : memref<832x128xf32, #tpu.memory_space<vmem>>[vector<16xi32>, vector<16xi32>], vector<16xf32>,
          %add3A_1509 = arith.addf %add3A_1454, %gather3A_1508 : vector<16xf32>
          %mul3A_1510 = arith.mulf %gather3A_1508, %gather3A_1508 : vector<16xf32>
          %add3A_1511 = arith.addf %add3A_1456, %mul3A_1510 : vector<16xf32>
          %add3A_1512 = arith.addi %and3A_582, %select_n3A_1483 : vector<16xi32>
          %gather3A_1513 = tpu.vector_load_idx %arg10[%add3A_1486, %add3A_1512] : memref<832x128xf32, #tpu.memory_space<vmem>>[vector<16xi32>, vector<16xi32>], vector<16xf32>,
          %add3A_1514 = arith.addf %add3A_1459, %gather3A_1513 : vector<16xf32>
          %mul3A_1515 = arith.mulf %gather3A_1513, %gather3A_1513 : vector<16xf32>
          %add3A_1516 = arith.addf %add3A_1461, %mul3A_1515 : vector<16xf32>
          %add3A_1517 = arith.addi %and3A_588, %select_n3A_1483 : vector<16xi32>
          %gather3A_1518 = tpu.vector_load_idx %arg10[%add3A_1486, %add3A_1517] : memref<832x128xf32, #tpu.memory_space<vmem>>[vector<16xi32>, vector<16xi32>], vector<16xf32>,
          %add3A_1519 = arith.addf %add3A_1464, %gather3A_1518 : vector<16xf32>
          %mul3A_1520 = arith.mulf %gather3A_1518, %gather3A_1518 : vector<16xf32>
          %add3A_1521 = arith.addf %add3A_1466, %mul3A_1520 : vector<16xf32>
          %add3A_1522 = arith.addi %and3A_594, %select_n3A_1483 : vector<16xi32>
          %gather3A_1523 = tpu.vector_load_idx %arg10[%add3A_1486, %add3A_1522] : memref<832x128xf32, #tpu.memory_space<vmem>>[vector<16xi32>, vector<16xi32>], vector<16xf32>,
          %add3A_1524 = arith.addf %add3A_1469, %gather3A_1523 : vector<16xf32>
          %mul3A_1525 = arith.mulf %gather3A_1523, %gather3A_1523 : vector<16xf32>
          %add3A_1526 = arith.addf %add3A_1471, %mul3A_1525 : vector<16xf32>
          %add3A_1527 = arith.constant 17 : i32
          %add3A_1528 = vector.broadcast %add3A_1527 : i32 to vector<16xi32>
          %add3A_1529 = arith.addi %add3A_280, %add3A_1528 : vector<16xi32>
          %gather3A_1530 = tpu.vector_load_idx %arg8[%add3A_1529] : memref<3328xi32, #tpu.memory_space<vmem>>[vector<16xi32>], vector<16xi32>,
          %ge3A_1531 = arith.constant 50048 : i32
          %ge3A_1532 = vector.broadcast %ge3A_1531 : i32 to vector<16xi32>
          %ge3A_1533 = arith.cmpi sge, %gather3A_1530, %ge3A_1532 : vector<16xi32>
          %jit3A_1534 = arith.constant 64 : i32
          %jit3A_1535 = arith.constant 0 : i32
          %broadcast_in_dim3A_1536 = vector.broadcast %jit3A_1534 : i32 to vector<16xi32>
          %broadcast_in_dim3A_1537 = vector.broadcast %jit3A_1535 : i32 to vector<16xi32>
          %select_n3A_1538 = arith.select %ge3A_1533, %broadcast_in_dim3A_1536, %broadcast_in_dim3A_1537 : vector<16xi1>, vector<16xi32>
          %add3A_1539 = arith.constant 17 : i32
          %add3A_1540 = vector.broadcast %add3A_1539 : i32 to vector<16xi32>
          %add3A_1541 = arith.addi %add3A_276, %add3A_1540 : vector<16xi32>
          %add3A_1542 = arith.addi %and3A_552, %select_n3A_1538 : vector<16xi32>
          %gather3A_1543 = tpu.vector_load_idx %arg10[%add3A_1541, %add3A_1542] : memref<832x128xf32, #tpu.memory_space<vmem>>[vector<16xi32>, vector<16xi32>], vector<16xf32>,
          %add3A_1544 = arith.addf %add3A_1489, %gather3A_1543 : vector<16xf32>
          %mul3A_1545 = arith.mulf %gather3A_1543, %gather3A_1543 : vector<16xf32>
          %add3A_1546 = arith.addf %add3A_1491, %mul3A_1545 : vector<16xf32>
          %add3A_1547 = arith.addi %and3A_558, %select_n3A_1538 : vector<16xi32>
          %gather3A_1548 = tpu.vector_load_idx %arg10[%add3A_1541, %add3A_1547] : memref<832x128xf32, #tpu.memory_space<vmem>>[vector<16xi32>, vector<16xi32>], vector<16xf32>,
          %add3A_1549 = arith.addf %add3A_1494, %gather3A_1548 : vector<16xf32>
          %mul3A_1550 = arith.mulf %gather3A_1548, %gather3A_1548 : vector<16xf32>
          %add3A_1551 = arith.addf %add3A_1496, %mul3A_1550 : vector<16xf32>
          %add3A_1552 = arith.addi %and3A_564, %select_n3A_1538 : vector<16xi32>
          %gather3A_1553 = tpu.vector_load_idx %arg10[%add3A_1541, %add3A_1552] : memref<832x128xf32, #tpu.memory_space<vmem>>[vector<16xi32>, vector<16xi32>], vector<16xf32>,
          %add3A_1554 = arith.addf %add3A_1499, %gather3A_1553 : vector<16xf32>
          %mul3A_1555 = arith.mulf %gather3A_1553, %gather3A_1553 : vector<16xf32>
          %add3A_1556 = arith.addf %add3A_1501, %mul3A_1555 : vector<16xf32>
          %add3A_1557 = arith.addi %and3A_570, %select_n3A_1538 : vector<16xi32>
          %gather3A_1558 = tpu.vector_load_idx %arg10[%add3A_1541, %add3A_1557] : memref<832x128xf32, #tpu.memory_space<vmem>>[vector<16xi32>, vector<16xi32>], vector<16xf32>,
          %add3A_1559 = arith.addf %add3A_1504, %gather3A_1558 : vector<16xf32>
          %mul3A_1560 = arith.mulf %gather3A_1558, %gather3A_1558 : vector<16xf32>
          %add3A_1561 = arith.addf %add3A_1506, %mul3A_1560 : vector<16xf32>
          %add3A_1562 = arith.addi %and3A_576, %select_n3A_1538 : vector<16xi32>
          %gather3A_1563 = tpu.vector_load_idx %arg10[%add3A_1541, %add3A_1562] : memref<832x128xf32, #tpu.memory_space<vmem>>[vector<16xi32>, vector<16xi32>], vector<16xf32>,
          %add3A_1564 = arith.addf %add3A_1509, %gather3A_1563 : vector<16xf32>
          %mul3A_1565 = arith.mulf %gather3A_1563, %gather3A_1563 : vector<16xf32>
          %add3A_1566 = arith.addf %add3A_1511, %mul3A_1565 : vector<16xf32>
          %add3A_1567 = arith.addi %and3A_582, %select_n3A_1538 : vector<16xi32>
          %gather3A_1568 = tpu.vector_load_idx %arg10[%add3A_1541, %add3A_1567] : memref<832x128xf32, #tpu.memory_space<vmem>>[vector<16xi32>, vector<16xi32>], vector<16xf32>,
          %add3A_1569 = arith.addf %add3A_1514, %gather3A_1568 : vector<16xf32>
          %mul3A_1570 = arith.mulf %gather3A_1568, %gather3A_1568 : vector<16xf32>
          %add3A_1571 = arith.addf %add3A_1516, %mul3A_1570 : vector<16xf32>
          %add3A_1572 = arith.addi %and3A_588, %select_n3A_1538 : vector<16xi32>
          %gather3A_1573 = tpu.vector_load_idx %arg10[%add3A_1541, %add3A_1572] : memref<832x128xf32, #tpu.memory_space<vmem>>[vector<16xi32>, vector<16xi32>], vector<16xf32>,
          %add3A_1574 = arith.addf %add3A_1519, %gather3A_1573 : vector<16xf32>
          %mul3A_1575 = arith.mulf %gather3A_1573, %gather3A_1573 : vector<16xf32>
          %add3A_1576 = arith.addf %add3A_1521, %mul3A_1575 : vector<16xf32>
          %add3A_1577 = arith.addi %and3A_594, %select_n3A_1538 : vector<16xi32>
          %gather3A_1578 = tpu.vector_load_idx %arg10[%add3A_1541, %add3A_1577] : memref<832x128xf32, #tpu.memory_space<vmem>>[vector<16xi32>, vector<16xi32>], vector<16xf32>,
          %add3A_1579 = arith.addf %add3A_1524, %gather3A_1578 : vector<16xf32>
          %mul3A_1580 = arith.mulf %gather3A_1578, %gather3A_1578 : vector<16xf32>
          %add3A_1581 = arith.addf %add3A_1526, %mul3A_1580 : vector<16xf32>
          %add3A_1582 = arith.constant 18 : i32
          %add3A_1583 = vector.broadcast %add3A_1582 : i32 to vector<16xi32>
          %add3A_1584 = arith.addi %add3A_280, %add3A_1583 : vector<16xi32>
          %gather3A_1585 = tpu.vector_load_idx %arg8[%add3A_1584] : memref<3328xi32, #tpu.memory_space<vmem>>[vector<16xi32>], vector<16xi32>,
          %ge3A_1586 = arith.constant 50048 : i32
          %ge3A_1587 = vector.broadcast %ge3A_1586 : i32 to vector<16xi32>
          %ge3A_1588 = arith.cmpi sge, %gather3A_1585, %ge3A_1587 : vector<16xi32>
          %jit3A_1589 = arith.constant 64 : i32
          %jit3A_1590 = arith.constant 0 : i32
          %broadcast_in_dim3A_1591 = vector.broadcast %jit3A_1589 : i32 to vector<16xi32>
          %broadcast_in_dim3A_1592 = vector.broadcast %jit3A_1590 : i32 to vector<16xi32>
          %select_n3A_1593 = arith.select %ge3A_1588, %broadcast_in_dim3A_1591, %broadcast_in_dim3A_1592 : vector<16xi1>, vector<16xi32>
          %add3A_1594 = arith.constant 18 : i32
          %add3A_1595 = vector.broadcast %add3A_1594 : i32 to vector<16xi32>
          %add3A_1596 = arith.addi %add3A_276, %add3A_1595 : vector<16xi32>
          %add3A_1597 = arith.addi %and3A_552, %select_n3A_1593 : vector<16xi32>
          %gather3A_1598 = tpu.vector_load_idx %arg10[%add3A_1596, %add3A_1597] : memref<832x128xf32, #tpu.memory_space<vmem>>[vector<16xi32>, vector<16xi32>], vector<16xf32>,
          %add3A_1599 = arith.addf %add3A_1544, %gather3A_1598 : vector<16xf32>
          %mul3A_1600 = arith.mulf %gather3A_1598, %gather3A_1598 : vector<16xf32>
          %add3A_1601 = arith.addf %add3A_1546, %mul3A_1600 : vector<16xf32>
          %add3A_1602 = arith.addi %and3A_558, %select_n3A_1593 : vector<16xi32>
          %gather3A_1603 = tpu.vector_load_idx %arg10[%add3A_1596, %add3A_1602] : memref<832x128xf32, #tpu.memory_space<vmem>>[vector<16xi32>, vector<16xi32>], vector<16xf32>,
          %add3A_1604 = arith.addf %add3A_1549, %gather3A_1603 : vector<16xf32>
          %mul3A_1605 = arith.mulf %gather3A_1603, %gather3A_1603 : vector<16xf32>
          %add3A_1606 = arith.addf %add3A_1551, %mul3A_1605 : vector<16xf32>
          %add3A_1607 = arith.addi %and3A_564, %select_n3A_1593 : vector<16xi32>
          %gather3A_1608 = tpu.vector_load_idx %arg10[%add3A_1596, %add3A_1607] : memref<832x128xf32, #tpu.memory_space<vmem>>[vector<16xi32>, vector<16xi32>], vector<16xf32>,
          %add3A_1609 = arith.addf %add3A_1554, %gather3A_1608 : vector<16xf32>
          %mul3A_1610 = arith.mulf %gather3A_1608, %gather3A_1608 : vector<16xf32>
          %add3A_1611 = arith.addf %add3A_1556, %mul3A_1610 : vector<16xf32>
          %add3A_1612 = arith.addi %and3A_570, %select_n3A_1593 : vector<16xi32>
          %gather3A_1613 = tpu.vector_load_idx %arg10[%add3A_1596, %add3A_1612] : memref<832x128xf32, #tpu.memory_space<vmem>>[vector<16xi32>, vector<16xi32>], vector<16xf32>,
          %add3A_1614 = arith.addf %add3A_1559, %gather3A_1613 : vector<16xf32>
          %mul3A_1615 = arith.mulf %gather3A_1613, %gather3A_1613 : vector<16xf32>
          %add3A_1616 = arith.addf %add3A_1561, %mul3A_1615 : vector<16xf32>
          %add3A_1617 = arith.addi %and3A_576, %select_n3A_1593 : vector<16xi32>
          %gather3A_1618 = tpu.vector_load_idx %arg10[%add3A_1596, %add3A_1617] : memref<832x128xf32, #tpu.memory_space<vmem>>[vector<16xi32>, vector<16xi32>], vector<16xf32>,
          %add3A_1619 = arith.addf %add3A_1564, %gather3A_1618 : vector<16xf32>
          %mul3A_1620 = arith.mulf %gather3A_1618, %gather3A_1618 : vector<16xf32>
          %add3A_1621 = arith.addf %add3A_1566, %mul3A_1620 : vector<16xf32>
          %add3A_1622 = arith.addi %and3A_582, %select_n3A_1593 : vector<16xi32>
          %gather3A_1623 = tpu.vector_load_idx %arg10[%add3A_1596, %add3A_1622] : memref<832x128xf32, #tpu.memory_space<vmem>>[vector<16xi32>, vector<16xi32>], vector<16xf32>,
          %add3A_1624 = arith.addf %add3A_1569, %gather3A_1623 : vector<16xf32>
          %mul3A_1625 = arith.mulf %gather3A_1623, %gather3A_1623 : vector<16xf32>
          %add3A_1626 = arith.addf %add3A_1571, %mul3A_1625 : vector<16xf32>
          %add3A_1627 = arith.addi %and3A_588, %select_n3A_1593 : vector<16xi32>
          %gather3A_1628 = tpu.vector_load_idx %arg10[%add3A_1596, %add3A_1627] : memref<832x128xf32, #tpu.memory_space<vmem>>[vector<16xi32>, vector<16xi32>], vector<16xf32>,
          %add3A_1629 = arith.addf %add3A_1574, %gather3A_1628 : vector<16xf32>
          %mul3A_1630 = arith.mulf %gather3A_1628, %gather3A_1628 : vector<16xf32>
          %add3A_1631 = arith.addf %add3A_1576, %mul3A_1630 : vector<16xf32>
          %add3A_1632 = arith.addi %and3A_594, %select_n3A_1593 : vector<16xi32>
          %gather3A_1633 = tpu.vector_load_idx %arg10[%add3A_1596, %add3A_1632] : memref<832x128xf32, #tpu.memory_space<vmem>>[vector<16xi32>, vector<16xi32>], vector<16xf32>,
          %add3A_1634 = arith.addf %add3A_1579, %gather3A_1633 : vector<16xf32>
          %mul3A_1635 = arith.mulf %gather3A_1633, %gather3A_1633 : vector<16xf32>
          %add3A_1636 = arith.addf %add3A_1581, %mul3A_1635 : vector<16xf32>
          %add3A_1637 = arith.constant 19 : i32
          %add3A_1638 = vector.broadcast %add3A_1637 : i32 to vector<16xi32>
          %add3A_1639 = arith.addi %add3A_280, %add3A_1638 : vector<16xi32>
          %gather3A_1640 = tpu.vector_load_idx %arg8[%add3A_1639] : memref<3328xi32, #tpu.memory_space<vmem>>[vector<16xi32>], vector<16xi32>,
          %ge3A_1641 = arith.constant 50048 : i32
          %ge3A_1642 = vector.broadcast %ge3A_1641 : i32 to vector<16xi32>
          %ge3A_1643 = arith.cmpi sge, %gather3A_1640, %ge3A_1642 : vector<16xi32>
          %jit3A_1644 = arith.constant 64 : i32
          %jit3A_1645 = arith.constant 0 : i32
          %broadcast_in_dim3A_1646 = vector.broadcast %jit3A_1644 : i32 to vector<16xi32>
          %broadcast_in_dim3A_1647 = vector.broadcast %jit3A_1645 : i32 to vector<16xi32>
          %select_n3A_1648 = arith.select %ge3A_1643, %broadcast_in_dim3A_1646, %broadcast_in_dim3A_1647 : vector<16xi1>, vector<16xi32>
          %add3A_1649 = arith.constant 19 : i32
          %add3A_1650 = vector.broadcast %add3A_1649 : i32 to vector<16xi32>
          %add3A_1651 = arith.addi %add3A_276, %add3A_1650 : vector<16xi32>
          %add3A_1652 = arith.addi %and3A_552, %select_n3A_1648 : vector<16xi32>
          %gather3A_1653 = tpu.vector_load_idx %arg10[%add3A_1651, %add3A_1652] : memref<832x128xf32, #tpu.memory_space<vmem>>[vector<16xi32>, vector<16xi32>], vector<16xf32>,
          %add3A_1654 = arith.addf %add3A_1599, %gather3A_1653 : vector<16xf32>
          %mul3A_1655 = arith.mulf %gather3A_1653, %gather3A_1653 : vector<16xf32>
          %add3A_1656 = arith.addf %add3A_1601, %mul3A_1655 : vector<16xf32>
          %add3A_1657 = arith.addi %and3A_558, %select_n3A_1648 : vector<16xi32>
          %gather3A_1658 = tpu.vector_load_idx %arg10[%add3A_1651, %add3A_1657] : memref<832x128xf32, #tpu.memory_space<vmem>>[vector<16xi32>, vector<16xi32>], vector<16xf32>,
          %add3A_1659 = arith.addf %add3A_1604, %gather3A_1658 : vector<16xf32>
          %mul3A_1660 = arith.mulf %gather3A_1658, %gather3A_1658 : vector<16xf32>
          %add3A_1661 = arith.addf %add3A_1606, %mul3A_1660 : vector<16xf32>
          %add3A_1662 = arith.addi %and3A_564, %select_n3A_1648 : vector<16xi32>
          %gather3A_1663 = tpu.vector_load_idx %arg10[%add3A_1651, %add3A_1662] : memref<832x128xf32, #tpu.memory_space<vmem>>[vector<16xi32>, vector<16xi32>], vector<16xf32>,
          %add3A_1664 = arith.addf %add3A_1609, %gather3A_1663 : vector<16xf32>
          %mul3A_1665 = arith.mulf %gather3A_1663, %gather3A_1663 : vector<16xf32>
          %add3A_1666 = arith.addf %add3A_1611, %mul3A_1665 : vector<16xf32>
          %add3A_1667 = arith.addi %and3A_570, %select_n3A_1648 : vector<16xi32>
          %gather3A_1668 = tpu.vector_load_idx %arg10[%add3A_1651, %add3A_1667] : memref<832x128xf32, #tpu.memory_space<vmem>>[vector<16xi32>, vector<16xi32>], vector<16xf32>,
          %add3A_1669 = arith.addf %add3A_1614, %gather3A_1668 : vector<16xf32>
          %mul3A_1670 = arith.mulf %gather3A_1668, %gather3A_1668 : vector<16xf32>
          %add3A_1671 = arith.addf %add3A_1616, %mul3A_1670 : vector<16xf32>
          %add3A_1672 = arith.addi %and3A_576, %select_n3A_1648 : vector<16xi32>
          %gather3A_1673 = tpu.vector_load_idx %arg10[%add3A_1651, %add3A_1672] : memref<832x128xf32, #tpu.memory_space<vmem>>[vector<16xi32>, vector<16xi32>], vector<16xf32>,
          %add3A_1674 = arith.addf %add3A_1619, %gather3A_1673 : vector<16xf32>
          %mul3A_1675 = arith.mulf %gather3A_1673, %gather3A_1673 : vector<16xf32>
          %add3A_1676 = arith.addf %add3A_1621, %mul3A_1675 : vector<16xf32>
          %add3A_1677 = arith.addi %and3A_582, %select_n3A_1648 : vector<16xi32>
          %gather3A_1678 = tpu.vector_load_idx %arg10[%add3A_1651, %add3A_1677] : memref<832x128xf32, #tpu.memory_space<vmem>>[vector<16xi32>, vector<16xi32>], vector<16xf32>,
          %add3A_1679 = arith.addf %add3A_1624, %gather3A_1678 : vector<16xf32>
          %mul3A_1680 = arith.mulf %gather3A_1678, %gather3A_1678 : vector<16xf32>
          %add3A_1681 = arith.addf %add3A_1626, %mul3A_1680 : vector<16xf32>
          %add3A_1682 = arith.addi %and3A_588, %select_n3A_1648 : vector<16xi32>
          %gather3A_1683 = tpu.vector_load_idx %arg10[%add3A_1651, %add3A_1682] : memref<832x128xf32, #tpu.memory_space<vmem>>[vector<16xi32>, vector<16xi32>], vector<16xf32>,
          %add3A_1684 = arith.addf %add3A_1629, %gather3A_1683 : vector<16xf32>
          %mul3A_1685 = arith.mulf %gather3A_1683, %gather3A_1683 : vector<16xf32>
          %add3A_1686 = arith.addf %add3A_1631, %mul3A_1685 : vector<16xf32>
          %add3A_1687 = arith.addi %and3A_594, %select_n3A_1648 : vector<16xi32>
          %gather3A_1688 = tpu.vector_load_idx %arg10[%add3A_1651, %add3A_1687] : memref<832x128xf32, #tpu.memory_space<vmem>>[vector<16xi32>, vector<16xi32>], vector<16xf32>,
          %add3A_1689 = arith.addf %add3A_1634, %gather3A_1688 : vector<16xf32>
          %mul3A_1690 = arith.mulf %gather3A_1688, %gather3A_1688 : vector<16xf32>
          %add3A_1691 = arith.addf %add3A_1636, %mul3A_1690 : vector<16xf32>
          %add3A_1692 = arith.constant 20 : i32
          %add3A_1693 = vector.broadcast %add3A_1692 : i32 to vector<16xi32>
          %add3A_1694 = arith.addi %add3A_280, %add3A_1693 : vector<16xi32>
          %gather3A_1695 = tpu.vector_load_idx %arg8[%add3A_1694] : memref<3328xi32, #tpu.memory_space<vmem>>[vector<16xi32>], vector<16xi32>,
          %ge3A_1696 = arith.constant 50048 : i32
          %ge3A_1697 = vector.broadcast %ge3A_1696 : i32 to vector<16xi32>
          %ge3A_1698 = arith.cmpi sge, %gather3A_1695, %ge3A_1697 : vector<16xi32>
          %jit3A_1699 = arith.constant 64 : i32
          %jit3A_1700 = arith.constant 0 : i32
          %broadcast_in_dim3A_1701 = vector.broadcast %jit3A_1699 : i32 to vector<16xi32>
          %broadcast_in_dim3A_1702 = vector.broadcast %jit3A_1700 : i32 to vector<16xi32>
          %select_n3A_1703 = arith.select %ge3A_1698, %broadcast_in_dim3A_1701, %broadcast_in_dim3A_1702 : vector<16xi1>, vector<16xi32>
          %add3A_1704 = arith.constant 20 : i32
          %add3A_1705 = vector.broadcast %add3A_1704 : i32 to vector<16xi32>
          %add3A_1706 = arith.addi %add3A_276, %add3A_1705 : vector<16xi32>
          %add3A_1707 = arith.addi %and3A_552, %select_n3A_1703 : vector<16xi32>
          %gather3A_1708 = tpu.vector_load_idx %arg10[%add3A_1706, %add3A_1707] : memref<832x128xf32, #tpu.memory_space<vmem>>[vector<16xi32>, vector<16xi32>], vector<16xf32>,
          %add3A_1709 = arith.addf %add3A_1654, %gather3A_1708 : vector<16xf32>
          %mul3A_1710 = arith.mulf %gather3A_1708, %gather3A_1708 : vector<16xf32>
          %add3A_1711 = arith.addf %add3A_1656, %mul3A_1710 : vector<16xf32>
          %add3A_1712 = arith.addi %and3A_558, %select_n3A_1703 : vector<16xi32>
          %gather3A_1713 = tpu.vector_load_idx %arg10[%add3A_1706, %add3A_1712] : memref<832x128xf32, #tpu.memory_space<vmem>>[vector<16xi32>, vector<16xi32>], vector<16xf32>,
          %add3A_1714 = arith.addf %add3A_1659, %gather3A_1713 : vector<16xf32>
          %mul3A_1715 = arith.mulf %gather3A_1713, %gather3A_1713 : vector<16xf32>
          %add3A_1716 = arith.addf %add3A_1661, %mul3A_1715 : vector<16xf32>
          %add3A_1717 = arith.addi %and3A_564, %select_n3A_1703 : vector<16xi32>
          %gather3A_1718 = tpu.vector_load_idx %arg10[%add3A_1706, %add3A_1717] : memref<832x128xf32, #tpu.memory_space<vmem>>[vector<16xi32>, vector<16xi32>], vector<16xf32>,
          %add3A_1719 = arith.addf %add3A_1664, %gather3A_1718 : vector<16xf32>
          %mul3A_1720 = arith.mulf %gather3A_1718, %gather3A_1718 : vector<16xf32>
          %add3A_1721 = arith.addf %add3A_1666, %mul3A_1720 : vector<16xf32>
          %add3A_1722 = arith.addi %and3A_570, %select_n3A_1703 : vector<16xi32>
          %gather3A_1723 = tpu.vector_load_idx %arg10[%add3A_1706, %add3A_1722] : memref<832x128xf32, #tpu.memory_space<vmem>>[vector<16xi32>, vector<16xi32>], vector<16xf32>,
          %add3A_1724 = arith.addf %add3A_1669, %gather3A_1723 : vector<16xf32>
          %mul3A_1725 = arith.mulf %gather3A_1723, %gather3A_1723 : vector<16xf32>
          %add3A_1726 = arith.addf %add3A_1671, %mul3A_1725 : vector<16xf32>
          %add3A_1727 = arith.addi %and3A_576, %select_n3A_1703 : vector<16xi32>
          %gather3A_1728 = tpu.vector_load_idx %arg10[%add3A_1706, %add3A_1727] : memref<832x128xf32, #tpu.memory_space<vmem>>[vector<16xi32>, vector<16xi32>], vector<16xf32>,
          %add3A_1729 = arith.addf %add3A_1674, %gather3A_1728 : vector<16xf32>
          %mul3A_1730 = arith.mulf %gather3A_1728, %gather3A_1728 : vector<16xf32>
          %add3A_1731 = arith.addf %add3A_1676, %mul3A_1730 : vector<16xf32>
          %add3A_1732 = arith.addi %and3A_582, %select_n3A_1703 : vector<16xi32>
          %gather3A_1733 = tpu.vector_load_idx %arg10[%add3A_1706, %add3A_1732] : memref<832x128xf32, #tpu.memory_space<vmem>>[vector<16xi32>, vector<16xi32>], vector<16xf32>,
          %add3A_1734 = arith.addf %add3A_1679, %gather3A_1733 : vector<16xf32>
          %mul3A_1735 = arith.mulf %gather3A_1733, %gather3A_1733 : vector<16xf32>
          %add3A_1736 = arith.addf %add3A_1681, %mul3A_1735 : vector<16xf32>
          %add3A_1737 = arith.addi %and3A_588, %select_n3A_1703 : vector<16xi32>
          %gather3A_1738 = tpu.vector_load_idx %arg10[%add3A_1706, %add3A_1737] : memref<832x128xf32, #tpu.memory_space<vmem>>[vector<16xi32>, vector<16xi32>], vector<16xf32>,
          %add3A_1739 = arith.addf %add3A_1684, %gather3A_1738 : vector<16xf32>
          %mul3A_1740 = arith.mulf %gather3A_1738, %gather3A_1738 : vector<16xf32>
          %add3A_1741 = arith.addf %add3A_1686, %mul3A_1740 : vector<16xf32>
          %add3A_1742 = arith.addi %and3A_594, %select_n3A_1703 : vector<16xi32>
          %gather3A_1743 = tpu.vector_load_idx %arg10[%add3A_1706, %add3A_1742] : memref<832x128xf32, #tpu.memory_space<vmem>>[vector<16xi32>, vector<16xi32>], vector<16xf32>,
          %add3A_1744 = arith.addf %add3A_1689, %gather3A_1743 : vector<16xf32>
          %mul3A_1745 = arith.mulf %gather3A_1743, %gather3A_1743 : vector<16xf32>
          %add3A_1746 = arith.addf %add3A_1691, %mul3A_1745 : vector<16xf32>
          %add3A_1747 = arith.constant 21 : i32
          %add3A_1748 = vector.broadcast %add3A_1747 : i32 to vector<16xi32>
          %add3A_1749 = arith.addi %add3A_280, %add3A_1748 : vector<16xi32>
          %gather3A_1750 = tpu.vector_load_idx %arg8[%add3A_1749] : memref<3328xi32, #tpu.memory_space<vmem>>[vector<16xi32>], vector<16xi32>,
          %ge3A_1751 = arith.constant 50048 : i32
          %ge3A_1752 = vector.broadcast %ge3A_1751 : i32 to vector<16xi32>
          %ge3A_1753 = arith.cmpi sge, %gather3A_1750, %ge3A_1752 : vector<16xi32>
          %jit3A_1754 = arith.constant 64 : i32
          %jit3A_1755 = arith.constant 0 : i32
          %broadcast_in_dim3A_1756 = vector.broadcast %jit3A_1754 : i32 to vector<16xi32>
          %broadcast_in_dim3A_1757 = vector.broadcast %jit3A_1755 : i32 to vector<16xi32>
          %select_n3A_1758 = arith.select %ge3A_1753, %broadcast_in_dim3A_1756, %broadcast_in_dim3A_1757 : vector<16xi1>, vector<16xi32>
          %add3A_1759 = arith.constant 21 : i32
          %add3A_1760 = vector.broadcast %add3A_1759 : i32 to vector<16xi32>
          %add3A_1761 = arith.addi %add3A_276, %add3A_1760 : vector<16xi32>
          %add3A_1762 = arith.addi %and3A_552, %select_n3A_1758 : vector<16xi32>
          %gather3A_1763 = tpu.vector_load_idx %arg10[%add3A_1761, %add3A_1762] : memref<832x128xf32, #tpu.memory_space<vmem>>[vector<16xi32>, vector<16xi32>], vector<16xf32>,
          %add3A_1764 = arith.addf %add3A_1709, %gather3A_1763 : vector<16xf32>
          %mul3A_1765 = arith.mulf %gather3A_1763, %gather3A_1763 : vector<16xf32>
          %add3A_1766 = arith.addf %add3A_1711, %mul3A_1765 : vector<16xf32>
          %add3A_1767 = arith.addi %and3A_558, %select_n3A_1758 : vector<16xi32>
          %gather3A_1768 = tpu.vector_load_idx %arg10[%add3A_1761, %add3A_1767] : memref<832x128xf32, #tpu.memory_space<vmem>>[vector<16xi32>, vector<16xi32>], vector<16xf32>,
          %add3A_1769 = arith.addf %add3A_1714, %gather3A_1768 : vector<16xf32>
          %mul3A_1770 = arith.mulf %gather3A_1768, %gather3A_1768 : vector<16xf32>
          %add3A_1771 = arith.addf %add3A_1716, %mul3A_1770 : vector<16xf32>
          %add3A_1772 = arith.addi %and3A_564, %select_n3A_1758 : vector<16xi32>
          %gather3A_1773 = tpu.vector_load_idx %arg10[%add3A_1761, %add3A_1772] : memref<832x128xf32, #tpu.memory_space<vmem>>[vector<16xi32>, vector<16xi32>], vector<16xf32>,
          %add3A_1774 = arith.addf %add3A_1719, %gather3A_1773 : vector<16xf32>
          %mul3A_1775 = arith.mulf %gather3A_1773, %gather3A_1773 : vector<16xf32>
          %add3A_1776 = arith.addf %add3A_1721, %mul3A_1775 : vector<16xf32>
          %add3A_1777 = arith.addi %and3A_570, %select_n3A_1758 : vector<16xi32>
          %gather3A_1778 = tpu.vector_load_idx %arg10[%add3A_1761, %add3A_1777] : memref<832x128xf32, #tpu.memory_space<vmem>>[vector<16xi32>, vector<16xi32>], vector<16xf32>,
          %add3A_1779 = arith.addf %add3A_1724, %gather3A_1778 : vector<16xf32>
          %mul3A_1780 = arith.mulf %gather3A_1778, %gather3A_1778 : vector<16xf32>
          %add3A_1781 = arith.addf %add3A_1726, %mul3A_1780 : vector<16xf32>
          %add3A_1782 = arith.addi %and3A_576, %select_n3A_1758 : vector<16xi32>
          %gather3A_1783 = tpu.vector_load_idx %arg10[%add3A_1761, %add3A_1782] : memref<832x128xf32, #tpu.memory_space<vmem>>[vector<16xi32>, vector<16xi32>], vector<16xf32>,
          %add3A_1784 = arith.addf %add3A_1729, %gather3A_1783 : vector<16xf32>
          %mul3A_1785 = arith.mulf %gather3A_1783, %gather3A_1783 : vector<16xf32>
          %add3A_1786 = arith.addf %add3A_1731, %mul3A_1785 : vector<16xf32>
          %add3A_1787 = arith.addi %and3A_582, %select_n3A_1758 : vector<16xi32>
          %gather3A_1788 = tpu.vector_load_idx %arg10[%add3A_1761, %add3A_1787] : memref<832x128xf32, #tpu.memory_space<vmem>>[vector<16xi32>, vector<16xi32>], vector<16xf32>,
          %add3A_1789 = arith.addf %add3A_1734, %gather3A_1788 : vector<16xf32>
          %mul3A_1790 = arith.mulf %gather3A_1788, %gather3A_1788 : vector<16xf32>
          %add3A_1791 = arith.addf %add3A_1736, %mul3A_1790 : vector<16xf32>
          %add3A_1792 = arith.addi %and3A_588, %select_n3A_1758 : vector<16xi32>
          %gather3A_1793 = tpu.vector_load_idx %arg10[%add3A_1761, %add3A_1792] : memref<832x128xf32, #tpu.memory_space<vmem>>[vector<16xi32>, vector<16xi32>], vector<16xf32>,
          %add3A_1794 = arith.addf %add3A_1739, %gather3A_1793 : vector<16xf32>
          %mul3A_1795 = arith.mulf %gather3A_1793, %gather3A_1793 : vector<16xf32>
          %add3A_1796 = arith.addf %add3A_1741, %mul3A_1795 : vector<16xf32>
          %add3A_1797 = arith.addi %and3A_594, %select_n3A_1758 : vector<16xi32>
          %gather3A_1798 = tpu.vector_load_idx %arg10[%add3A_1761, %add3A_1797] : memref<832x128xf32, #tpu.memory_space<vmem>>[vector<16xi32>, vector<16xi32>], vector<16xf32>,
          %add3A_1799 = arith.addf %add3A_1744, %gather3A_1798 : vector<16xf32>
          %mul3A_1800 = arith.mulf %gather3A_1798, %gather3A_1798 : vector<16xf32>
          %add3A_1801 = arith.addf %add3A_1746, %mul3A_1800 : vector<16xf32>
          %add3A_1802 = arith.constant 22 : i32
          %add3A_1803 = vector.broadcast %add3A_1802 : i32 to vector<16xi32>
          %add3A_1804 = arith.addi %add3A_280, %add3A_1803 : vector<16xi32>
          %gather3A_1805 = tpu.vector_load_idx %arg8[%add3A_1804] : memref<3328xi32, #tpu.memory_space<vmem>>[vector<16xi32>], vector<16xi32>,
          %ge3A_1806 = arith.constant 50048 : i32
          %ge3A_1807 = vector.broadcast %ge3A_1806 : i32 to vector<16xi32>
          %ge3A_1808 = arith.cmpi sge, %gather3A_1805, %ge3A_1807 : vector<16xi32>
          %jit3A_1809 = arith.constant 64 : i32
          %jit3A_1810 = arith.constant 0 : i32
          %broadcast_in_dim3A_1811 = vector.broadcast %jit3A_1809 : i32 to vector<16xi32>
          %broadcast_in_dim3A_1812 = vector.broadcast %jit3A_1810 : i32 to vector<16xi32>
          %select_n3A_1813 = arith.select %ge3A_1808, %broadcast_in_dim3A_1811, %broadcast_in_dim3A_1812 : vector<16xi1>, vector<16xi32>
          %add3A_1814 = arith.constant 22 : i32
          %add3A_1815 = vector.broadcast %add3A_1814 : i32 to vector<16xi32>
          %add3A_1816 = arith.addi %add3A_276, %add3A_1815 : vector<16xi32>
          %add3A_1817 = arith.addi %and3A_552, %select_n3A_1813 : vector<16xi32>
          %gather3A_1818 = tpu.vector_load_idx %arg10[%add3A_1816, %add3A_1817] : memref<832x128xf32, #tpu.memory_space<vmem>>[vector<16xi32>, vector<16xi32>], vector<16xf32>,
          %add3A_1819 = arith.addf %add3A_1764, %gather3A_1818 : vector<16xf32>
          %mul3A_1820 = arith.mulf %gather3A_1818, %gather3A_1818 : vector<16xf32>
          %add3A_1821 = arith.addf %add3A_1766, %mul3A_1820 : vector<16xf32>
          %add3A_1822 = arith.addi %and3A_558, %select_n3A_1813 : vector<16xi32>
          %gather3A_1823 = tpu.vector_load_idx %arg10[%add3A_1816, %add3A_1822] : memref<832x128xf32, #tpu.memory_space<vmem>>[vector<16xi32>, vector<16xi32>], vector<16xf32>,
          %add3A_1824 = arith.addf %add3A_1769, %gather3A_1823 : vector<16xf32>
          %mul3A_1825 = arith.mulf %gather3A_1823, %gather3A_1823 : vector<16xf32>
          %add3A_1826 = arith.addf %add3A_1771, %mul3A_1825 : vector<16xf32>
          %add3A_1827 = arith.addi %and3A_564, %select_n3A_1813 : vector<16xi32>
          %gather3A_1828 = tpu.vector_load_idx %arg10[%add3A_1816, %add3A_1827] : memref<832x128xf32, #tpu.memory_space<vmem>>[vector<16xi32>, vector<16xi32>], vector<16xf32>,
          %add3A_1829 = arith.addf %add3A_1774, %gather3A_1828 : vector<16xf32>
          %mul3A_1830 = arith.mulf %gather3A_1828, %gather3A_1828 : vector<16xf32>
          %add3A_1831 = arith.addf %add3A_1776, %mul3A_1830 : vector<16xf32>
          %add3A_1832 = arith.addi %and3A_570, %select_n3A_1813 : vector<16xi32>
          %gather3A_1833 = tpu.vector_load_idx %arg10[%add3A_1816, %add3A_1832] : memref<832x128xf32, #tpu.memory_space<vmem>>[vector<16xi32>, vector<16xi32>], vector<16xf32>,
          %add3A_1834 = arith.addf %add3A_1779, %gather3A_1833 : vector<16xf32>
          %mul3A_1835 = arith.mulf %gather3A_1833, %gather3A_1833 : vector<16xf32>
          %add3A_1836 = arith.addf %add3A_1781, %mul3A_1835 : vector<16xf32>
          %add3A_1837 = arith.addi %and3A_576, %select_n3A_1813 : vector<16xi32>
          %gather3A_1838 = tpu.vector_load_idx %arg10[%add3A_1816, %add3A_1837] : memref<832x128xf32, #tpu.memory_space<vmem>>[vector<16xi32>, vector<16xi32>], vector<16xf32>,
          %add3A_1839 = arith.addf %add3A_1784, %gather3A_1838 : vector<16xf32>
          %mul3A_1840 = arith.mulf %gather3A_1838, %gather3A_1838 : vector<16xf32>
          %add3A_1841 = arith.addf %add3A_1786, %mul3A_1840 : vector<16xf32>
          %add3A_1842 = arith.addi %and3A_582, %select_n3A_1813 : vector<16xi32>
          %gather3A_1843 = tpu.vector_load_idx %arg10[%add3A_1816, %add3A_1842] : memref<832x128xf32, #tpu.memory_space<vmem>>[vector<16xi32>, vector<16xi32>], vector<16xf32>,
          %add3A_1844 = arith.addf %add3A_1789, %gather3A_1843 : vector<16xf32>
          %mul3A_1845 = arith.mulf %gather3A_1843, %gather3A_1843 : vector<16xf32>
          %add3A_1846 = arith.addf %add3A_1791, %mul3A_1845 : vector<16xf32>
          %add3A_1847 = arith.addi %and3A_588, %select_n3A_1813 : vector<16xi32>
          %gather3A_1848 = tpu.vector_load_idx %arg10[%add3A_1816, %add3A_1847] : memref<832x128xf32, #tpu.memory_space<vmem>>[vector<16xi32>, vector<16xi32>], vector<16xf32>,
          %add3A_1849 = arith.addf %add3A_1794, %gather3A_1848 : vector<16xf32>
          %mul3A_1850 = arith.mulf %gather3A_1848, %gather3A_1848 : vector<16xf32>
          %add3A_1851 = arith.addf %add3A_1796, %mul3A_1850 : vector<16xf32>
          %add3A_1852 = arith.addi %and3A_594, %select_n3A_1813 : vector<16xi32>
          %gather3A_1853 = tpu.vector_load_idx %arg10[%add3A_1816, %add3A_1852] : memref<832x128xf32, #tpu.memory_space<vmem>>[vector<16xi32>, vector<16xi32>], vector<16xf32>,
          %add3A_1854 = arith.addf %add3A_1799, %gather3A_1853 : vector<16xf32>
          %mul3A_1855 = arith.mulf %gather3A_1853, %gather3A_1853 : vector<16xf32>
          %add3A_1856 = arith.addf %add3A_1801, %mul3A_1855 : vector<16xf32>
          %add3A_1857 = arith.constant 23 : i32
          %add3A_1858 = vector.broadcast %add3A_1857 : i32 to vector<16xi32>
          %add3A_1859 = arith.addi %add3A_280, %add3A_1858 : vector<16xi32>
          %gather3A_1860 = tpu.vector_load_idx %arg8[%add3A_1859] : memref<3328xi32, #tpu.memory_space<vmem>>[vector<16xi32>], vector<16xi32>,
          %ge3A_1861 = arith.constant 50048 : i32
          %ge3A_1862 = vector.broadcast %ge3A_1861 : i32 to vector<16xi32>
          %ge3A_1863 = arith.cmpi sge, %gather3A_1860, %ge3A_1862 : vector<16xi32>
          %jit3A_1864 = arith.constant 64 : i32
          %jit3A_1865 = arith.constant 0 : i32
          %broadcast_in_dim3A_1866 = vector.broadcast %jit3A_1864 : i32 to vector<16xi32>
          %broadcast_in_dim3A_1867 = vector.broadcast %jit3A_1865 : i32 to vector<16xi32>
          %select_n3A_1868 = arith.select %ge3A_1863, %broadcast_in_dim3A_1866, %broadcast_in_dim3A_1867 : vector<16xi1>, vector<16xi32>
          %add3A_1869 = arith.constant 23 : i32
          %add3A_1870 = vector.broadcast %add3A_1869 : i32 to vector<16xi32>
          %add3A_1871 = arith.addi %add3A_276, %add3A_1870 : vector<16xi32>
          %add3A_1872 = arith.addi %and3A_552, %select_n3A_1868 : vector<16xi32>
          %gather3A_1873 = tpu.vector_load_idx %arg10[%add3A_1871, %add3A_1872] : memref<832x128xf32, #tpu.memory_space<vmem>>[vector<16xi32>, vector<16xi32>], vector<16xf32>,
          %add3A_1874 = arith.addf %add3A_1819, %gather3A_1873 : vector<16xf32>
          %mul3A_1875 = arith.mulf %gather3A_1873, %gather3A_1873 : vector<16xf32>
          %add3A_1876 = arith.addf %add3A_1821, %mul3A_1875 : vector<16xf32>
          %add3A_1877 = arith.addi %and3A_558, %select_n3A_1868 : vector<16xi32>
          %gather3A_1878 = tpu.vector_load_idx %arg10[%add3A_1871, %add3A_1877] : memref<832x128xf32, #tpu.memory_space<vmem>>[vector<16xi32>, vector<16xi32>], vector<16xf32>,
          %add3A_1879 = arith.addf %add3A_1824, %gather3A_1878 : vector<16xf32>
          %mul3A_1880 = arith.mulf %gather3A_1878, %gather3A_1878 : vector<16xf32>
          %add3A_1881 = arith.addf %add3A_1826, %mul3A_1880 : vector<16xf32>
          %add3A_1882 = arith.addi %and3A_564, %select_n3A_1868 : vector<16xi32>
          %gather3A_1883 = tpu.vector_load_idx %arg10[%add3A_1871, %add3A_1882] : memref<832x128xf32, #tpu.memory_space<vmem>>[vector<16xi32>, vector<16xi32>], vector<16xf32>,
          %add3A_1884 = arith.addf %add3A_1829, %gather3A_1883 : vector<16xf32>
          %mul3A_1885 = arith.mulf %gather3A_1883, %gather3A_1883 : vector<16xf32>
          %add3A_1886 = arith.addf %add3A_1831, %mul3A_1885 : vector<16xf32>
          %add3A_1887 = arith.addi %and3A_570, %select_n3A_1868 : vector<16xi32>
          %gather3A_1888 = tpu.vector_load_idx %arg10[%add3A_1871, %add3A_1887] : memref<832x128xf32, #tpu.memory_space<vmem>>[vector<16xi32>, vector<16xi32>], vector<16xf32>,
          %add3A_1889 = arith.addf %add3A_1834, %gather3A_1888 : vector<16xf32>
          %mul3A_1890 = arith.mulf %gather3A_1888, %gather3A_1888 : vector<16xf32>
          %add3A_1891 = arith.addf %add3A_1836, %mul3A_1890 : vector<16xf32>
          %add3A_1892 = arith.addi %and3A_576, %select_n3A_1868 : vector<16xi32>
          %gather3A_1893 = tpu.vector_load_idx %arg10[%add3A_1871, %add3A_1892] : memref<832x128xf32, #tpu.memory_space<vmem>>[vector<16xi32>, vector<16xi32>], vector<16xf32>,
          %add3A_1894 = arith.addf %add3A_1839, %gather3A_1893 : vector<16xf32>
          %mul3A_1895 = arith.mulf %gather3A_1893, %gather3A_1893 : vector<16xf32>
          %add3A_1896 = arith.addf %add3A_1841, %mul3A_1895 : vector<16xf32>
          %add3A_1897 = arith.addi %and3A_582, %select_n3A_1868 : vector<16xi32>
          %gather3A_1898 = tpu.vector_load_idx %arg10[%add3A_1871, %add3A_1897] : memref<832x128xf32, #tpu.memory_space<vmem>>[vector<16xi32>, vector<16xi32>], vector<16xf32>,
          %add3A_1899 = arith.addf %add3A_1844, %gather3A_1898 : vector<16xf32>
          %mul3A_1900 = arith.mulf %gather3A_1898, %gather3A_1898 : vector<16xf32>
          %add3A_1901 = arith.addf %add3A_1846, %mul3A_1900 : vector<16xf32>
          %add3A_1902 = arith.addi %and3A_588, %select_n3A_1868 : vector<16xi32>
          %gather3A_1903 = tpu.vector_load_idx %arg10[%add3A_1871, %add3A_1902] : memref<832x128xf32, #tpu.memory_space<vmem>>[vector<16xi32>, vector<16xi32>], vector<16xf32>,
          %add3A_1904 = arith.addf %add3A_1849, %gather3A_1903 : vector<16xf32>
          %mul3A_1905 = arith.mulf %gather3A_1903, %gather3A_1903 : vector<16xf32>
          %add3A_1906 = arith.addf %add3A_1851, %mul3A_1905 : vector<16xf32>
          %add3A_1907 = arith.addi %and3A_594, %select_n3A_1868 : vector<16xi32>
          %gather3A_1908 = tpu.vector_load_idx %arg10[%add3A_1871, %add3A_1907] : memref<832x128xf32, #tpu.memory_space<vmem>>[vector<16xi32>, vector<16xi32>], vector<16xf32>,
          %add3A_1909 = arith.addf %add3A_1854, %gather3A_1908 : vector<16xf32>
          %mul3A_1910 = arith.mulf %gather3A_1908, %gather3A_1908 : vector<16xf32>
          %add3A_1911 = arith.addf %add3A_1856, %mul3A_1910 : vector<16xf32>
          %add3A_1912 = arith.constant 24 : i32
          %add3A_1913 = vector.broadcast %add3A_1912 : i32 to vector<16xi32>
          %add3A_1914 = arith.addi %add3A_280, %add3A_1913 : vector<16xi32>
          %gather3A_1915 = tpu.vector_load_idx %arg8[%add3A_1914] : memref<3328xi32, #tpu.memory_space<vmem>>[vector<16xi32>], vector<16xi32>,
          %ge3A_1916 = arith.constant 50048 : i32
          %ge3A_1917 = vector.broadcast %ge3A_1916 : i32 to vector<16xi32>
          %ge3A_1918 = arith.cmpi sge, %gather3A_1915, %ge3A_1917 : vector<16xi32>
          %jit3A_1919 = arith.constant 64 : i32
          %jit3A_1920 = arith.constant 0 : i32
          %broadcast_in_dim3A_1921 = vector.broadcast %jit3A_1919 : i32 to vector<16xi32>
          %broadcast_in_dim3A_1922 = vector.broadcast %jit3A_1920 : i32 to vector<16xi32>
          %select_n3A_1923 = arith.select %ge3A_1918, %broadcast_in_dim3A_1921, %broadcast_in_dim3A_1922 : vector<16xi1>, vector<16xi32>
          %add3A_1924 = arith.constant 24 : i32
          %add3A_1925 = vector.broadcast %add3A_1924 : i32 to vector<16xi32>
          %add3A_1926 = arith.addi %add3A_276, %add3A_1925 : vector<16xi32>
          %add3A_1927 = arith.addi %and3A_552, %select_n3A_1923 : vector<16xi32>
          %gather3A_1928 = tpu.vector_load_idx %arg10[%add3A_1926, %add3A_1927] : memref<832x128xf32, #tpu.memory_space<vmem>>[vector<16xi32>, vector<16xi32>], vector<16xf32>,
          %add3A_1929 = arith.addf %add3A_1874, %gather3A_1928 : vector<16xf32>
          %mul3A_1930 = arith.mulf %gather3A_1928, %gather3A_1928 : vector<16xf32>
          %add3A_1931 = arith.addf %add3A_1876, %mul3A_1930 : vector<16xf32>
          %add3A_1932 = arith.addi %and3A_558, %select_n3A_1923 : vector<16xi32>
          %gather3A_1933 = tpu.vector_load_idx %arg10[%add3A_1926, %add3A_1932] : memref<832x128xf32, #tpu.memory_space<vmem>>[vector<16xi32>, vector<16xi32>], vector<16xf32>,
          %add3A_1934 = arith.addf %add3A_1879, %gather3A_1933 : vector<16xf32>
          %mul3A_1935 = arith.mulf %gather3A_1933, %gather3A_1933 : vector<16xf32>
          %add3A_1936 = arith.addf %add3A_1881, %mul3A_1935 : vector<16xf32>
          %add3A_1937 = arith.addi %and3A_564, %select_n3A_1923 : vector<16xi32>
          %gather3A_1938 = tpu.vector_load_idx %arg10[%add3A_1926, %add3A_1937] : memref<832x128xf32, #tpu.memory_space<vmem>>[vector<16xi32>, vector<16xi32>], vector<16xf32>,
          %add3A_1939 = arith.addf %add3A_1884, %gather3A_1938 : vector<16xf32>
          %mul3A_1940 = arith.mulf %gather3A_1938, %gather3A_1938 : vector<16xf32>
          %add3A_1941 = arith.addf %add3A_1886, %mul3A_1940 : vector<16xf32>
          %add3A_1942 = arith.addi %and3A_570, %select_n3A_1923 : vector<16xi32>
          %gather3A_1943 = tpu.vector_load_idx %arg10[%add3A_1926, %add3A_1942] : memref<832x128xf32, #tpu.memory_space<vmem>>[vector<16xi32>, vector<16xi32>], vector<16xf32>,
          %add3A_1944 = arith.addf %add3A_1889, %gather3A_1943 : vector<16xf32>
          %mul3A_1945 = arith.mulf %gather3A_1943, %gather3A_1943 : vector<16xf32>
          %add3A_1946 = arith.addf %add3A_1891, %mul3A_1945 : vector<16xf32>
          %add3A_1947 = arith.addi %and3A_576, %select_n3A_1923 : vector<16xi32>
          %gather3A_1948 = tpu.vector_load_idx %arg10[%add3A_1926, %add3A_1947] : memref<832x128xf32, #tpu.memory_space<vmem>>[vector<16xi32>, vector<16xi32>], vector<16xf32>,
          %add3A_1949 = arith.addf %add3A_1894, %gather3A_1948 : vector<16xf32>
          %mul3A_1950 = arith.mulf %gather3A_1948, %gather3A_1948 : vector<16xf32>
          %add3A_1951 = arith.addf %add3A_1896, %mul3A_1950 : vector<16xf32>
          %add3A_1952 = arith.addi %and3A_582, %select_n3A_1923 : vector<16xi32>
          %gather3A_1953 = tpu.vector_load_idx %arg10[%add3A_1926, %add3A_1952] : memref<832x128xf32, #tpu.memory_space<vmem>>[vector<16xi32>, vector<16xi32>], vector<16xf32>,
          %add3A_1954 = arith.addf %add3A_1899, %gather3A_1953 : vector<16xf32>
          %mul3A_1955 = arith.mulf %gather3A_1953, %gather3A_1953 : vector<16xf32>
          %add3A_1956 = arith.addf %add3A_1901, %mul3A_1955 : vector<16xf32>
          %add3A_1957 = arith.addi %and3A_588, %select_n3A_1923 : vector<16xi32>
          %gather3A_1958 = tpu.vector_load_idx %arg10[%add3A_1926, %add3A_1957] : memref<832x128xf32, #tpu.memory_space<vmem>>[vector<16xi32>, vector<16xi32>], vector<16xf32>,
          %add3A_1959 = arith.addf %add3A_1904, %gather3A_1958 : vector<16xf32>
          %mul3A_1960 = arith.mulf %gather3A_1958, %gather3A_1958 : vector<16xf32>
          %add3A_1961 = arith.addf %add3A_1906, %mul3A_1960 : vector<16xf32>
          %add3A_1962 = arith.addi %and3A_594, %select_n3A_1923 : vector<16xi32>
          %gather3A_1963 = tpu.vector_load_idx %arg10[%add3A_1926, %add3A_1962] : memref<832x128xf32, #tpu.memory_space<vmem>>[vector<16xi32>, vector<16xi32>], vector<16xf32>,
          %add3A_1964 = arith.addf %add3A_1909, %gather3A_1963 : vector<16xf32>
          %mul3A_1965 = arith.mulf %gather3A_1963, %gather3A_1963 : vector<16xf32>
          %add3A_1966 = arith.addf %add3A_1911, %mul3A_1965 : vector<16xf32>
          %add3A_1967 = arith.constant 25 : i32
          %add3A_1968 = vector.broadcast %add3A_1967 : i32 to vector<16xi32>
          %add3A_1969 = arith.addi %add3A_280, %add3A_1968 : vector<16xi32>
          %gather3A_1970 = tpu.vector_load_idx %arg8[%add3A_1969] : memref<3328xi32, #tpu.memory_space<vmem>>[vector<16xi32>], vector<16xi32>,
          %ge3A_1971 = arith.constant 50048 : i32
          %ge3A_1972 = vector.broadcast %ge3A_1971 : i32 to vector<16xi32>
          %ge3A_1973 = arith.cmpi sge, %gather3A_1970, %ge3A_1972 : vector<16xi32>
          %jit3A_1974 = arith.constant 64 : i32
          %jit3A_1975 = arith.constant 0 : i32
          %broadcast_in_dim3A_1976 = vector.broadcast %jit3A_1974 : i32 to vector<16xi32>
          %broadcast_in_dim3A_1977 = vector.broadcast %jit3A_1975 : i32 to vector<16xi32>
          %select_n3A_1978 = arith.select %ge3A_1973, %broadcast_in_dim3A_1976, %broadcast_in_dim3A_1977 : vector<16xi1>, vector<16xi32>
          %add3A_1979 = arith.constant 25 : i32
          %add3A_1980 = vector.broadcast %add3A_1979 : i32 to vector<16xi32>
          %add3A_1981 = arith.addi %add3A_276, %add3A_1980 : vector<16xi32>
          %add3A_1982 = arith.addi %and3A_552, %select_n3A_1978 : vector<16xi32>
          %gather3A_1983 = tpu.vector_load_idx %arg10[%add3A_1981, %add3A_1982] : memref<832x128xf32, #tpu.memory_space<vmem>>[vector<16xi32>, vector<16xi32>], vector<16xf32>,
          %add3A_1984 = arith.addf %add3A_1929, %gather3A_1983 : vector<16xf32>
          %mul3A_1985 = arith.mulf %gather3A_1983, %gather3A_1983 : vector<16xf32>
          %add3A_1986 = arith.addf %add3A_1931, %mul3A_1985 : vector<16xf32>
          %add3A_1987 = arith.addi %and3A_558, %select_n3A_1978 : vector<16xi32>
          %gather3A_1988 = tpu.vector_load_idx %arg10[%add3A_1981, %add3A_1987] : memref<832x128xf32, #tpu.memory_space<vmem>>[vector<16xi32>, vector<16xi32>], vector<16xf32>,
          %add3A_1989 = arith.addf %add3A_1934, %gather3A_1988 : vector<16xf32>
          %mul3A_1990 = arith.mulf %gather3A_1988, %gather3A_1988 : vector<16xf32>
          %add3A_1991 = arith.addf %add3A_1936, %mul3A_1990 : vector<16xf32>
          %add3A_1992 = arith.addi %and3A_564, %select_n3A_1978 : vector<16xi32>
          %gather3A_1993 = tpu.vector_load_idx %arg10[%add3A_1981, %add3A_1992] : memref<832x128xf32, #tpu.memory_space<vmem>>[vector<16xi32>, vector<16xi32>], vector<16xf32>,
          %add3A_1994 = arith.addf %add3A_1939, %gather3A_1993 : vector<16xf32>
          %mul3A_1995 = arith.mulf %gather3A_1993, %gather3A_1993 : vector<16xf32>
          %add3A_1996 = arith.addf %add3A_1941, %mul3A_1995 : vector<16xf32>
          %add3A_1997 = arith.addi %and3A_570, %select_n3A_1978 : vector<16xi32>
          %gather3A_1998 = tpu.vector_load_idx %arg10[%add3A_1981, %add3A_1997] : memref<832x128xf32, #tpu.memory_space<vmem>>[vector<16xi32>, vector<16xi32>], vector<16xf32>,
          %add3A_1999 = arith.addf %add3A_1944, %gather3A_1998 : vector<16xf32>
          %mul3A_2000 = arith.mulf %gather3A_1998, %gather3A_1998 : vector<16xf32>
          %add3A_2001 = arith.addf %add3A_1946, %mul3A_2000 : vector<16xf32>
          %add3A_2002 = arith.addi %and3A_576, %select_n3A_1978 : vector<16xi32>
          %gather3A_2003 = tpu.vector_load_idx %arg10[%add3A_1981, %add3A_2002] : memref<832x128xf32, #tpu.memory_space<vmem>>[vector<16xi32>, vector<16xi32>], vector<16xf32>,
          %add3A_2004 = arith.addf %add3A_1949, %gather3A_2003 : vector<16xf32>
          %mul3A_2005 = arith.mulf %gather3A_2003, %gather3A_2003 : vector<16xf32>
          %add3A_2006 = arith.addf %add3A_1951, %mul3A_2005 : vector<16xf32>
          %add3A_2007 = arith.addi %and3A_582, %select_n3A_1978 : vector<16xi32>
          %gather3A_2008 = tpu.vector_load_idx %arg10[%add3A_1981, %add3A_2007] : memref<832x128xf32, #tpu.memory_space<vmem>>[vector<16xi32>, vector<16xi32>], vector<16xf32>,
          %add3A_2009 = arith.addf %add3A_1954, %gather3A_2008 : vector<16xf32>
          %mul3A_2010 = arith.mulf %gather3A_2008, %gather3A_2008 : vector<16xf32>
          %add3A_2011 = arith.addf %add3A_1956, %mul3A_2010 : vector<16xf32>
          %add3A_2012 = arith.addi %and3A_588, %select_n3A_1978 : vector<16xi32>
          %gather3A_2013 = tpu.vector_load_idx %arg10[%add3A_1981, %add3A_2012] : memref<832x128xf32, #tpu.memory_space<vmem>>[vector<16xi32>, vector<16xi32>], vector<16xf32>,
          %add3A_2014 = arith.addf %add3A_1959, %gather3A_2013 : vector<16xf32>
          %mul3A_2015 = arith.mulf %gather3A_2013, %gather3A_2013 : vector<16xf32>
          %add3A_2016 = arith.addf %add3A_1961, %mul3A_2015 : vector<16xf32>
          %add3A_2017 = arith.addi %and3A_594, %select_n3A_1978 : vector<16xi32>
          %gather3A_2018 = tpu.vector_load_idx %arg10[%add3A_1981, %add3A_2017] : memref<832x128xf32, #tpu.memory_space<vmem>>[vector<16xi32>, vector<16xi32>], vector<16xf32>,
          %add3A_2019 = arith.addf %add3A_1964, %gather3A_2018 : vector<16xf32>
          %mul3A_2020 = arith.mulf %gather3A_2018, %gather3A_2018 : vector<16xf32>
          %add3A_2021 = arith.addf %add3A_1966, %mul3A_2020 : vector<16xf32>
          %mul3A_2022 = arith.mulf %add3A_1984, %add3A_1984 : vector<16xf32>
          %add3A_2023 = arith.addf %scan3A_541, %mul3A_2022 : vector<16xf32>
          %add3A_2024 = arith.addf %scan3A_542, %add3A_1986 : vector<16xf32>
          %mul3A_2025 = arith.mulf %add3A_1989, %add3A_1989 : vector<16xf32>
          %add3A_2026 = arith.addf %add3A_2023, %mul3A_2025 : vector<16xf32>
          %add3A_2027 = arith.addf %add3A_2024, %add3A_1991 : vector<16xf32>
          %mul3A_2028 = arith.mulf %add3A_1994, %add3A_1994 : vector<16xf32>
          %add3A_2029 = arith.addf %add3A_2026, %mul3A_2028 : vector<16xf32>
          %add3A_2030 = arith.addf %add3A_2027, %add3A_1996 : vector<16xf32>
          %mul3A_2031 = arith.mulf %add3A_1999, %add3A_1999 : vector<16xf32>
          %add3A_2032 = arith.addf %add3A_2029, %mul3A_2031 : vector<16xf32>
          %add3A_2033 = arith.addf %add3A_2030, %add3A_2001 : vector<16xf32>
          %mul3A_2034 = arith.mulf %add3A_2004, %add3A_2004 : vector<16xf32>
          %add3A_2035 = arith.addf %add3A_2032, %mul3A_2034 : vector<16xf32>
          %add3A_2036 = arith.addf %add3A_2033, %add3A_2006 : vector<16xf32>
          %mul3A_2037 = arith.mulf %add3A_2009, %add3A_2009 : vector<16xf32>
          %add3A_2038 = arith.addf %add3A_2035, %mul3A_2037 : vector<16xf32>
          %add3A_2039 = arith.addf %add3A_2036, %add3A_2011 : vector<16xf32>
          %mul3A_2040 = arith.mulf %add3A_2014, %add3A_2014 : vector<16xf32>
          %add3A_2041 = arith.addf %add3A_2038, %mul3A_2040 : vector<16xf32>
          %add3A_2042 = arith.addf %add3A_2039, %add3A_2016 : vector<16xf32>
          %mul3A_2043 = arith.mulf %add3A_2019, %add3A_2019 : vector<16xf32>
          %add3A_2044 = arith.addf %add3A_2041, %mul3A_2043 : vector<16xf32>
          %add3A_2045 = arith.addf %add3A_2042, %add3A_2021 : vector<16xf32>
          scf.yield %add3A_2044, %add3A_2045 : vector<16xf32>, vector<16xf32>
        }
        %scan3A_286 = arith.constant 8 : i32
        %mul3A_287 = arith.constant 416 : i32
        %mul3A_288 = arith.muli %scan3A_271, %mul3A_287 : i32
        %add3A_289 = vector.broadcast %mul3A_288 : i32 to vector<16xi32>
        %add3A_290 = arith.addi %add3A_289, %mul3A_7 : vector<16xi32>
        %add3A_291 = arith.constant 0 : i32
        %add3A_292 = vector.broadcast %add3A_291 : i32 to vector<16xi32>
        %add3A_293 = arith.addi %add3A_290, %add3A_292 : vector<16xi32>
        %gather3A = tpu.vector_load_idx %arg11[%add3A_293] : memref<832xf32, #tpu.memory_space<vmem>>[vector<16xi32>], vector<16xf32>,
        %add3A_294 = arith.addf %broadcast_in_dim3A_8, %gather3A : vector<16xf32>
        %mul3A_295 = arith.constant 416 : i32
        %mul3A_296 = arith.muli %scan3A_271, %mul3A_295 : i32
        %add3A_297 = vector.broadcast %mul3A_296 : i32 to vector<16xi32>
        %add3A_298 = arith.addi %add3A_297, %mul3A_7 : vector<16xi32>
        %add3A_299 = arith.constant 1 : i32
        %add3A_300 = vector.broadcast %add3A_299 : i32 to vector<16xi32>
        %add3A_301 = arith.addi %add3A_298, %add3A_300 : vector<16xi32>
        %gather3A_302 = tpu.vector_load_idx %arg11[%add3A_301] : memref<832xf32, #tpu.memory_space<vmem>>[vector<16xi32>], vector<16xf32>,
        %add3A_303 = arith.addf %add3A_294, %gather3A_302 : vector<16xf32>
        %mul3A_304 = arith.constant 416 : i32
        %mul3A_305 = arith.muli %scan3A_271, %mul3A_304 : i32
        %add3A_306 = vector.broadcast %mul3A_305 : i32 to vector<16xi32>
        %add3A_307 = arith.addi %add3A_306, %mul3A_7 : vector<16xi32>
        %add3A_308 = arith.constant 2 : i32
        %add3A_309 = vector.broadcast %add3A_308 : i32 to vector<16xi32>
        %add3A_310 = arith.addi %add3A_307, %add3A_309 : vector<16xi32>
        %gather3A_311 = tpu.vector_load_idx %arg11[%add3A_310] : memref<832xf32, #tpu.memory_space<vmem>>[vector<16xi32>], vector<16xf32>,
        %add3A_312 = arith.addf %add3A_303, %gather3A_311 : vector<16xf32>
        %mul3A_313 = arith.constant 416 : i32
        %mul3A_314 = arith.muli %scan3A_271, %mul3A_313 : i32
        %add3A_315 = vector.broadcast %mul3A_314 : i32 to vector<16xi32>
        %add3A_316 = arith.addi %add3A_315, %mul3A_7 : vector<16xi32>
        %add3A_317 = arith.constant 3 : i32
        %add3A_318 = vector.broadcast %add3A_317 : i32 to vector<16xi32>
        %add3A_319 = arith.addi %add3A_316, %add3A_318 : vector<16xi32>
        %gather3A_320 = tpu.vector_load_idx %arg11[%add3A_319] : memref<832xf32, #tpu.memory_space<vmem>>[vector<16xi32>], vector<16xf32>,
        %add3A_321 = arith.addf %add3A_312, %gather3A_320 : vector<16xf32>
        %mul3A_322 = arith.constant 416 : i32
        %mul3A_323 = arith.muli %scan3A_271, %mul3A_322 : i32
        %add3A_324 = vector.broadcast %mul3A_323 : i32 to vector<16xi32>
        %add3A_325 = arith.addi %add3A_324, %mul3A_7 : vector<16xi32>
        %add3A_326 = arith.constant 4 : i32
        %add3A_327 = vector.broadcast %add3A_326 : i32 to vector<16xi32>
        %add3A_328 = arith.addi %add3A_325, %add3A_327 : vector<16xi32>
        %gather3A_329 = tpu.vector_load_idx %arg11[%add3A_328] : memref<832xf32, #tpu.memory_space<vmem>>[vector<16xi32>], vector<16xf32>,
        %add3A_330 = arith.addf %add3A_321, %gather3A_329 : vector<16xf32>
        %mul3A_331 = arith.constant 416 : i32
        %mul3A_332 = arith.muli %scan3A_271, %mul3A_331 : i32
        %add3A_333 = vector.broadcast %mul3A_332 : i32 to vector<16xi32>
        %add3A_334 = arith.addi %add3A_333, %mul3A_7 : vector<16xi32>
        %add3A_335 = arith.constant 5 : i32
        %add3A_336 = vector.broadcast %add3A_335 : i32 to vector<16xi32>
        %add3A_337 = arith.addi %add3A_334, %add3A_336 : vector<16xi32>
        %gather3A_338 = tpu.vector_load_idx %arg11[%add3A_337] : memref<832xf32, #tpu.memory_space<vmem>>[vector<16xi32>], vector<16xf32>,
        %add3A_339 = arith.addf %add3A_330, %gather3A_338 : vector<16xf32>
        %mul3A_340 = arith.constant 416 : i32
        %mul3A_341 = arith.muli %scan3A_271, %mul3A_340 : i32
        %add3A_342 = vector.broadcast %mul3A_341 : i32 to vector<16xi32>
        %add3A_343 = arith.addi %add3A_342, %mul3A_7 : vector<16xi32>
        %add3A_344 = arith.constant 6 : i32
        %add3A_345 = vector.broadcast %add3A_344 : i32 to vector<16xi32>
        %add3A_346 = arith.addi %add3A_343, %add3A_345 : vector<16xi32>
        %gather3A_347 = tpu.vector_load_idx %arg11[%add3A_346] : memref<832xf32, #tpu.memory_space<vmem>>[vector<16xi32>], vector<16xf32>,
        %add3A_348 = arith.addf %add3A_339, %gather3A_347 : vector<16xf32>
        %mul3A_349 = arith.constant 416 : i32
        %mul3A_350 = arith.muli %scan3A_271, %mul3A_349 : i32
        %add3A_351 = vector.broadcast %mul3A_350 : i32 to vector<16xi32>
        %add3A_352 = arith.addi %add3A_351, %mul3A_7 : vector<16xi32>
        %add3A_353 = arith.constant 7 : i32
        %add3A_354 = vector.broadcast %add3A_353 : i32 to vector<16xi32>
        %add3A_355 = arith.addi %add3A_352, %add3A_354 : vector<16xi32>
        %gather3A_356 = tpu.vector_load_idx %arg11[%add3A_355] : memref<832xf32, #tpu.memory_space<vmem>>[vector<16xi32>], vector<16xf32>,
        %add3A_357 = arith.addf %add3A_348, %gather3A_356 : vector<16xf32>
        %mul3A_358 = arith.constant 416 : i32
        %mul3A_359 = arith.muli %scan3A_271, %mul3A_358 : i32
        %add3A_360 = vector.broadcast %mul3A_359 : i32 to vector<16xi32>
        %add3A_361 = arith.addi %add3A_360, %mul3A_7 : vector<16xi32>
        %add3A_362 = arith.constant 8 : i32
        %add3A_363 = vector.broadcast %add3A_362 : i32 to vector<16xi32>
        %add3A_364 = arith.addi %add3A_361, %add3A_363 : vector<16xi32>
        %gather3A_365 = tpu.vector_load_idx %arg11[%add3A_364] : memref<832xf32, #tpu.memory_space<vmem>>[vector<16xi32>], vector<16xf32>,
        %add3A_366 = arith.addf %add3A_357, %gather3A_365 : vector<16xf32>
        %mul3A_367 = arith.constant 416 : i32
        %mul3A_368 = arith.muli %scan3A_271, %mul3A_367 : i32
        %add3A_369 = vector.broadcast %mul3A_368 : i32 to vector<16xi32>
        %add3A_370 = arith.addi %add3A_369, %mul3A_7 : vector<16xi32>
        %add3A_371 = arith.constant 9 : i32
        %add3A_372 = vector.broadcast %add3A_371 : i32 to vector<16xi32>
        %add3A_373 = arith.addi %add3A_370, %add3A_372 : vector<16xi32>
        %gather3A_374 = tpu.vector_load_idx %arg11[%add3A_373] : memref<832xf32, #tpu.memory_space<vmem>>[vector<16xi32>], vector<16xf32>,
        %add3A_375 = arith.addf %add3A_366, %gather3A_374 : vector<16xf32>
        %mul3A_376 = arith.constant 416 : i32
        %mul3A_377 = arith.muli %scan3A_271, %mul3A_376 : i32
        %add3A_378 = vector.broadcast %mul3A_377 : i32 to vector<16xi32>
        %add3A_379 = arith.addi %add3A_378, %mul3A_7 : vector<16xi32>
        %add3A_380 = arith.constant 10 : i32
        %add3A_381 = vector.broadcast %add3A_380 : i32 to vector<16xi32>
        %add3A_382 = arith.addi %add3A_379, %add3A_381 : vector<16xi32>
        %gather3A_383 = tpu.vector_load_idx %arg11[%add3A_382] : memref<832xf32, #tpu.memory_space<vmem>>[vector<16xi32>], vector<16xf32>,
        %add3A_384 = arith.addf %add3A_375, %gather3A_383 : vector<16xf32>
        %mul3A_385 = arith.constant 416 : i32
        %mul3A_386 = arith.muli %scan3A_271, %mul3A_385 : i32
        %add3A_387 = vector.broadcast %mul3A_386 : i32 to vector<16xi32>
        %add3A_388 = arith.addi %add3A_387, %mul3A_7 : vector<16xi32>
        %add3A_389 = arith.constant 11 : i32
        %add3A_390 = vector.broadcast %add3A_389 : i32 to vector<16xi32>
        %add3A_391 = arith.addi %add3A_388, %add3A_390 : vector<16xi32>
        %gather3A_392 = tpu.vector_load_idx %arg11[%add3A_391] : memref<832xf32, #tpu.memory_space<vmem>>[vector<16xi32>], vector<16xf32>,
        %add3A_393 = arith.addf %add3A_384, %gather3A_392 : vector<16xf32>
        %mul3A_394 = arith.constant 416 : i32
        %mul3A_395 = arith.muli %scan3A_271, %mul3A_394 : i32
        %add3A_396 = vector.broadcast %mul3A_395 : i32 to vector<16xi32>
        %add3A_397 = arith.addi %add3A_396, %mul3A_7 : vector<16xi32>
        %add3A_398 = arith.constant 12 : i32
        %add3A_399 = vector.broadcast %add3A_398 : i32 to vector<16xi32>
        %add3A_400 = arith.addi %add3A_397, %add3A_399 : vector<16xi32>
        %gather3A_401 = tpu.vector_load_idx %arg11[%add3A_400] : memref<832xf32, #tpu.memory_space<vmem>>[vector<16xi32>], vector<16xf32>,
        %add3A_402 = arith.addf %add3A_393, %gather3A_401 : vector<16xf32>
        %mul3A_403 = arith.constant 416 : i32
        %mul3A_404 = arith.muli %scan3A_271, %mul3A_403 : i32
        %add3A_405 = vector.broadcast %mul3A_404 : i32 to vector<16xi32>
        %add3A_406 = arith.addi %add3A_405, %mul3A_7 : vector<16xi32>
        %add3A_407 = arith.constant 13 : i32
        %add3A_408 = vector.broadcast %add3A_407 : i32 to vector<16xi32>
        %add3A_409 = arith.addi %add3A_406, %add3A_408 : vector<16xi32>
        %gather3A_410 = tpu.vector_load_idx %arg11[%add3A_409] : memref<832xf32, #tpu.memory_space<vmem>>[vector<16xi32>], vector<16xf32>,
        %add3A_411 = arith.addf %add3A_402, %gather3A_410 : vector<16xf32>
        %mul3A_412 = arith.constant 416 : i32
        %mul3A_413 = arith.muli %scan3A_271, %mul3A_412 : i32
        %add3A_414 = vector.broadcast %mul3A_413 : i32 to vector<16xi32>
        %add3A_415 = arith.addi %add3A_414, %mul3A_7 : vector<16xi32>
        %add3A_416 = arith.constant 14 : i32
        %add3A_417 = vector.broadcast %add3A_416 : i32 to vector<16xi32>
        %add3A_418 = arith.addi %add3A_415, %add3A_417 : vector<16xi32>
        %gather3A_419 = tpu.vector_load_idx %arg11[%add3A_418] : memref<832xf32, #tpu.memory_space<vmem>>[vector<16xi32>], vector<16xf32>,
        %add3A_420 = arith.addf %add3A_411, %gather3A_419 : vector<16xf32>
        %mul3A_421 = arith.constant 416 : i32
        %mul3A_422 = arith.muli %scan3A_271, %mul3A_421 : i32
        %add3A_423 = vector.broadcast %mul3A_422 : i32 to vector<16xi32>
        %add3A_424 = arith.addi %add3A_423, %mul3A_7 : vector<16xi32>
        %add3A_425 = arith.constant 15 : i32
        %add3A_426 = vector.broadcast %add3A_425 : i32 to vector<16xi32>
        %add3A_427 = arith.addi %add3A_424, %add3A_426 : vector<16xi32>
        %gather3A_428 = tpu.vector_load_idx %arg11[%add3A_427] : memref<832xf32, #tpu.memory_space<vmem>>[vector<16xi32>], vector<16xf32>,
        %add3A_429 = arith.addf %add3A_420, %gather3A_428 : vector<16xf32>
        %mul3A_430 = arith.constant 416 : i32
        %mul3A_431 = arith.muli %scan3A_271, %mul3A_430 : i32
        %add3A_432 = vector.broadcast %mul3A_431 : i32 to vector<16xi32>
        %add3A_433 = arith.addi %add3A_432, %mul3A_7 : vector<16xi32>
        %add3A_434 = arith.constant 16 : i32
        %add3A_435 = vector.broadcast %add3A_434 : i32 to vector<16xi32>
        %add3A_436 = arith.addi %add3A_433, %add3A_435 : vector<16xi32>
        %gather3A_437 = tpu.vector_load_idx %arg11[%add3A_436] : memref<832xf32, #tpu.memory_space<vmem>>[vector<16xi32>], vector<16xf32>,
        %add3A_438 = arith.addf %add3A_429, %gather3A_437 : vector<16xf32>
        %mul3A_439 = arith.constant 416 : i32
        %mul3A_440 = arith.muli %scan3A_271, %mul3A_439 : i32
        %add3A_441 = vector.broadcast %mul3A_440 : i32 to vector<16xi32>
        %add3A_442 = arith.addi %add3A_441, %mul3A_7 : vector<16xi32>
        %add3A_443 = arith.constant 17 : i32
        %add3A_444 = vector.broadcast %add3A_443 : i32 to vector<16xi32>
        %add3A_445 = arith.addi %add3A_442, %add3A_444 : vector<16xi32>
        %gather3A_446 = tpu.vector_load_idx %arg11[%add3A_445] : memref<832xf32, #tpu.memory_space<vmem>>[vector<16xi32>], vector<16xf32>,
        %add3A_447 = arith.addf %add3A_438, %gather3A_446 : vector<16xf32>
        %mul3A_448 = arith.constant 416 : i32
        %mul3A_449 = arith.muli %scan3A_271, %mul3A_448 : i32
        %add3A_450 = vector.broadcast %mul3A_449 : i32 to vector<16xi32>
        %add3A_451 = arith.addi %add3A_450, %mul3A_7 : vector<16xi32>
        %add3A_452 = arith.constant 18 : i32
        %add3A_453 = vector.broadcast %add3A_452 : i32 to vector<16xi32>
        %add3A_454 = arith.addi %add3A_451, %add3A_453 : vector<16xi32>
        %gather3A_455 = tpu.vector_load_idx %arg11[%add3A_454] : memref<832xf32, #tpu.memory_space<vmem>>[vector<16xi32>], vector<16xf32>,
        %add3A_456 = arith.addf %add3A_447, %gather3A_455 : vector<16xf32>
        %mul3A_457 = arith.constant 416 : i32
        %mul3A_458 = arith.muli %scan3A_271, %mul3A_457 : i32
        %add3A_459 = vector.broadcast %mul3A_458 : i32 to vector<16xi32>
        %add3A_460 = arith.addi %add3A_459, %mul3A_7 : vector<16xi32>
        %add3A_461 = arith.constant 19 : i32
        %add3A_462 = vector.broadcast %add3A_461 : i32 to vector<16xi32>
        %add3A_463 = arith.addi %add3A_460, %add3A_462 : vector<16xi32>
        %gather3A_464 = tpu.vector_load_idx %arg11[%add3A_463] : memref<832xf32, #tpu.memory_space<vmem>>[vector<16xi32>], vector<16xf32>,
        %add3A_465 = arith.addf %add3A_456, %gather3A_464 : vector<16xf32>
        %mul3A_466 = arith.constant 416 : i32
        %mul3A_467 = arith.muli %scan3A_271, %mul3A_466 : i32
        %add3A_468 = vector.broadcast %mul3A_467 : i32 to vector<16xi32>
        %add3A_469 = arith.addi %add3A_468, %mul3A_7 : vector<16xi32>
        %add3A_470 = arith.constant 20 : i32
        %add3A_471 = vector.broadcast %add3A_470 : i32 to vector<16xi32>
        %add3A_472 = arith.addi %add3A_469, %add3A_471 : vector<16xi32>
        %gather3A_473 = tpu.vector_load_idx %arg11[%add3A_472] : memref<832xf32, #tpu.memory_space<vmem>>[vector<16xi32>], vector<16xf32>,
        %add3A_474 = arith.addf %add3A_465, %gather3A_473 : vector<16xf32>
        %mul3A_475 = arith.constant 416 : i32
        %mul3A_476 = arith.muli %scan3A_271, %mul3A_475 : i32
        %add3A_477 = vector.broadcast %mul3A_476 : i32 to vector<16xi32>
        %add3A_478 = arith.addi %add3A_477, %mul3A_7 : vector<16xi32>
        %add3A_479 = arith.constant 21 : i32
        %add3A_480 = vector.broadcast %add3A_479 : i32 to vector<16xi32>
        %add3A_481 = arith.addi %add3A_478, %add3A_480 : vector<16xi32>
        %gather3A_482 = tpu.vector_load_idx %arg11[%add3A_481] : memref<832xf32, #tpu.memory_space<vmem>>[vector<16xi32>], vector<16xf32>,
        %add3A_483 = arith.addf %add3A_474, %gather3A_482 : vector<16xf32>
        %mul3A_484 = arith.constant 416 : i32
        %mul3A_485 = arith.muli %scan3A_271, %mul3A_484 : i32
        %add3A_486 = vector.broadcast %mul3A_485 : i32 to vector<16xi32>
        %add3A_487 = arith.addi %add3A_486, %mul3A_7 : vector<16xi32>
        %add3A_488 = arith.constant 22 : i32
        %add3A_489 = vector.broadcast %add3A_488 : i32 to vector<16xi32>
        %add3A_490 = arith.addi %add3A_487, %add3A_489 : vector<16xi32>
        %gather3A_491 = tpu.vector_load_idx %arg11[%add3A_490] : memref<832xf32, #tpu.memory_space<vmem>>[vector<16xi32>], vector<16xf32>,
        %add3A_492 = arith.addf %add3A_483, %gather3A_491 : vector<16xf32>
        %mul3A_493 = arith.constant 416 : i32
        %mul3A_494 = arith.muli %scan3A_271, %mul3A_493 : i32
        %add3A_495 = vector.broadcast %mul3A_494 : i32 to vector<16xi32>
        %add3A_496 = arith.addi %add3A_495, %mul3A_7 : vector<16xi32>
        %add3A_497 = arith.constant 23 : i32
        %add3A_498 = vector.broadcast %add3A_497 : i32 to vector<16xi32>
        %add3A_499 = arith.addi %add3A_496, %add3A_498 : vector<16xi32>
        %gather3A_500 = tpu.vector_load_idx %arg11[%add3A_499] : memref<832xf32, #tpu.memory_space<vmem>>[vector<16xi32>], vector<16xf32>,
        %add3A_501 = arith.addf %add3A_492, %gather3A_500 : vector<16xf32>
        %mul3A_502 = arith.constant 416 : i32
        %mul3A_503 = arith.muli %scan3A_271, %mul3A_502 : i32
        %add3A_504 = vector.broadcast %mul3A_503 : i32 to vector<16xi32>
        %add3A_505 = arith.addi %add3A_504, %mul3A_7 : vector<16xi32>
        %add3A_506 = arith.constant 24 : i32
        %add3A_507 = vector.broadcast %add3A_506 : i32 to vector<16xi32>
        %add3A_508 = arith.addi %add3A_505, %add3A_507 : vector<16xi32>
        %gather3A_509 = tpu.vector_load_idx %arg11[%add3A_508] : memref<832xf32, #tpu.memory_space<vmem>>[vector<16xi32>], vector<16xf32>,
        %add3A_510 = arith.addf %add3A_501, %gather3A_509 : vector<16xf32>
        %mul3A_511 = arith.constant 416 : i32
        %mul3A_512 = arith.muli %scan3A_271, %mul3A_511 : i32
        %add3A_513 = vector.broadcast %mul3A_512 : i32 to vector<16xi32>
        %add3A_514 = arith.addi %add3A_513, %mul3A_7 : vector<16xi32>
        %add3A_515 = arith.constant 25 : i32
        %add3A_516 = vector.broadcast %add3A_515 : i32 to vector<16xi32>
        %add3A_517 = arith.addi %add3A_514, %add3A_516 : vector<16xi32>
        %gather3A_518 = tpu.vector_load_idx %arg11[%add3A_517] : memref<832xf32, #tpu.memory_space<vmem>>[vector<16xi32>], vector<16xf32>,
        %add3A_519 = arith.addf %add3A_510, %gather3A_518 : vector<16xf32>
        %sub3A = arith.subf %scan3A_285#0, %scan3A_285#1 : vector<16xf32>
        %mul3A_520 = arith.constant 5.000000e-01 : f32
        %mul3A_521 = vector.broadcast %mul3A_520 : f32 to vector<16xf32>
        %mul3A_522 = arith.mulf %mul3A_521, %sub3A : vector<16xf32>
        %add3A_523 = arith.addf %mul3A_522, %add3A_519 : vector<16xf32>
        %get3A = arith.constant 0 : index
        %get3A_524 = tpu.vector_load %arg13[%get3A] {strides = array<i32>} : memref<16xf32, #tpu.memory_space<vmem>>, vector<16xf32>,
        %add3A_525 = arith.addf %add3A_523, %get3A_524 : vector<16xf32>
        %swap3A = arith.constant 0 : index
        %swap3A_526 = tpu.vector_load %arg12[%swap3A] {strides = array<i32>} : memref<16xf32, #tpu.memory_space<vmem>>, vector<16xf32>,
        tpu.vector_store %arg12[%swap3A], %add3A_525 {strides = array<i32>} : memref<16xf32, #tpu.memory_space<vmem>>, vector<16xf32>,
        %mul3A_527 = arith.constant 128 : i32
        %mul3A_528 = arith.muli %add3A, %mul3A_527 : i32
        %mul3A_529 = arith.constant 16 : i32
        %mul3A_530 = arith.muli %add3A_272, %mul3A_529 : i32
        %add3A_531 = arith.addi %mul3A_528, %mul3A_530 : i32
        "tpu.region"() ({
          %run_scoped3A = tpu.sem_alloc : memref<!tpu.dma_semaphore, #tpu.memory_space<semaphore_mem>>
          %dma_start3A_540 = tpu.memref_slice %arg7[%add3A_531] : memref<4096xf32, #tpu.memory_space<hbm>> -> memref<16xf32, #tpu.memory_space<hbm>>
          %dma_start3A_541 = tpu.memref_slice %arg7[%add3A_531] : memref<4096xf32, #tpu.memory_space<hbm>> -> memref<16xf32, #tpu.memory_space<hbm>>
          tpu.enqueue_dma source(%arg12 : memref<16xf32, #tpu.memory_space<vmem>>) target(%dma_start3A_541 : memref<16xf32, #tpu.memory_space<hbm>>) target_semaphore(%run_scoped3A : memref<!tpu.dma_semaphore, #tpu.memory_space<semaphore_mem>>)
          %dma_wait3A_542 = tpu.memref_slice %arg7[%add3A_531] : memref<4096xf32, #tpu.memory_space<hbm>> -> memref<16xf32, #tpu.memory_space<hbm>>
          %dma_wait3A_543 = tpu.memref_slice %arg7[%add3A_531] : memref<4096xf32, #tpu.memory_space<hbm>> -> memref<16xf32, #tpu.memory_space<hbm>>
          tpu.wait_dma2 semaphore(%run_scoped3A : memref<!tpu.dma_semaphore, #tpu.memory_space<semaphore_mem>>) src(%arg12 : memref<16xf32, #tpu.memory_space<vmem>>) dst(%dma_wait3A_543 : memref<16xf32, #tpu.memory_space<hbm>>)
          tpu.yield
        }) : () -> ()
        %eq3A = arith.constant 0 : i32
        %eq3A_532 = arith.cmpi eq, %scan3A_271, %eq3A : i32
        %convert_element_type3A = arith.extui %eq3A_532 : i1 to i32
        %cond3A = arith.constant 0 : i32
        %cond3A_533 = arith.cmpi ne, %convert_element_type3A, %cond3A : i32
        scf.if %cond3A_533 {
          %dma_wait3A_540 = arith.constant 1 : i32
          %dma_wait3A_541 = arith.constant 416 : i32
          %dma_wait3A_542 = arith.constant 0 : i32
          %dma_wait3A_543 = tpu.memref_slice %arg10[%dma_wait3A_541, %dma_wait3A_542] : memref<832x128xf32, #tpu.memory_space<vmem>> -> memref<104x128xf32, #tpu.memory_space<vmem>>
          %dma_wait3A_544 = arith.constant 0 : i32
          %dma_wait3A_545 = tpu.memref_slice %arg9[%dma_wait3A_544] : memref<3328xi32, #tpu.memory_space<vmem>> -> memref<104xi32, #tpu.memory_space<vmem>>
          %dma_wait3A_546 = arith.constant 0 : i32
          %dma_wait3A_547 = arith.constant 0 : i32
          %dma_wait3A_548 = tpu.memref_slice %arg4[%dma_wait3A_546, %dma_wait3A_547] : memref<50048x128xf32, #tpu.memory_space<hbm>> -> memref<50048x128xf32, #tpu.memory_space<hbm>>
          %dma_wait3A_549 = tpu.memref_slice %arg14[%dma_wait3A_540] : memref<2x!tpu.dma_semaphore, #tpu.memory_space<semaphore_mem>> -> memref<1x!tpu.dma_semaphore, #tpu.memory_space<semaphore_mem>>
          %dma_wait3A_550 = tpu.memref_squeeze %dma_wait3A_549 : memref<1x!tpu.dma_semaphore, #tpu.memory_space<semaphore_mem>> -> memref<!tpu.dma_semaphore, #tpu.memory_space<semaphore_mem>>
          tpu.wait_indirect_dma semaphore(%dma_wait3A_550 : memref<!tpu.dma_semaphore, #tpu.memory_space<semaphore_mem>>) src(%dma_wait3A_548 : memref<50048x128xf32, #tpu.memory_space<hbm>>) dst(%dma_wait3A_543 : memref<104x128xf32, #tpu.memory_space<vmem>>)
          %dma_wait3A_551 = arith.constant 1 : i32
          %dma_wait3A_552 = arith.constant 416 : i32
          %dma_wait3A_553 = tpu.memref_slice %arg11[%dma_wait3A_552] : memref<832xf32, #tpu.memory_space<vmem>> -> memref<104xf32, #tpu.memory_space<vmem>>
          %dma_wait3A_554 = arith.constant 0 : i32
          %dma_wait3A_555 = tpu.memref_slice %arg8[%dma_wait3A_554] : memref<3328xi32, #tpu.memory_space<vmem>> -> memref<104xi32, #tpu.memory_space<vmem>>
          %dma_wait3A_556 = arith.constant 0 : i32
          %dma_wait3A_557 = tpu.memref_slice %arg5[%dma_wait3A_556] : memref<100000xf32, #tpu.memory_space<hbm>> -> memref<100000xf32, #tpu.memory_space<hbm>>
          %dma_wait3A_558 = tpu.memref_slice %arg14[%dma_wait3A_551] : memref<2x!tpu.dma_semaphore, #tpu.memory_space<semaphore_mem>> -> memref<1x!tpu.dma_semaphore, #tpu.memory_space<semaphore_mem>>
          %dma_wait3A_559 = tpu.memref_squeeze %dma_wait3A_558 : memref<1x!tpu.dma_semaphore, #tpu.memory_space<semaphore_mem>> -> memref<!tpu.dma_semaphore, #tpu.memory_space<semaphore_mem>>
          tpu.wait_indirect_dma semaphore(%dma_wait3A_559 : memref<!tpu.dma_semaphore, #tpu.memory_space<semaphore_mem>>) src(%dma_wait3A_557 : memref<100000xf32, #tpu.memory_space<hbm>>) dst(%dma_wait3A_553 : memref<104xf32, #tpu.memory_space<vmem>>)
          %dma_wait3A_560 = arith.constant 1 : i32
          %dma_wait3A_561 = arith.constant 520 : i32
          %dma_wait3A_562 = arith.constant 0 : i32
          %dma_wait3A_563 = tpu.memref_slice %arg10[%dma_wait3A_561, %dma_wait3A_562] : memref<832x128xf32, #tpu.memory_space<vmem>> -> memref<104x128xf32, #tpu.memory_space<vmem>>
          %dma_wait3A_564 = arith.constant 0 : i32
          %dma_wait3A_565 = tpu.memref_slice %arg9[%dma_wait3A_564] : memref<3328xi32, #tpu.memory_space<vmem>> -> memref<104xi32, #tpu.memory_space<vmem>>
          %dma_wait3A_566 = arith.constant 0 : i32
          %dma_wait3A_567 = arith.constant 0 : i32
          %dma_wait3A_568 = tpu.memref_slice %arg4[%dma_wait3A_566, %dma_wait3A_567] : memref<50048x128xf32, #tpu.memory_space<hbm>> -> memref<50048x128xf32, #tpu.memory_space<hbm>>
          %dma_wait3A_569 = tpu.memref_slice %arg14[%dma_wait3A_560] : memref<2x!tpu.dma_semaphore, #tpu.memory_space<semaphore_mem>> -> memref<1x!tpu.dma_semaphore, #tpu.memory_space<semaphore_mem>>
          %dma_wait3A_570 = tpu.memref_squeeze %dma_wait3A_569 : memref<1x!tpu.dma_semaphore, #tpu.memory_space<semaphore_mem>> -> memref<!tpu.dma_semaphore, #tpu.memory_space<semaphore_mem>>
          tpu.wait_indirect_dma semaphore(%dma_wait3A_570 : memref<!tpu.dma_semaphore, #tpu.memory_space<semaphore_mem>>) src(%dma_wait3A_568 : memref<50048x128xf32, #tpu.memory_space<hbm>>) dst(%dma_wait3A_563 : memref<104x128xf32, #tpu.memory_space<vmem>>)
          %dma_wait3A_571 = arith.constant 1 : i32
          %dma_wait3A_572 = arith.constant 520 : i32
          %dma_wait3A_573 = tpu.memref_slice %arg11[%dma_wait3A_572] : memref<832xf32, #tpu.memory_space<vmem>> -> memref<104xf32, #tpu.memory_space<vmem>>
          %dma_wait3A_574 = arith.constant 0 : i32
          %dma_wait3A_575 = tpu.memref_slice %arg8[%dma_wait3A_574] : memref<3328xi32, #tpu.memory_space<vmem>> -> memref<104xi32, #tpu.memory_space<vmem>>
          %dma_wait3A_576 = arith.constant 0 : i32
          %dma_wait3A_577 = tpu.memref_slice %arg5[%dma_wait3A_576] : memref<100000xf32, #tpu.memory_space<hbm>> -> memref<100000xf32, #tpu.memory_space<hbm>>
          %dma_wait3A_578 = tpu.memref_slice %arg14[%dma_wait3A_571] : memref<2x!tpu.dma_semaphore, #tpu.memory_space<semaphore_mem>> -> memref<1x!tpu.dma_semaphore, #tpu.memory_space<semaphore_mem>>
          %dma_wait3A_579 = tpu.memref_squeeze %dma_wait3A_578 : memref<1x!tpu.dma_semaphore, #tpu.memory_space<semaphore_mem>> -> memref<!tpu.dma_semaphore, #tpu.memory_space<semaphore_mem>>
          tpu.wait_indirect_dma semaphore(%dma_wait3A_579 : memref<!tpu.dma_semaphore, #tpu.memory_space<semaphore_mem>>) src(%dma_wait3A_577 : memref<100000xf32, #tpu.memory_space<hbm>>) dst(%dma_wait3A_573 : memref<104xf32, #tpu.memory_space<vmem>>)
          %dma_wait3A_580 = arith.constant 1 : i32
          %dma_wait3A_581 = arith.constant 624 : i32
          %dma_wait3A_582 = arith.constant 0 : i32
          %dma_wait3A_583 = tpu.memref_slice %arg10[%dma_wait3A_581, %dma_wait3A_582] : memref<832x128xf32, #tpu.memory_space<vmem>> -> memref<104x128xf32, #tpu.memory_space<vmem>>
          %dma_wait3A_584 = arith.constant 0 : i32
          %dma_wait3A_585 = tpu.memref_slice %arg9[%dma_wait3A_584] : memref<3328xi32, #tpu.memory_space<vmem>> -> memref<104xi32, #tpu.memory_space<vmem>>
          %dma_wait3A_586 = arith.constant 0 : i32
          %dma_wait3A_587 = arith.constant 0 : i32
          %dma_wait3A_588 = tpu.memref_slice %arg4[%dma_wait3A_586, %dma_wait3A_587] : memref<50048x128xf32, #tpu.memory_space<hbm>> -> memref<50048x128xf32, #tpu.memory_space<hbm>>
          %dma_wait3A_589 = tpu.memref_slice %arg14[%dma_wait3A_580] : memref<2x!tpu.dma_semaphore, #tpu.memory_space<semaphore_mem>> -> memref<1x!tpu.dma_semaphore, #tpu.memory_space<semaphore_mem>>
          %dma_wait3A_590 = tpu.memref_squeeze %dma_wait3A_589 : memref<1x!tpu.dma_semaphore, #tpu.memory_space<semaphore_mem>> -> memref<!tpu.dma_semaphore, #tpu.memory_space<semaphore_mem>>
          tpu.wait_indirect_dma semaphore(%dma_wait3A_590 : memref<!tpu.dma_semaphore, #tpu.memory_space<semaphore_mem>>) src(%dma_wait3A_588 : memref<50048x128xf32, #tpu.memory_space<hbm>>) dst(%dma_wait3A_583 : memref<104x128xf32, #tpu.memory_space<vmem>>)
          %dma_wait3A_591 = arith.constant 1 : i32
          %dma_wait3A_592 = arith.constant 624 : i32
          %dma_wait3A_593 = tpu.memref_slice %arg11[%dma_wait3A_592] : memref<832xf32, #tpu.memory_space<vmem>> -> memref<104xf32, #tpu.memory_space<vmem>>
          %dma_wait3A_594 = arith.constant 0 : i32
          %dma_wait3A_595 = tpu.memref_slice %arg8[%dma_wait3A_594] : memref<3328xi32, #tpu.memory_space<vmem>> -> memref<104xi32, #tpu.memory_space<vmem>>
          %dma_wait3A_596 = arith.constant 0 : i32
          %dma_wait3A_597 = tpu.memref_slice %arg5[%dma_wait3A_596] : memref<100000xf32, #tpu.memory_space<hbm>> -> memref<100000xf32, #tpu.memory_space<hbm>>
          %dma_wait3A_598 = tpu.memref_slice %arg14[%dma_wait3A_591] : memref<2x!tpu.dma_semaphore, #tpu.memory_space<semaphore_mem>> -> memref<1x!tpu.dma_semaphore, #tpu.memory_space<semaphore_mem>>
          %dma_wait3A_599 = tpu.memref_squeeze %dma_wait3A_598 : memref<1x!tpu.dma_semaphore, #tpu.memory_space<semaphore_mem>> -> memref<!tpu.dma_semaphore, #tpu.memory_space<semaphore_mem>>
          tpu.wait_indirect_dma semaphore(%dma_wait3A_599 : memref<!tpu.dma_semaphore, #tpu.memory_space<semaphore_mem>>) src(%dma_wait3A_597 : memref<100000xf32, #tpu.memory_space<hbm>>) dst(%dma_wait3A_593 : memref<104xf32, #tpu.memory_space<vmem>>)
          %dma_wait3A_600 = arith.constant 1 : i32
          %dma_wait3A_601 = arith.constant 728 : i32
          %dma_wait3A_602 = arith.constant 0 : i32
          %dma_wait3A_603 = tpu.memref_slice %arg10[%dma_wait3A_601, %dma_wait3A_602] : memref<832x128xf32, #tpu.memory_space<vmem>> -> memref<104x128xf32, #tpu.memory_space<vmem>>
          %dma_wait3A_604 = arith.constant 0 : i32
          %dma_wait3A_605 = tpu.memref_slice %arg9[%dma_wait3A_604] : memref<3328xi32, #tpu.memory_space<vmem>> -> memref<104xi32, #tpu.memory_space<vmem>>
          %dma_wait3A_606 = arith.constant 0 : i32
          %dma_wait3A_607 = arith.constant 0 : i32
          %dma_wait3A_608 = tpu.memref_slice %arg4[%dma_wait3A_606, %dma_wait3A_607] : memref<50048x128xf32, #tpu.memory_space<hbm>> -> memref<50048x128xf32, #tpu.memory_space<hbm>>
          %dma_wait3A_609 = tpu.memref_slice %arg14[%dma_wait3A_600] : memref<2x!tpu.dma_semaphore, #tpu.memory_space<semaphore_mem>> -> memref<1x!tpu.dma_semaphore, #tpu.memory_space<semaphore_mem>>
          %dma_wait3A_610 = tpu.memref_squeeze %dma_wait3A_609 : memref<1x!tpu.dma_semaphore, #tpu.memory_space<semaphore_mem>> -> memref<!tpu.dma_semaphore, #tpu.memory_space<semaphore_mem>>
          tpu.wait_indirect_dma semaphore(%dma_wait3A_610 : memref<!tpu.dma_semaphore, #tpu.memory_space<semaphore_mem>>) src(%dma_wait3A_608 : memref<50048x128xf32, #tpu.memory_space<hbm>>) dst(%dma_wait3A_603 : memref<104x128xf32, #tpu.memory_space<vmem>>)
          %dma_wait3A_611 = arith.constant 1 : i32
          %dma_wait3A_612 = arith.constant 728 : i32
          %dma_wait3A_613 = tpu.memref_slice %arg11[%dma_wait3A_612] : memref<832xf32, #tpu.memory_space<vmem>> -> memref<104xf32, #tpu.memory_space<vmem>>
          %dma_wait3A_614 = arith.constant 0 : i32
          %dma_wait3A_615 = tpu.memref_slice %arg8[%dma_wait3A_614] : memref<3328xi32, #tpu.memory_space<vmem>> -> memref<104xi32, #tpu.memory_space<vmem>>
          %dma_wait3A_616 = arith.constant 0 : i32
          %dma_wait3A_617 = tpu.memref_slice %arg5[%dma_wait3A_616] : memref<100000xf32, #tpu.memory_space<hbm>> -> memref<100000xf32, #tpu.memory_space<hbm>>
          %dma_wait3A_618 = tpu.memref_slice %arg14[%dma_wait3A_611] : memref<2x!tpu.dma_semaphore, #tpu.memory_space<semaphore_mem>> -> memref<1x!tpu.dma_semaphore, #tpu.memory_space<semaphore_mem>>
          %dma_wait3A_619 = tpu.memref_squeeze %dma_wait3A_618 : memref<1x!tpu.dma_semaphore, #tpu.memory_space<semaphore_mem>> -> memref<!tpu.dma_semaphore, #tpu.memory_space<semaphore_mem>>
          tpu.wait_indirect_dma semaphore(%dma_wait3A_619 : memref<!tpu.dma_semaphore, #tpu.memory_space<semaphore_mem>>) src(%dma_wait3A_617 : memref<100000xf32, #tpu.memory_space<hbm>>) dst(%dma_wait3A_613 : memref<104xf32, #tpu.memory_space<vmem>>)
        } else {
        }
        %eq3A_534 = arith.constant 0 : i32
        %eq3A_535 = arith.cmpi eq, %scan3A_271, %eq3A_534 : i32
        %lt3A = arith.constant 3 : i32
        %lt3A_536 = arith.cmpi slt, %scan3A_93, %lt3A : i32
        %and3A = arith.andi %eq3A_535, %lt3A_536 : i1
        %convert_element_type3A_537 = arith.extui %and3A : i1 to i32
        %cond3A_538 = arith.constant 0 : i32
        %cond3A_539 = arith.cmpi ne, %convert_element_type3A_537, %cond3A_538 : i32
        scf.if %cond3A_539 {
          %add3A_540 = arith.constant 2 : i32
          %add3A_541 = arith.addi %mul3A_95, %add3A_540 : i32
          %mul3A_542 = arith.constant 416 : i32
          %mul3A_543 = arith.muli %add3A_541, %mul3A_542 : i32
          %add3A_544 = arith.constant 0 : i32
          %add3A_545 = arith.addi %mul3A_543, %add3A_544 : i32
          %dma_start3A_546 = arith.constant 0 : i32
          %dma_start3A_547 = arith.constant 0 : i32
          %dma_start3A_548 = arith.constant 0 : i32
          %dma_start3A_549 = tpu.memref_slice %arg10[%dma_start3A_547, %dma_start3A_548] : memref<832x128xf32, #tpu.memory_space<vmem>> -> memref<104x128xf32, #tpu.memory_space<vmem>>
          %dma_start3A_550 = tpu.memref_slice %arg9[%add3A_545] : memref<3328xi32, #tpu.memory_space<vmem>> -> memref<104xi32, #tpu.memory_space<vmem>>
          %dma_start3A_551 = arith.constant 0 : i32
          %dma_start3A_552 = arith.constant 0 : i32
          %dma_start3A_553 = tpu.memref_slice %arg4[%dma_start3A_551, %dma_start3A_552] : memref<50048x128xf32, #tpu.memory_space<hbm>> -> memref<50048x128xf32, #tpu.memory_space<hbm>>
          %dma_start3A_554 = tpu.memref_slice %arg14[%dma_start3A_546] : memref<2x!tpu.dma_semaphore, #tpu.memory_space<semaphore_mem>> -> memref<1x!tpu.dma_semaphore, #tpu.memory_space<semaphore_mem>>
          %dma_start3A_555 = tpu.memref_squeeze %dma_start3A_554 : memref<1x!tpu.dma_semaphore, #tpu.memory_space<semaphore_mem>> -> memref<!tpu.dma_semaphore, #tpu.memory_space<semaphore_mem>>
          tpu.enqueue_indirect_dma source(%dma_start3A_553 : memref<50048x128xf32, #tpu.memory_space<hbm>>) target(%dma_start3A_549 : memref<104x128xf32, #tpu.memory_space<vmem>>) offsets(%dma_start3A_550 : memref<104xi32, #tpu.memory_space<vmem>>) semaphore(%dma_start3A_555 : memref<!tpu.dma_semaphore, #tpu.memory_space<semaphore_mem>>)
          %dma_start3A_556 = arith.constant 0 : i32
          %dma_start3A_557 = arith.constant 0 : i32
          %dma_start3A_558 = tpu.memref_slice %arg11[%dma_start3A_557] : memref<832xf32, #tpu.memory_space<vmem>> -> memref<104xf32, #tpu.memory_space<vmem>>
          %dma_start3A_559 = tpu.memref_slice %arg8[%add3A_545] : memref<3328xi32, #tpu.memory_space<vmem>> -> memref<104xi32, #tpu.memory_space<vmem>>
          %dma_start3A_560 = arith.constant 0 : i32
          %dma_start3A_561 = tpu.memref_slice %arg5[%dma_start3A_560] : memref<100000xf32, #tpu.memory_space<hbm>> -> memref<100000xf32, #tpu.memory_space<hbm>>
          %dma_start3A_562 = tpu.memref_slice %arg14[%dma_start3A_556] : memref<2x!tpu.dma_semaphore, #tpu.memory_space<semaphore_mem>> -> memref<1x!tpu.dma_semaphore, #tpu.memory_space<semaphore_mem>>
          %dma_start3A_563 = tpu.memref_squeeze %dma_start3A_562 : memref<1x!tpu.dma_semaphore, #tpu.memory_space<semaphore_mem>> -> memref<!tpu.dma_semaphore, #tpu.memory_space<semaphore_mem>>
          tpu.enqueue_indirect_dma source(%dma_start3A_561 : memref<100000xf32, #tpu.memory_space<hbm>>) target(%dma_start3A_558 : memref<104xf32, #tpu.memory_space<vmem>>) offsets(%dma_start3A_559 : memref<104xi32, #tpu.memory_space<vmem>>) semaphore(%dma_start3A_563 : memref<!tpu.dma_semaphore, #tpu.memory_space<semaphore_mem>>)
          %mul3A_564 = arith.constant 416 : i32
          %mul3A_565 = arith.muli %add3A_541, %mul3A_564 : i32
          %add3A_566 = arith.constant 104 : i32
          %add3A_567 = arith.addi %mul3A_565, %add3A_566 : i32
          %dma_start3A_568 = arith.constant 0 : i32
          %dma_start3A_569 = arith.constant 104 : i32
          %dma_start3A_570 = arith.constant 0 : i32
          %dma_start3A_571 = tpu.memref_slice %arg10[%dma_start3A_569, %dma_start3A_570] : memref<832x128xf32, #tpu.memory_space<vmem>> -> memref<104x128xf32, #tpu.memory_space<vmem>>
          %dma_start3A_572 = tpu.memref_slice %arg9[%add3A_567] : memref<3328xi32, #tpu.memory_space<vmem>> -> memref<104xi32, #tpu.memory_space<vmem>>
          %dma_start3A_573 = arith.constant 0 : i32
          %dma_start3A_574 = arith.constant 0 : i32
          %dma_start3A_575 = tpu.memref_slice %arg4[%dma_start3A_573, %dma_start3A_574] : memref<50048x128xf32, #tpu.memory_space<hbm>> -> memref<50048x128xf32, #tpu.memory_space<hbm>>
          %dma_start3A_576 = tpu.memref_slice %arg14[%dma_start3A_568] : memref<2x!tpu.dma_semaphore, #tpu.memory_space<semaphore_mem>> -> memref<1x!tpu.dma_semaphore, #tpu.memory_space<semaphore_mem>>
          %dma_start3A_577 = tpu.memref_squeeze %dma_start3A_576 : memref<1x!tpu.dma_semaphore, #tpu.memory_space<semaphore_mem>> -> memref<!tpu.dma_semaphore, #tpu.memory_space<semaphore_mem>>
          tpu.enqueue_indirect_dma source(%dma_start3A_575 : memref<50048x128xf32, #tpu.memory_space<hbm>>) target(%dma_start3A_571 : memref<104x128xf32, #tpu.memory_space<vmem>>) offsets(%dma_start3A_572 : memref<104xi32, #tpu.memory_space<vmem>>) semaphore(%dma_start3A_577 : memref<!tpu.dma_semaphore, #tpu.memory_space<semaphore_mem>>)
          %dma_start3A_578 = arith.constant 0 : i32
          %dma_start3A_579 = arith.constant 104 : i32
          %dma_start3A_580 = tpu.memref_slice %arg11[%dma_start3A_579] : memref<832xf32, #tpu.memory_space<vmem>> -> memref<104xf32, #tpu.memory_space<vmem>>
          %dma_start3A_581 = tpu.memref_slice %arg8[%add3A_567] : memref<3328xi32, #tpu.memory_space<vmem>> -> memref<104xi32, #tpu.memory_space<vmem>>
          %dma_start3A_582 = arith.constant 0 : i32
          %dma_start3A_583 = tpu.memref_slice %arg5[%dma_start3A_582] : memref<100000xf32, #tpu.memory_space<hbm>> -> memref<100000xf32, #tpu.memory_space<hbm>>
          %dma_start3A_584 = tpu.memref_slice %arg14[%dma_start3A_578] : memref<2x!tpu.dma_semaphore, #tpu.memory_space<semaphore_mem>> -> memref<1x!tpu.dma_semaphore, #tpu.memory_space<semaphore_mem>>
          %dma_start3A_585 = tpu.memref_squeeze %dma_start3A_584 : memref<1x!tpu.dma_semaphore, #tpu.memory_space<semaphore_mem>> -> memref<!tpu.dma_semaphore, #tpu.memory_space<semaphore_mem>>
          tpu.enqueue_indirect_dma source(%dma_start3A_583 : memref<100000xf32, #tpu.memory_space<hbm>>) target(%dma_start3A_580 : memref<104xf32, #tpu.memory_space<vmem>>) offsets(%dma_start3A_581 : memref<104xi32, #tpu.memory_space<vmem>>) semaphore(%dma_start3A_585 : memref<!tpu.dma_semaphore, #tpu.memory_space<semaphore_mem>>)
          %mul3A_586 = arith.constant 416 : i32
          %mul3A_587 = arith.muli %add3A_541, %mul3A_586 : i32
          %add3A_588 = arith.constant 208 : i32
          %add3A_589 = arith.addi %mul3A_587, %add3A_588 : i32
          %dma_start3A_590 = arith.constant 0 : i32
          %dma_start3A_591 = arith.constant 208 : i32
          %dma_start3A_592 = arith.constant 0 : i32
          %dma_start3A_593 = tpu.memref_slice %arg10[%dma_start3A_591, %dma_start3A_592] : memref<832x128xf32, #tpu.memory_space<vmem>> -> memref<104x128xf32, #tpu.memory_space<vmem>>
          %dma_start3A_594 = tpu.memref_slice %arg9[%add3A_589] : memref<3328xi32, #tpu.memory_space<vmem>> -> memref<104xi32, #tpu.memory_space<vmem>>
          %dma_start3A_595 = arith.constant 0 : i32
          %dma_start3A_596 = arith.constant 0 : i32
          %dma_start3A_597 = tpu.memref_slice %arg4[%dma_start3A_595, %dma_start3A_596] : memref<50048x128xf32, #tpu.memory_space<hbm>> -> memref<50048x128xf32, #tpu.memory_space<hbm>>
          %dma_start3A_598 = tpu.memref_slice %arg14[%dma_start3A_590] : memref<2x!tpu.dma_semaphore, #tpu.memory_space<semaphore_mem>> -> memref<1x!tpu.dma_semaphore, #tpu.memory_space<semaphore_mem>>
          %dma_start3A_599 = tpu.memref_squeeze %dma_start3A_598 : memref<1x!tpu.dma_semaphore, #tpu.memory_space<semaphore_mem>> -> memref<!tpu.dma_semaphore, #tpu.memory_space<semaphore_mem>>
          tpu.enqueue_indirect_dma source(%dma_start3A_597 : memref<50048x128xf32, #tpu.memory_space<hbm>>) target(%dma_start3A_593 : memref<104x128xf32, #tpu.memory_space<vmem>>) offsets(%dma_start3A_594 : memref<104xi32, #tpu.memory_space<vmem>>) semaphore(%dma_start3A_599 : memref<!tpu.dma_semaphore, #tpu.memory_space<semaphore_mem>>)
          %dma_start3A_600 = arith.constant 0 : i32
          %dma_start3A_601 = arith.constant 208 : i32
          %dma_start3A_602 = tpu.memref_slice %arg11[%dma_start3A_601] : memref<832xf32, #tpu.memory_space<vmem>> -> memref<104xf32, #tpu.memory_space<vmem>>
          %dma_start3A_603 = tpu.memref_slice %arg8[%add3A_589] : memref<3328xi32, #tpu.memory_space<vmem>> -> memref<104xi32, #tpu.memory_space<vmem>>
          %dma_start3A_604 = arith.constant 0 : i32
          %dma_start3A_605 = tpu.memref_slice %arg5[%dma_start3A_604] : memref<100000xf32, #tpu.memory_space<hbm>> -> memref<100000xf32, #tpu.memory_space<hbm>>
          %dma_start3A_606 = tpu.memref_slice %arg14[%dma_start3A_600] : memref<2x!tpu.dma_semaphore, #tpu.memory_space<semaphore_mem>> -> memref<1x!tpu.dma_semaphore, #tpu.memory_space<semaphore_mem>>
          %dma_start3A_607 = tpu.memref_squeeze %dma_start3A_606 : memref<1x!tpu.dma_semaphore, #tpu.memory_space<semaphore_mem>> -> memref<!tpu.dma_semaphore, #tpu.memory_space<semaphore_mem>>
          tpu.enqueue_indirect_dma source(%dma_start3A_605 : memref<100000xf32, #tpu.memory_space<hbm>>) target(%dma_start3A_602 : memref<104xf32, #tpu.memory_space<vmem>>) offsets(%dma_start3A_603 : memref<104xi32, #tpu.memory_space<vmem>>) semaphore(%dma_start3A_607 : memref<!tpu.dma_semaphore, #tpu.memory_space<semaphore_mem>>)
          %mul3A_608 = arith.constant 416 : i32
          %mul3A_609 = arith.muli %add3A_541, %mul3A_608 : i32
          %add3A_610 = arith.constant 312 : i32
          %add3A_611 = arith.addi %mul3A_609, %add3A_610 : i32
          %dma_start3A_612 = arith.constant 0 : i32
          %dma_start3A_613 = arith.constant 312 : i32
          %dma_start3A_614 = arith.constant 0 : i32
          %dma_start3A_615 = tpu.memref_slice %arg10[%dma_start3A_613, %dma_start3A_614] : memref<832x128xf32, #tpu.memory_space<vmem>> -> memref<104x128xf32, #tpu.memory_space<vmem>>
          %dma_start3A_616 = tpu.memref_slice %arg9[%add3A_611] : memref<3328xi32, #tpu.memory_space<vmem>> -> memref<104xi32, #tpu.memory_space<vmem>>
          %dma_start3A_617 = arith.constant 0 : i32
          %dma_start3A_618 = arith.constant 0 : i32
          %dma_start3A_619 = tpu.memref_slice %arg4[%dma_start3A_617, %dma_start3A_618] : memref<50048x128xf32, #tpu.memory_space<hbm>> -> memref<50048x128xf32, #tpu.memory_space<hbm>>
          %dma_start3A_620 = tpu.memref_slice %arg14[%dma_start3A_612] : memref<2x!tpu.dma_semaphore, #tpu.memory_space<semaphore_mem>> -> memref<1x!tpu.dma_semaphore, #tpu.memory_space<semaphore_mem>>
          %dma_start3A_621 = tpu.memref_squeeze %dma_start3A_620 : memref<1x!tpu.dma_semaphore, #tpu.memory_space<semaphore_mem>> -> memref<!tpu.dma_semaphore, #tpu.memory_space<semaphore_mem>>
          tpu.enqueue_indirect_dma source(%dma_start3A_619 : memref<50048x128xf32, #tpu.memory_space<hbm>>) target(%dma_start3A_615 : memref<104x128xf32, #tpu.memory_space<vmem>>) offsets(%dma_start3A_616 : memref<104xi32, #tpu.memory_space<vmem>>) semaphore(%dma_start3A_621 : memref<!tpu.dma_semaphore, #tpu.memory_space<semaphore_mem>>)
          %dma_start3A_622 = arith.constant 0 : i32
          %dma_start3A_623 = arith.constant 312 : i32
          %dma_start3A_624 = tpu.memref_slice %arg11[%dma_start3A_623] : memref<832xf32, #tpu.memory_space<vmem>> -> memref<104xf32, #tpu.memory_space<vmem>>
          %dma_start3A_625 = tpu.memref_slice %arg8[%add3A_611] : memref<3328xi32, #tpu.memory_space<vmem>> -> memref<104xi32, #tpu.memory_space<vmem>>
          %dma_start3A_626 = arith.constant 0 : i32
          %dma_start3A_627 = tpu.memref_slice %arg5[%dma_start3A_626] : memref<100000xf32, #tpu.memory_space<hbm>> -> memref<100000xf32, #tpu.memory_space<hbm>>
          %dma_start3A_628 = tpu.memref_slice %arg14[%dma_start3A_622] : memref<2x!tpu.dma_semaphore, #tpu.memory_space<semaphore_mem>> -> memref<1x!tpu.dma_semaphore, #tpu.memory_space<semaphore_mem>>
          %dma_start3A_629 = tpu.memref_squeeze %dma_start3A_628 : memref<1x!tpu.dma_semaphore, #tpu.memory_space<semaphore_mem>> -> memref<!tpu.dma_semaphore, #tpu.memory_space<semaphore_mem>>
          tpu.enqueue_indirect_dma source(%dma_start3A_627 : memref<100000xf32, #tpu.memory_space<hbm>>) target(%dma_start3A_624 : memref<104xf32, #tpu.memory_space<vmem>>) offsets(%dma_start3A_625 : memref<104xi32, #tpu.memory_space<vmem>>) semaphore(%dma_start3A_629 : memref<!tpu.dma_semaphore, #tpu.memory_space<semaphore_mem>>)
        } else {
        }
      }
      %scan3A_270 = arith.constant 2 : i32
    }
    %scan3A_92 = arith.constant 4 : i32
    return
  }
}

module attributes {stable_mosaic.version = 14 : i64} {
  func.func @_tr_body(%arg0: i32, %arg1: memref<64x2176xf32, #tpu.memory_space<vmem>>, %arg2: memref<64x2176xf32, #tpu.memory_space<vmem>>, %arg3: memref<2176x128xf32, #tpu.memory_space<vmem>>) attributes {dimension_semantics = [#tpu.dimension_semantics<arbitrary>], iteration_bounds = array<i64: 23>, scalar_prefetch = 0 : i64, scratch_operands = 0 : i64, tpu.core_type = #tpu.core_type<tc>, window_params = [{transform_indices = @transform_0, window_bounds = array<i64: 64, 2176>}, {transform_indices = @transform_1, window_bounds = array<i64: 64, 2176>}, {transform_indices = @transform_2, window_bounds = array<i64: 2176, 128>}]} {
    %iota3A = tpu.iota {dimensions = array<i32: 0>} : vector<64x64xi32>
    %iota3A_0 = tpu.iota {dimensions = array<i32: 1>} : vector<64x64xi32>
    %add3A = arith.constant 0 : i32
    %add3A_1 = vector.broadcast %add3A : i32 to vector<64x64xi32>
    %add3A_2 = arith.addi %iota3A, %add3A_1 : vector<64x64xi32>
    %eq3A = arith.cmpi eq, %add3A_2, %iota3A_0 : vector<64x64xi32>
    %convert_element_type3A = arith.extui %eq3A : vector<64x64xi1> to vector<64x64xi32>
    %convert_element_type3A_3 = arith.sitofp %convert_element_type3A : vector<64x64xi32> to vector<64x64xf32>
    %get3A = arith.constant 0 : index
    %get3A_4 = arith.constant 0 : index
    %get3A_5 = vector.load %arg1[%get3A, %get3A_4] : memref<64x2176xf32, #tpu.memory_space<vmem>>, vector<64x2176xf32>
    %dot_general3A = arith.constant dense<0.000000e+00> : vector<2176x64xf32>
    %dot_general3A_6 = tpu.matmul %get3A_5, %convert_element_type3A_3, %dot_general3A {dimension_numbers = #tpu.dot_dimension_numbers<[0], [0], [1], [1], [0, 1, 1, 1], [], []>, transpose_lhs_hint = false} : vector<64x2176xf32>, vector<64x64xf32>, vector<2176x64xf32> -> vector<2176x64xf32>
    %swap3A = arith.constant 0 : index
    %swap3A_7 = arith.constant 0 : index
    %swap3A_8 = vector.load %arg3[%swap3A, %swap3A_7] : memref<2176x128xf32, #tpu.memory_space<vmem>>, vector<2176x64xf32>
    tpu.vector_store %arg3[%swap3A, %swap3A_7], %dot_general3A_6 {strides = array<i32>} : memref<2176x128xf32, #tpu.memory_space<vmem>>, vector<2176x64xf32>,
    %get3A_9 = arith.constant 0 : index
    %get3A_10 = arith.constant 0 : index
    %get3A_11 = vector.load %arg2[%get3A_9, %get3A_10] : memref<64x2176xf32, #tpu.memory_space<vmem>>, vector<64x2176xf32>
    %dot_general3A_12 = arith.constant dense<0.000000e+00> : vector<2176x64xf32>
    %dot_general3A_13 = tpu.matmul %get3A_11, %convert_element_type3A_3, %dot_general3A_12 {dimension_numbers = #tpu.dot_dimension_numbers<[0], [0], [1], [1], [0, 1, 1, 1], [], []>, transpose_lhs_hint = false} : vector<64x2176xf32>, vector<64x64xf32>, vector<2176x64xf32> -> vector<2176x64xf32>
    %swap3A_14 = arith.constant 0 : index
    %swap3A_15 = arith.constant 64 : index
    %swap3A_16 = vector.load %arg3[%swap3A_14, %swap3A_15] : memref<2176x128xf32, #tpu.memory_space<vmem>>, vector<2176x64xf32>
    tpu.vector_store %arg3[%swap3A_14, %swap3A_15], %dot_general3A_13 {strides = array<i32>} : memref<2176x128xf32, #tpu.memory_space<vmem>>, vector<2176x64xf32>,
    return
  }
  func.func @transform_0(%arg0: i32) -> (i32, i32) {
    %c0_i32 = arith.constant 0 : i32
    %c0_i32_0 = arith.constant 0 : i32
    return %c0_i32, %arg0 : i32, i32
  }
  func.func @transform_1(%arg0: i32) -> (i32, i32) {
    %add3A = arith.constant 23 : i32
    %add3A_0 = arith.addi %arg0, %add3A : i32
    %c0_i32 = arith.constant 0 : i32
    %c0_i32_1 = arith.constant 0 : i32
    return %c0_i32, %add3A_0 : i32, i32
  }
  func.func @transform_2(%arg0: i32) -> (i32, i32) {
    %c0_i32 = arith.constant 0 : i32
    %c0_i32_0 = arith.constant 0 : i32
    return %arg0, %c0_i32 : i32, i32
  }
}

</mosaic_0001>

<sc_bundles>
// kernel: kernel.4.cloned.1.call-start
scs
__scs_entry_jumppad:
0x0: {  	(pc) =	sbr.rel $0x88, $3  }
0x1: {  	(tag) =	ssettag $0x0;
	lr =	simm.s32 $0x1  }
0x2: {  	[smem:$0x3F9D] =	sst lr;
	_ =	strace $0xD0000000  }
0x3: {  	_ = 	snop  }
0x4: {  	_ = 	snop  }
0x5: {  	_ = 	snop  }
0x6: {  	_ = 	snop  }
0x7: {  	_ = 	snop  }
__scs_overlays_trampoline_lowered:
0x8: {  	[smem:$0x3FAC] =	sst s0  }
0x9: {  	[smem:$0x3FAD] =	sst s1  }
0xa: {  	[smem:$0x3FAE] =	sst s2  }
0xb: {  	[smem:$0x3FAF] =	sst s3  }
0xc: {  	[smem:$0x3FB0] =	sst s4  }
0xd: {  	[smem:$0x3FB1] =	sst s5  }
0xe: {  	[smem:$0x3FB2] =	sst s6  }
0xf: {  	[smem:$0x3FB3] =	sst s7  }
0x10: {  	[smem:$0x3FB4] =	sst s8  }
0x11: {  	[smem:$0x3FB5] =	sst s9;
	s0 =	simm.s32 @!p0 $0x0  }
0x12: {  	s1 =	sld [smem:$0x3F9B];
	s0 =	simm.s32 @p0 $0x1  }
0x13: {  	[smem:$0x3FB6] =	sst s0;
	s0 =	simm.s32 @!p1 $0x0  }
0x14: {  	s2 =	sld [smem:$0x3F9A];
	s0 =	simm.s32 @p1 $0x1  }
0x15: {  	[smem:$0x3FB7] =	sst s0;
	s0 =	simm.s32 @!p2 $0x0  }
0x16: {  	s3 =	sld [smem:$0x3FDB];
	s0 =	simm.s32 @p2 $0x1  }
0x17: {  	s4 =	simm.s32 $0x1BF5;
	[smem:$0x3FB9] =	sst s0  }
0x18: {  	s0 =	sld [smem:$0x3F9C];
	_ =	swait.ge [sflag:s4], $0x0  }
0x19: {  	s7 =	sld [smem:$0x3F9D]  }
0x1a: {  	s8 =	sadd.s32 $0xFFFFE003, lr  }
0x1b: {  	s9 =	sadd.s32 $0xFFFFFEF7, lr;
	s5 =	simm.s32 $0xFFFFFFFF;
	p2 =	slt.u32 s8, $0xFFFFF086  }
0x1c: {  	p1 =	slt.u32 s9, $0xF7A;
	s5 =	simm.s32 @!p2 $0x0  }
0x1d: {  	s5 =	simm.s32 @p1 $0x1;
	p0 =	seq.s32 s7, s2  }
0x1e: {  	s7 =	smul.u32 @!p0 $0xF7A, s2;
	p2 =	seq.s32 @!p0 s5, $0x0  }
0x1f: {  	s9 =	smul.u32 $0xF7A, s1;
	s8 =	simm.s32 @!p0 $0x1BF5;
	p2 =	por !p2, p0  }
0x20: {  	[sflag:s8] =	ssyncset.s32 @!p0 $0xFFFFF086;
	s6 =	sadd.s32 @!p0 s3, s7;
	s7 =	simm.s32 @!p0 $0x108  }
0x21: {  	s3 =	sadd.s32 s3, s9;
	s6 =	sadd.s32 @!p0 $0x88, s6;
	s7 =	simm.s32 @p2 $0x1082  }
0x22: {  	[simem:s7], [sflag:s8] =	dma.local @!p0 [hbm:s6], $0xF7A  }
0x23: {  	s9 =	sor.u32 $0xD0000000, s2;
	s6 =	simm.s32 $0x108;
	_ =	swait.ge @!p0 [sflag:s8], $0x0  }
0x24: {  	s3 =	sadd.s32 $0x88, s3;
	s6 =	simm.s32 @!p1 $0x1082;
	[sflag:s4] =	ssyncset.s32 $0xFFFFF086  }
0x25: {  	[simem:s6], [sflag:s4] =	dma.local [hbm:s3], $0xF7A  }
0x26: {  	[smem:$0x3F9D] =	sst s1;
	(tag) =	ssettag s2;
	_ =	strace s9  }
0x27: {  	s1 =	sld [smem:$0x3FAD]  }
0x28: {  	s2 =	sld [smem:$0x3FAE]  }
0x29: {  	s4 =	sld [smem:$0x3FB0]  }
0x2a: {  	p0 =	seq.s32 s5, $0x0;
	s5 =	sld [smem:$0x3FB1]  }
0x2b: {  	s6 =	sld [smem:$0x3FB2]  }
0x2c: {  	s7 =	sld [smem:$0x3FB3]  }
0x2d: {  	s3 =	simm.s32 $0x108;
	s8 =	sld [smem:$0x3FB4]  }
0x2e: {  	s3 =	simm.s32 @!p0 $0x1082;
	s9 =	sld [smem:$0x3FB5]  }
0x2f: {  	lr =	sadd.s32 s0, s3;
	s0 =	sld [smem:$0x3FAC]  }
0x30: {  	s3 =	sld [smem:$0x3FAF]  }
0x31: {  	[smem:$0x3FB8] =	sst s10  }
0x32: {  	s10 =	sld [smem:$0x3FB6];
	_ =	sdelay $0x3  }
0x33: {  	p0 =	seq.s32 s10, $0x1;
	s10 =	sld [smem:$0x3FB8];
	_ =	sdelay $0x3  }
0x34: {  	[smem:$0x3FB8] =	sst s10  }
0x35: {  	s10 =	sld [smem:$0x3FB7];
	_ =	sdelay $0x3  }
0x36: {  	p1 =	seq.s32 s10, $0x1;
	s10 =	sld [smem:$0x3FB8];
	_ =	sdelay $0x3  }
0x37: {  	[smem:$0x3FB8] =	sst s10  }
0x38: {  	s10 =	sld [smem:$0x3FB9]  }
0x39: {  	_ = 	snop;
	(pc) =	sbr.ind lr, $3  }
0x3a: {  	_ = 	snop  }
0x3b: {  	_ = 	snop  }
0x3c: {  	p2 =	seq.s32 s10, $0x1;
	s10 =	sld [smem:$0x3FB8]  }
0x3d: {  	_ =	shalt  }
0x3e: {  	_ =	shalt  }
0x3f: {  	_ =	shalt  }
0x40: {  	_ =	shalt  }
0x41: {  	_ =	shalt  }
0x42: {  	_ =	shalt  }
0x43: {  	_ =	shalt  }
0x44: {  	_ =	shalt  }
0x45: {  	_ =	shalt  }
0x46: {  	_ =	shalt  }
0x47: {  	_ =	shalt  }
0x48: {  	_ =	shalt  }
0x49: {  	_ =	shalt  }
0x4a: {  	_ =	shalt  }
0x4b: {  	_ =	shalt  }
0x4c: {  	_ =	shalt  }
0x4d: {  	_ =	shalt  }
0x4e: {  	_ =	shalt  }
0x4f: {  	_ =	shalt  }
0x50: {  	_ =	shalt  }
0x51: {  	_ =	shalt  }
0x52: {  	_ =	shalt  }
0x53: {  	_ =	shalt  }
0x54: {  	_ =	shalt  }
0x55: {  	_ =	shalt  }
0x56: {  	_ =	shalt  }
0x57: {  	_ =	shalt  }
0x58: {  	_ =	shalt  }
0x59: {  	_ =	shalt  }
0x5a: {  	_ =	shalt  }
0x5b: {  	_ =	shalt  }
0x5c: {  	_ =	shalt  }
0x5d: {  	_ =	shalt  }
0x5e: {  	_ =	shalt  }
0x5f: {  	_ =	shalt  }
0x60: {  	_ =	shalt  }
0x61: {  	_ =	shalt  }
0x62: {  	_ =	shalt  }
0x63: {  	_ =	shalt  }
0x64: {  	_ =	shalt  }
0x65: {  	_ =	shalt  }
0x66: {  	_ =	shalt  }
0x67: {  	_ =	shalt  }
0x68: {  	_ =	shalt  }
0x69: {  	_ =	shalt  }
0x6a: {  	_ =	shalt  }
0x6b: {  	_ =	shalt  }
0x6c: {  	_ =	shalt  }
0x6d: {  	_ =	shalt  }
0x6e: {  	_ =	shalt  }
0x6f: {  	_ =	shalt  }
0x70: {  	_ =	shalt  }
0x71: {  	_ =	shalt  }
0x72: {  	_ =	shalt  }
0x73: {  	_ =	shalt  }
0x74: {  	_ =	shalt  }
0x75: {  	_ =	shalt  }
0x76: {  	_ =	shalt  }
0x77: {  	_ =	shalt  }
0x78: {  	_ =	shalt  }
0x79: {  	_ =	shalt  }
0x7a: {  	_ =	shalt  }
0x7b: {  	_ =	shalt  }
0x7c: {  	_ =	shalt  }
0x7d: {  	_ =	shalt  }
0x7e: {  	_ =	shalt  }
0x7f: {  	_ =	shalt  }
0x80: {  	_ =	shalt  }
0x81: {  	_ =	shalt  }
0x82: {  	_ =	shalt  }
0x83: {  	_ =	shalt  }
0x84: {  	_ =	shalt  }
0x85: {  	_ =	shalt  }
0x86: {  	_ =	shalt  }
0x87: {  	_ =	shalt  }
.Lfunc_end0:
.L_simem_size_0:
called_computation_lowered:
.L_overlay_start_0:
0x88: {  	s2 =	sld [smem:$0x3FD9]  }
0x89: {  	s3 =	sld [smem:$0x3FFE];
	_ =	sdelay $0x1  }
0x8a: {  	s1 =	srdreg.scid  }
0x8b: {  	s0 =	sand.u32 $0x1, s1  }
0x8c: {  	s17 =	sshll.u32 s0, $0xA;
	s2 =	sadd.s32 s3, s2  }
0x8d: {  	s2 =	sadd.s32 s2, s17  }
0x8e: {  	[smem:$0x3FC4] =	sst s2  }
0x8f: {  	_ = 	snop  }
0x90: {  	s2 =	sld [smem:$0x3FC7]  }
0x91: {  	s18 =	sld [smem:$0x3FD0];
	(tm) =	ssettm $0x1  }
0x92: {  	s4 =	sld [smem:$0x3FFB];
	_ =	sdelay $0x3  }
0x93: {  	_ =	strace s4  }
0x94: {  	s4 =	sld [smem:$0x3FFC];
	_ =	sdelay $0x3  }
0x95: {  	_ =	strace s4  }
0x96: {  	s4 =	sld [smem:$0x3FFD];
	_ =	sdelay $0x3  }
0x97: {  	_ =	strace s4  }
0x98: {  	_ =	strace $0x8FFFFFFF  }
0x99: {  	s19 =	sld [smem:$0x3FDB];
	_ =	sdelay $0x1  }
0x9a: {  	s5 =	simm.s32 $_scs_section_size  }
0x9b: {  	s6 =	simm.s32 $_size__tile_overlayer_lowered;
	s7 =	simm.s32 $_tile_overlayer_lowered  }
0x9c: {  	s22 =	simm.s32 $0x1BFF;
	s21 =	sshll.u32 s7, $0x1;
	s4 =	sadd.s32 s5, s19  }
0x9d: {  	s8 =	simm.s32 $0x0;
	s20 =	sshll.u32 s6, $0x1;
	s6 =	sadd.s32 s21, s4  }
0x9e: {  	[timem:s8], [sflag:s22] =	dma.local [hbm:s6], s20  }
0x9f: {  	_ =	swait.ge [sflag:s22], s20  }
0xa0: {  	s5 =	ssub.s32 $0x0, s20;
	[sflag:s22] =	ssyncset.done $0x0  }
0xa1: {  	[sflag:s22] =	ssyncadd.s32 s5;
	_ =	sdelay $0x1  }
0xa2: {  	s23 =	simm.s32 $0x1B8B  }
0xa3: {  	_ =	swait.ge [sflag:s23], $0x1  }
0xa4: {  	[sflag:s23] =	ssyncset.done $0x0  }
0xa5: {  	s25 =	simm.s32 $0x1B8E;
	s24 =	sld [smem:$0x3FFE];
	[sflag:s23] =	ssyncadd.s32 $0xFFFFFFFF  }
0xa6: {  	s26 =	simm.s32 $execute0_lowered;
	[smem:$0x3FD2] =	sst s25  }
0xa7: {  	s6 =	sshll.u32 s26, $0x1;
	_ =	strace $0x80000046;
	[dreg:$0x1] =	wrdreg $0xFFFFFFFF  }
0xa8: {  	s28 =	simm.s32 $_size_execute0_lowered;
	s4 =	sadd.s32 s4, s6;
	[dreg:$0x0] =	wrdreg $0x0  }
0xa9: {  	s6 =	sshll.u32 s28, $0x1;
	[dreg:$0x2] =	wrdreg s4  }
0xaa: {  	[dreg:$0x3] =	wrdreg s6  }
0xab: {  	[dreg:$0x4] =	wrdreg $0xC0  }
0xac: {  	_ =	task [dreg:s8], $0x5FFFF  }
0xad: {  	[dreg:$0x1] =	wrdreg $0xFFFFFFFF  }
0xae: {  	[dreg:$0x0] =	wrdreg $0x60  }
0xaf: {  	[dreg:$0x2] =	wrdreg s24  }
0xb0: {  	[dreg:$0x3] =	wrdreg s2  }
0xb1: {  	[dreg:$0x4] =	wrdreg s18  }
0xb2: {  	[dreg:$0x5] =	wrdreg $0x9  }
0xb3: {  	_ =	task.clear_ibuf [dreg:s8], $0x6FFFF;
	_ =	strace $0x90000046  }
0xb4: {  	s29 =	simm.s32 $0x9;
	_ =	strace $0x80000048  }
0xb5: {  	_ =	swait.ge [sflag:s29], $0x1  }
0xb6: {  	[sflag:s29] =	ssyncadd.s32 $0xFFFFFFFF  }
0xb7: {  	_ =	strace $0x90000048  }
0xb8: {  	_ =	sfence  }
0xb9: {  	s30 =	sld [smem:$0x0];
	_ =	sdelay $0x2  }
0xba: {  	s31 =	sshll.u32 s1, $0xD;
	s1 =	sshrl.u32 s1, $0x2  }
0xbb: {  	s3 =	sand.u32 $0x4000, s31;
	s1 =	sadd.s32 s1, s30  }
0xbc: {  	s0 =	sor.u32 s3, s0;
	s1 =	sshll.u32 s1, $0x11  }
0xbd: {  	s0 =	sor.u32 s1, s0  }
0xbe: {  	s0 =	sadd.s32 $0x8F2B, s0  }
0xbf: {  	[sflag:s0] =	ssyncadd.remote.s32 $0x1  }
0xc0: {  	_ =	sfence.sel $0xFFFF  }
0xc1: {  	[dreg:$0x0] =	wrdreg $0xFFFFFFFF;
	(pc) =	sbr.abs _section_cstart, $3  }
0xc2: {  	[dreg:$0x1] =	wrdreg $0xFFFFFFFF  }
0xc3: {  	_ =	task.clear_ibuf [dreg:s8], $0x2FFFF;
	_ =	strace $0x9FFFFFFF  }
0xc4: {  	(tm) =	ssettm $0x7FFFFFFF  }
0xc5: {  	_ =	shalt  }
tec
execute0_lowered:
.L_overlay_start_1:
0x0: {  	(tag) =	ssettag $0x1  }
0x1: {  	s0 =	rddreg [dreg:$0x0];
	s3 =	stileid.u32;
	v0 =	vlaneseq.u32  }
0x2: {  	s2 =	rddreg [dreg:$0x1];
	s4 =	sshll.u32 s3, $0x1;
	s3 =	simm.s32 $0x0;
	v1 =	vmul.u32 $0x1A, v0  }
0x3: {  	[smem:$0x7FF] =	sst s3  }
0x4: {  	s5 =	rddreg [dreg:$0x2];
	_ =	strace $0x80000047;
	v3 =	vor.u32 $0x1, v1;
	[tilespmem:$0x1FFE0] =	vst v1  }
0x5: {  	[tilespmem:$0x1FE60] =	vst v3;
	v3 =	vadd.s32 $0x2, v1  }
0x6: {  	[tilespmem:$0x1FE70] =	vst v3;
	v3 =	vadd.s32 $0x3, v1  }
0x7: {  	[tilespmem:$0x1FE80] =	vst v3;
	v3 =	vadd.s32 $0x4, v1  }
0x8: {  	[tilespmem:$0x1FE90] =	vst v3;
	v3 =	vadd.s32 $0x5, v1  }
0x9: {  	[tilespmem:$0x1FEA0] =	vst v3;
	v3 =	vadd.s32 $0x6, v1  }
0xa: {  	[tilespmem:$0x1FEB0] =	vst v3;
	v3 =	vadd.s32 $0x7, v1  }
0xb: {  	[tilespmem:$0x1FEC0] =	vst v3;
	v3 =	vadd.s32 $0x8, v1  }
0xc: {  	[tilespmem:$0x1FED0] =	vst v3;
	v3 =	vadd.s32 $0x9, v1  }
0xd: {  	[tilespmem:$0x1FEE0] =	vst v3;
	v3 =	vadd.s32 $0xA, v1  }
0xe: {  	[tilespmem:$0x1FEF0] =	vst v3;
	v3 =	vadd.s32 $0xB, v1  }
0xf: {  	[tilespmem:$0x1FF00] =	vst v3;
	v3 =	vadd.s32 $0xC, v1  }
0x10: {  	[tilespmem:$0x1FF10] =	vst v3;
	v3 =	vadd.s32 $0xD, v1  }
0x11: {  	[tilespmem:$0x1FF20] =	vst v3;
	v3 =	vadd.s32 $0xE, v1  }
0x12: {  	s1 =	srdreg.scid;
	s11 =	simm.s32 $0x3;
	[tilespmem:$0x1FF30] =	vst v3;
	v3 =	vadd.s32 $0xF, v1  }
0x13: {  	s13 =	simm.s32 $0x68;
	s14 =	simm.s32 $0x1A00;
	s15 =	simm.s32 $0x1BA00;
	[tilespmem:$0x1FF40] =	vst v3;
	v3 =	vadd.s32 $0x10, v1  }
0x14: {  	s28 =	simm.s32 $0x1;
	s31 =	simm.s32 $0x11E00;
	s1 =	sand.u32 $0x1, s1;
	[tilespmem:$0x1FF50] =	vst v3;
	v3 =	vadd.s32 $0x11, v1  }
0x15: {  	s10 =	simm.s32 $0x1BC70;
	s16 =	simm.s32 $0x18600;
	s6 =	sor.u32 s1, s4;
	[tilespmem:$0x1FF60] =	vst v3;
	v3 =	vadd.s32 $0x12, v1  }
0x16: {  	s17 =	simm.s32 $0x1BCD8;
	s18 =	simm.s32 $0x1BD80;
	s4 =	smul.u32 $0x1A0, s6;
	[tilespmem:$0x1FF70] =	vst v3;
	v3 =	vadd.s32 $0x13, v1  }
0x17: {  	s19 =	simm.s32 $0x2;
	s9 =	simm.s32 $0x0;
	s1 =	ssub.s32 $0x2, s1;
	[tilespmem:$0x1FF80] =	vst v3;
	v3 =	vadd.s32 $0x14, v1  }
0x18: {  	s8 =	sshrl.u32 s1, $0x1;
	s26 =	sshll.u32 s6, $0x4;
	s7 =	sadd.s32 s4, s0;
	[tilespmem:$0x1FF90] =	vst v3;
	v3 =	vadd.s32 $0x15, v1  }
.Ltmp0:
0x19: {  	s4 =	sadd.s32 $0x6E00, s0;
	s0 =	sadd.s32 $0xCA600, s0;
	[tilespmem:$0x1FFA0] =	vst v3;
	v3 =	vadd.s32 $0x16, v1;
	(pc) =	sbr.rel .LBB2_1-.Ltmp0, $4  }
0x1a: {  	s6 =	simm.s32 $0x0;
	[dreg:$0x4] =	wrdreg s0;
	s29 =	sadd.s32 $0x600, s7;
	[tilespmem:$0x1FFB0] =	vst v3;
	v3 =	vadd.s32 $0x17, v1  }
0x1b: {  	s25 =	ssub.s32 s1, s8;
	s30 =	sadd.s32 $0x3A00, s7;
	[dreg:$0x5] =	wrdreg s29;
	[tilespmem:$0x1FFC0] =	vst v3;
	v3 =	vadd.s32 $0x18, v1  }
0x1c: {  	s8 =	sadd.s32 s5, s26;
	s0 =	smax.u32 s25, $0x1;
	[dreg:$0x6] =	wrdreg s30;
	v1 =	vadd.s32 $0x19, v1;
	[tilespmem:$0x1FFD0] =	vst v3  }
0x1d: {  	v2 =	vimm.s32 $0x0;
	s1 =	simm.s32 $0x1BC08;
	[dreg:$0x7] =	wrdreg s0;
	s0 =	simm.s32 $0x15200;
	[tilespmem:$0x1FFF0] =	vst v1  }
.LBB2_8:
0x1e: {  	s6 =	rddreg [dreg:$0x8]  }
0x1f: {  	s5 =	rddreg [dreg:$0x7];
	s6 =	sadd.s32 $0x1, s6  }
0x20: {  	p0 =	sne.s32 s6, s5  }
.Ltmp1:
0x21: {  	_ = 	snop;
	(pc) =	sbr.rel @!p0 .LBB2_9-.Ltmp1, $1  }
0x22: {  	_ =	sdelay $0x3  }
.LBB2_1:
0x23: {  	[dreg:$0x8] =	wrdreg s6  }
0x24: {  	s5 =	rddreg [dreg:$0x4];
	s25 =	simm.s32 $0x1BE00  }
0x25: {  	[tilespmem:s25], [sflag:$0x3] =	stream.linear.gather [hbm4b:s5+s3], $0x80, $0x38;
	[tilespmem:$0x1BE80] =	vst v63  }
0x26: {  	_ =	swait.ge [sflag:s11], $0x80  }
0x27: {  	[sflag:s11] =	ssyncset.done $0x0  }
0x28: {  	s26 =	rddreg [dreg:$0x5];
	[sflag:s11] =	ssyncadd.s32 $0xFFFFFF80  }
0x29: {  	[tilespmem:s3], [sflag:$0x3] =	stream.linear.gather [hbm4b:s26+s3], $0xD00, $0x38;
	[tilespmem:$0x1BE80] =	vst v63  }
0x2a: {  	_ =	swait.ge [sflag:s11], $0xD00  }
0x2b: {  	[sflag:s11] =	ssyncset.done $0x0  }
0x2c: {  	s30 =	simm.s32 $0xD00;
	s29 =	rddreg [dreg:$0x6];
	[sflag:s11] =	ssyncadd.s32 $0xFFFFF300  }
0x2d: {  	[tilespmem:s30], [sflag:$0x3] =	stream.linear.gather [hbm4b:s29+s3], $0xD00, $0x38;
	[tilespmem:$0x1BE80] =	vst v63  }
0x2e: {  	_ =	swait.ge [sflag:s11], $0xD00  }
0x2f: {  	[sflag:s11] =	ssyncset.done $0x0  }
0x30: {  	[sflag:s11] =	ssyncadd.s32 $0xFFFFF300  }
0x31: {  	[tilespmem:s14], [sflag:$0x1] =	stream.indirect.gather [hbm4b:s4+s13], $0x80, s30, s13, $0xb8;
	[tilespmem:$0x1BE80] =	vst v63  }
0x32: {  	_ = 	snop  }
0x33: {  	[tilespmem:s15], [sflag:$0x1] =	stream.indirect.gather [hbm4b:s2+s13], $0x1, s3, s13, $0xb8;
	[tilespmem:$0x1BE80] =	vst v63  }
0x34: {  	s7 =	simm.s32 $0xD68;
	s12 =	simm.s32 $0x4E00  }
0x35: {  	[tilespmem:s12], [sflag:$0x1] =	stream.indirect.gather [hbm4b:s4+s13], $0x80, s7, s13, $0xb8;
	[tilespmem:$0x1BE80] =	vst v63  }
0x36: {  	s20 =	simm.s32 $0x1BA68  }
0x37: {  	[tilespmem:s20], [sflag:$0x1] =	stream.indirect.gather [hbm4b:s2+s13], $0x1, s13, s13, $0xb8;
	[tilespmem:$0x1BE80] =	vst v63  }
0x38: {  	s21 =	simm.s32 $0xDD0;
	s22 =	simm.s32 $0x8200  }
0x39: {  	[tilespmem:s22], [sflag:$0x1] =	stream.indirect.gather [hbm4b:s4+s13], $0x80, s21, s13, $0xb8;
	[tilespmem:$0x1BE80] =	vst v63  }
0x3a: {  	s23 =	simm.s32 $0xD0;
	s24 =	simm.s32 $0x1BAD0  }
0x3b: {  	[tilespmem:s24], [sflag:$0x1] =	stream.indirect.gather [hbm4b:s2+s13], $0x1, s23, s13, $0xb8;
	[tilespmem:$0x1BE80] =	vst v63  }
.Ltmp2:
0x3c: {  	_ = 	snop;
	(pc) =	sbr.rel .LBB2_2-.Ltmp2, $4  }
0x3d: {  	s25 =	simm.s32 $0xE38;
	s26 =	simm.s32 $0xB600  }
0x3e: {  	[tilespmem:s26], [sflag:$0x1] =	stream.indirect.gather [hbm4b:s4+s13], $0x80, s25, s13, $0xb8;
	[tilespmem:$0x1BE80] =	vst v63  }
0x3f: {  	s29 =	simm.s32 $0x138;
	s30 =	simm.s32 $0x1BB38;
	s21 =	simm.s32 $0x0  }
0x40: {  	[tilespmem:s30], [sflag:$0x1] =	stream.indirect.gather [hbm4b:s2+s13], $0x1, s29, s13, $0xb8;
	[tilespmem:$0x1BE80] =	vst v63  }
.LBB2_7:
0x41: {  	s21 =	sadd.s32 $0x1, s21  }
0x42: {  	p0 =	sne.s32 s21, $0x4  }
.Ltmp3:
0x43: {  	_ = 	snop;
	(pc) =	sbr.rel @!p0 .LBB2_8-.Ltmp3, $1  }
0x44: {  	_ =	sdelay $0x3  }
.LBB2_2:
0x45: {  	_ =	swait.ge [sflag:s28], $0x3400  }
0x46: {  	[sflag:s28] =	ssyncset.done $0x0  }
0x47: {  	[sflag:s28] =	ssyncadd.s32 $0xFFFFCC00  }
0x48: {  	_ =	swait.ge [sflag:s28], $0x68  }
0x49: {  	[sflag:s28] =	ssyncset.done $0x0  }
0x4a: {  	[sflag:s28] =	ssyncadd.s32 $0xFFFFFF98  }
0x4b: {  	_ =	swait.ge [sflag:s28], $0x3400  }
0x4c: {  	[sflag:s28] =	ssyncset.done $0x0  }
0x4d: {  	[sflag:s28] =	ssyncadd.s32 $0xFFFFCC00  }
0x4e: {  	_ =	swait.ge [sflag:s28], $0x68  }
0x4f: {  	[sflag:s28] =	ssyncset.done $0x0  }
0x50: {  	[sflag:s28] =	ssyncadd.s32 $0xFFFFFF98  }
0x51: {  	_ =	swait.ge [sflag:s28], $0x3400  }
0x52: {  	[sflag:s28] =	ssyncset.done $0x0  }
0x53: {  	[sflag:s28] =	ssyncadd.s32 $0xFFFFCC00  }
0x54: {  	_ =	swait.ge [sflag:s28], $0x68  }
0x55: {  	[sflag:s28] =	ssyncset.done $0x0  }
0x56: {  	[sflag:s28] =	ssyncadd.s32 $0xFFFFFF98  }
0x57: {  	_ =	swait.ge [sflag:s28], $0x3400  }
0x58: {  	[sflag:s28] =	ssyncset.done $0x0  }
0x59: {  	[sflag:s28] =	ssyncadd.s32 $0xFFFFCC00  }
0x5a: {  	s7 =	smul.u32 $0x340, s21;
	_ =	swait.ge [sflag:s28], $0x68  }
0x5b: {  	[sflag:s28] =	ssyncset.done $0x0  }
0x5c: {  	s6 =	simm.s32 $0xEA00;
	s5 =	sadd.s32 $0xEA0, s7;
	[sflag:s28] =	ssyncadd.s32 $0xFFFFFF98  }
0x5d: {  	[tilespmem:s6], [sflag:$0x2] =	stream.indirect.gather [hbm4b:s4+s13], $0x80, s5, s13, $0xb8;
	[tilespmem:$0x1BE80] =	vst v63  }
0x5e: {  	s20 =	simm.s32 $0x1BBA0;
	s12 =	sadd.s32 $0x1A0, s7  }
0x5f: {  	[tilespmem:s20], [sflag:$0x2] =	stream.indirect.gather [hbm4b:s2+s13], $0x1, s12, s13, $0xb8;
	[tilespmem:$0x1BE80] =	vst v63  }
0x60: {  	p1 =	por $0x1, $0x1;
	p0 =	seq.s32 s21, $0x3;
	s22 =	sadd.s32 $0xF08, s7  }
0x61: {  	[tilespmem:s31], [sflag:$0x2] =	stream.indirect.gather [hbm4b:s4+s13], $0x80, s22, s13, $0xb8;
	[tilespmem:$0x1BE80] =	vst v63  }
0x62: {  	s29 =	simm.s32 $0x0;
	s23 =	sadd.s32 $0x208, s7;
	s24 =	sadd.s32 $0xF70, s7  }
0x63: {  	[tilespmem:s1], [sflag:$0x2] =	stream.indirect.gather [hbm4b:s2+s13], $0x1, s23, s13, $0xb8;
	[tilespmem:$0x1BE80] =	vst v63  }
0x64: {  	s25 =	sadd.s32 $0x270, s7;
	s26 =	sadd.s32 $0xFD8, s7;
	s30 =	sadd.s32 $0x2D8, s7  }
0x65: {  	[tilespmem:s0], [sflag:$0x2] =	stream.indirect.gather [hbm4b:s4+s13], $0x80, s24, s13, $0xb8;
	[tilespmem:$0x1BE80] =	vst v63  }
0x66: {  	s5 =	sadd.s32 $0x1110, s7;
	s6 =	sadd.s32 $0x478, s7;
	s12 =	sadd.s32 $0x410, s7  }
0x67: {  	[tilespmem:s10], [sflag:$0x2] =	stream.indirect.gather [hbm4b:s2+s13], $0x1, s25, s13, $0xb8;
	[tilespmem:$0x1BE80] =	vst v63  }
0x68: {  	s22 =	sshll.u32 s21, $0x1;
	s23 =	sadd.s32 $0x340, s7;
	s24 =	sadd.s32 $0x1040, s7  }
0x69: {  	[tilespmem:s16], [sflag:$0x2] =	stream.indirect.gather [hbm4b:s4+s13], $0x80, s26, s13, $0xb8;
	[tilespmem:$0x1BE80] =	vst v63  }
0x6a: {  	s25 =	sadd.s32 $0x3A8, s7;
	s26 =	sadd.s32 $0x10A8, s7;
	s7 =	sadd.s32 $0x1178, s7  }
0x6b: {  	[tilespmem:s17], [sflag:$0x2] =	stream.indirect.gather [hbm4b:s2+s13], $0x1, s30, s13, $0xb8;
	[tilespmem:$0x1BE80] =	vst v63  }
.LBB2_3:
0x6c: {  	v3 =	vld [tilespmem:$0x1FFE0];
	_ =	sdelay $0x1  }
0x6d: {  	s20 =	sor.u32 s22, s29  }
0x6e: {  	s30 =	smul.u32 $0x1A0, s20;
	_ =	sdelay $0x1  }
0x6f: {  	v1 =	vadd.s32 s30, v3;
	_ =	sdelay $0x3  }
0x70: {  	v5 =	vld [tilespmem:$0x1FE60]  }
0x71: {  	v1 =	vld.idx.msk [tilespmem:v1+s9+$0x0], $0xffff  }
0x72: {  	s29 =	smul.u32 $0x1A0, s29;
	_ =	sdelay $0x1  }
0x73: {  	v3 =	vadd.s32 s29, v3  }
0x74: {  	v4 =	vadd.s32 s30, v5;
	v5 =	vadd.s32 s29, v5;
	[tilespmem:$0x1FC00] =	vst v3  }
0x75: {  	[tilespmem:$0x1FC10] =	vst v5;
	v5 =	vshll.u32 v5, $0x7;
	vm0 =	vgt.s32 v1, $0xC37F  }
0x76: {  	v3 =	vshll.u32 v3, $0x7;
	[tilespmem:$0x1FC20] =	vst v5;
	v5 =	vld [tilespmem:$0x1FE80];
	v1 =	vsel vm0, $0x40, v2  }
0x77: {  	v30 =	vor.u32 v3, v1;
	v3 =	vld [tilespmem:$0x1FE70];
	_ =	sdelay $0x3  }
0x78: {  	v7 =	vadd.s32 s29, v5  }
0x79: {  	[tilespmem:$0x1FC50] =	vst v7;
	v39 =	vshll.u32 v7, $0x7;
	v7 =	vld [tilespmem:$0x1FEA0];
	v6 =	vadd.s32 s29, v3  }
0x7a: {  	v9 =	vld [tilespmem:$0x1FEB0];
	[tilespmem:$0x1FC30] =	vst v6;
	v6 =	vshll.u32 v6, $0x7  }
0x7b: {  	[tilespmem:$0x1FC40] =	vst v6;
	v6 =	vld [tilespmem:$0x1FE90];
	_ =	sdelay $0x2  }
0x7c: {  	v10 =	vadd.s32 s29, v7  }
0x7d: {  	[tilespmem:$0x1FC70] =	vst v10;
	v45 =	vshll.u32 v10, $0x7;
	v10 =	vadd.s32 s29, v9  }
0x7e: {  	v1 =	vadd.s32 s30, v3;
	v3 =	vadd.s32 s30, v5;
	v5 =	vadd.s32 s30, v6  }
0x7f: {  	v8 =	vadd.s32 s29, v6;
	v6 =	vadd.s32 s30, v7;
	v7 =	vadd.s32 s30, v9;
	v9 =	vld [tilespmem:$0x1FEC0];
	_ =	sdelay $0x1  }
0x80: {  	[tilespmem:$0x1FC80] =	vst v10;
	v48 =	vshll.u32 v10, $0x7;
	v10 =	vld [tilespmem:$0x1FED0];
	_ =	sdelay $0x1  }
0x81: {  	[tilespmem:$0x1FC60] =	vst v8;
	v42 =	vshll.u32 v8, $0x7;
	v8 =	vld.idx.msk [tilespmem:v4+s3+$0x0], $0xffff  }
0x82: {  	v1 =	vld.idx.msk [tilespmem:v1+s3+$0x0], $0xffff;
	v11 =	vadd.s32 s29, v9  }
0x83: {  	[tilespmem:$0x1FC90] =	vst v11;
	v51 =	vshll.u32 v11, $0x7;
	v11 =	vld [tilespmem:$0x1FEE0]  }
0x84: {  	v12 =	vadd.s32 s29, v10;
	v3 =	vld.idx.msk [tilespmem:v3+s3+$0x0], $0xffff  }
0x85: {  	v32 =	vld [tilespmem:$0x1FFA0];
	v54 =	vshll.u32 v12, $0x7  }
0x86: {  	v4 =	vadd.s32 s30, v9;
	v13 =	vld.idx.msk [tilespmem:v5+s3+$0x0], $0xffff;
	vm0 =	vgt.s32 v8, $0xC37F;
	v8 =	vimm.s32 $0x0  }
0x87: {  	v34 =	vld [tilespmem:$0x1FFB0];
	v9 =	vadd.s32 s30, v10;
	v8 =	vsel vm0, $0xFFFFFFFF, v8;
	vm0 =	vgt.s32 v1, $0xC37F  }
0x88: {  	[tilespmem:$0x1FCA0] =	vst v12;
	v1 =	vimm.s32 $0x0;
	v10 =	vadd.s32 s30, v11;
	v12 =	vadd.s32 s29, v11;
	v11 =	vld [tilespmem:$0x1FEF0]  }
0x89: {  	v6 =	vld.idx.msk [tilespmem:v6+s3+$0x0], $0xffff;
	[tilespmem:$0x1FD70] =	vst v8;
	v1 =	vsel vm0, $0xFFFFFFFF, v1;
	vm0 =	vgt.s32 v3, $0xC37F;
	v3 =	vimm.s32 $0x0  }
0x8a: {  	v14 =	vld.idx.msk [tilespmem:v7+s3+$0x0], $0xffff;
	[tilespmem:$0x1FD80] =	vst v1;
	v3 =	vsel vm0, $0xFFFFFFFF, v3  }
0x8b: {  	v1 =	vld [tilespmem:$0x1FFC0];
	[tilespmem:$0x1FD90] =	vst v3;
	vm0 =	vgt.s32 v13, $0xC37F;
	v3 =	vimm.s32 $0x0  }
0x8c: {  	v3 =	vsel vm0, $0xFFFFFFFF, v3;
	[tilespmem:$0x1FCB0] =	vst v12;
	v57 =	vshll.u32 v12, $0x7;
	v12 =	vld [tilespmem:$0x1FF00]  }
0x8d: {  	v8 =	vadd.s32 s30, v34;
	[tilespmem:$0x1FDA0] =	vst v3;
	v3 =	vld [tilespmem:$0x1FFD0];
	v15 =	vadd.s32 s29, v11  }
0x8e: {  	vm0 =	vgt.s32 v6, $0xC37F;
	v6 =	vimm.s32 $0x0;
	[tilespmem:$0x1FCC0] =	vst v15;
	v59 =	vshll.u32 v15, $0x7;
	v15 =	vld.idx.msk [tilespmem:v4+s3+$0x0], $0xffff  }
0x8f: {  	v6 =	vsel vm0, $0xFFFFFFFF, v6;
	v4 =	vld [tilespmem:$0x1FF20]  }
0x90: {  	[tilespmem:$0x1FDB0] =	vst v6;
	v6 =	vld [tilespmem:$0x1FFF0]  }
0x91: {  	v5 =	vadd.s32 s30, v11;
	v11 =	vadd.s32 s30, v12;
	v16 =	vadd.s32 s29, v12;
	v12 =	vld [tilespmem:$0x1FF10]  }
0x92: {  	v36 =	vld.idx.msk [tilespmem:v8+s3+$0x0], $0xffff  }
0x93: {  	v18 =	vld.idx.msk [tilespmem:v10+s3+$0x0], $0xffff  }
0x94: {  	[tilespmem:$0x1FCD0] =	vst v16;
	v60 =	vshll.u32 v16, $0x7;
	v16 =	vld.idx.msk [tilespmem:v9+s3+$0x0], $0xffff;
	v9 =	vadd.s32 s29, v4  }
0x95: {  	[tilespmem:$0x1FCF0] =	vst v9;
	v63 =	vshll.u32 v9, $0x7;
	v9 =	vld [tilespmem:$0x1FF40]  }
0x96: {  	v20 =	vld.idx.msk [tilespmem:v5+s3+$0x0], $0xffff;
	v7 =	vadd.s32 s30, v12;
	v17 =	vadd.s32 s29, v12;
	v12 =	vadd.s32 s30, v4  }
0x97: {  	v4 =	vld [tilespmem:$0x1FF30]  }
0x98: {  	v55 =	vadd.s32 s30, v3;
	v22 =	vld.idx.msk [tilespmem:v11+s3+$0x0], $0xffff  }
0x99: {  	v13 =	vimm.s32 $0x0;
	v11 =	vld [tilespmem:$0x1FF80]  }
0x9a: {  	vm0 =	vgt.s32 v14, $0xC37F;
	v19 =	vadd.s32 s30, v9;
	v5 =	vadd.s32 s29, v9;
	v9 =	vld [tilespmem:$0x1FF50]  }
0x9b: {  	v35 =	vadd.s32 s29, v32;
	v14 =	vimm.s32 $0x0;
	v13 =	vsel vm0, $0xFFFFFFFF, v13;
	v26 =	vld.idx.msk [tilespmem:v12+s3+$0x0], $0xffff  }
0x9c: {  	v8 =	vimm.s32 $0x0;
	v31 =	vadd.s32 s30, v1;
	v33 =	vadd.s32 s30, v6;
	v12 =	vld [tilespmem:$0x1FF90]  }
0x9d: {  	v1 =	vadd.s32 s29, v1;
	vm0 =	vgt.s32 v15, $0xC37F;
	v15 =	vimm.s32 $0x0;
	v58 =	vld.idx.msk [tilespmem:v55+s3+$0x0], $0xffff  }
0x9e: {  	[tilespmem:$0x1FDC0] =	vst v13;
	v62 =	vshll.u32 v17, $0x7;
	v14 =	vsel vm0, $0xFFFFFFFF, v14;
	vm0 =	vgt.s32 v16, $0xC37F;
	v24 =	vld.idx.msk [tilespmem:v7+s3+$0x0], $0xffff  }
0x9f: {  	[tilespmem:$0x1FCE0] =	vst v17;
	v17 =	vadd.s32 s30, v4;
	v21 =	vadd.s32 s30, v9;
	v10 =	vadd.s32 s29, v9;
	v9 =	vld [tilespmem:$0x1FF60]  }
0xa0: {  	v15 =	vsel vm0, $0xFFFFFFFF, v15;
	v27 =	vadd.s32 s30, v11;
	[tilespmem:$0x1FD20] =	vst v10;
	v7 =	vshll.u32 v10, $0x7;
	v10 =	vld [tilespmem:$0x1FF70]  }
0xa1: {  	v61 =	vld.idx.msk [tilespmem:v33+s3+$0x0], $0xffff;
	vm0 =	vgt.s32 v18, $0xC37F;
	[tilespmem:$0x1FDF0] =	vst v15;
	v15 =	vimm.s32 $0x0;
	v28 =	vadd.s32 s30, v12  }
0xa2: {  	v13 =	vshll.u32 v35, $0x7;
	[tilespmem:$0x1FE30] =	vst v1;
	v15 =	vsel vm0, $0xFFFFFFFF, v15;
	vm0 =	vgt.s32 v20, $0xC37F;
	v20 =	vld.idx.msk [tilespmem:v31+s3+$0x0], $0xffff  }
0xa3: {  	vm5 =	vgt.s32 v36, $0xC37F;
	[tilespmem:$0x1FDE0] =	vst v14;
	v14 =	vadd.s32 s29, v34;
	v29 =	vld.idx.msk [tilespmem:v19+s3+$0x0], $0xffff;
	v19 =	vadd.s32 s30, v32  }
0xa4: {  	v16 =	vimm.f32 $0.0e+00;
	[tilespmem:$0x1FE10] =	vst v14;
	v14 =	vshll.u32 v14, $0x7;
	v17 =	vld.idx.msk [tilespmem:v17+s3+$0x0], $0xffff;
	v23 =	vadd.s32 s30, v9  }
0xa5: {  	v4 =	vadd.s32 s29, v4;
	v11 =	vadd.s32 s29, v11;
	[tilespmem:$0x1FE00] =	vst v15;
	v27 =	vld.idx.msk [tilespmem:v27+s3+$0x0], $0xffff;
	v25 =	vadd.s32 s30, v10  }
0xa6: {  	v8 =	vsel vm0, $0xFFFFFFFF, v8;
	v15 =	vshll.u32 v1, $0x7;
	vm10 =	vgt.s32 v22, $0xC37F;
	[tilespmem:$0x1FD00] =	vst v4;
	v28 =	vld.idx.msk [tilespmem:v28+s3+$0x0], $0xffff  }
0xa7: {  	v1 =	vadd.s32 s29, v3;
	vm7 =	vgt.s32 v58, $0xC37F;
	v4 =	vshll.u32 v4, $0x7;
	[tilespmem:$0x1FD50] =	vst v11;
	v21 =	vld.idx.msk [tilespmem:v21+s3+$0x0], $0xffff  }
0xa8: {  	v11 =	vshll.u32 v11, $0x7;
	[tilespmem:$0x1FE40] =	vst v1;
	v18 =	vshll.u32 v1, $0x7;
	v1 =	vadd.s32 s29, v6;
	v56 =	vld.idx.msk [tilespmem:v19+s3+$0x0], $0xffff  }
0xa9: {  	vm8 =	vgt.s32 v61, $0xC37F;
	[tilespmem:$0x1FD10] =	vst v5;
	v5 =	vshll.u32 v5, $0x7;
	vm6 =	vgt.s32 v20, $0xC37F;
	v23 =	vld.idx.msk [tilespmem:v23+s3+$0x0], $0xffff  }
0xaa: {  	[tilespmem:$0x1FDD0] =	vst v35;
	v12 =	vadd.s32 s29, v12;
	vm11 =	vgt.s32 v24, $0xC37F;
	vm12 =	vgt.s32 v26, $0xC37F;
	v25 =	vld.idx.msk [tilespmem:v25+s3+$0x0], $0xffff  }
0xab: {  	[tilespmem:$0x1FD60] =	vst v12;
	v12 =	vshll.u32 v12, $0x7;
	vm13 =	vgt.s32 v17, $0xC37F;
	v17 =	vimm.f32 $0.0e+00  }
0xac: {  	[tilespmem:$0x1FE20] =	vst v8;
	vm2 =	vgt.s32 v27, $0xC37F;
	v9 =	vadd.s32 s29, v9;
	v19 =	vshll.u32 v1, $0x7  }
0xad: {  	vm14 =	vgt.s32 v29, $0xC37F;
	[tilespmem:$0x1FD30] =	vst v9;
	v9 =	vshll.u32 v9, $0x7;
	v10 =	vadd.s32 s29, v10  }
0xae: {  	[tilespmem:$0x1FD40] =	vst v10;
	v10 =	vshll.u32 v10, $0x7;
	vm3 =	vgt.s32 v28, $0xC37F;
	vm15 =	vgt.s32 v21, $0xC37F  }
0xaf: {  	[tilespmem:$0x1FE50] =	vst v1;
	s29 =	simm.s32 $0x0;
	vm4 =	vgt.s32 v56, $0xC37F;
	vm0 =	vgt.s32 v23, $0xC37F;
	vm1 =	vgt.s32 v25, $0xC37F  }
.LBB2_4:
0xb0: {  	v20 =	vadd.s32 s29, v0;
	v21 =	vadd.s32 $0x2, v0;
	v1 =	vld [tilespmem:$0x1FD70]  }
0xb1: {  	v22 =	vadd.s32 $0x3, v0;
	v26 =	vand.u32 $0x3F, v20;
	v20 =	vadd.s32 $0x1, v0  }
0xb2: {  	v58 =	vadd.s32 $0x5, v0;
	v21 =	vadd.s32 s29, v21;
	v20 =	vadd.s32 s29, v20  }
0xb3: {  	v25 =	vand.u32 $0x3F, v21;
	v27 =	vand.u32 $0x3F, v20;
	v20 =	vadd.s32 s29, v22  }
0xb4: {  	v28 =	vor.u32 v26, v30;
	v23 =	vand.u32 $0x3F, v20;
	v20 =	vadd.s32 $0x4, v0  }
0xb5: {  	v31 =	vor.u32 v25, v30;
	v20 =	vadd.s32 s29, v20;
	vm9 =	vnez.u8 v1;
	v1 =	vld [tilespmem:$0x1FC20]  }
0xb6: {  	v29 =	vor.u32 v27, v30;
	v24 =	vand.u32 $0x3F, v20;
	v20 =	vadd.s32 s29, v58  }
0xb7: {  	v6 =	vld [tilespmem:$0x1FD80];
	v32 =	vor.u32 v23, v30;
	v22 =	vand.u32 $0x3F, v20;
	v20 =	vadd.s32 $0x6, v0  }
0xb8: {  	v34 =	vld [tilespmem:$0x1FC40];
	v35 =	vor.u32 v24, v30;
	v20 =	vadd.s32 s29, v20  }
0xb9: {  	v38 =	vsel vm9, $0x40, v2;
	v28 =	vld.idx.msk [tilespmem:v28+s14+$0x0], $0xffff;
	v61 =	vor.u32 v22, v30;
	v21 =	vand.u32 $0x3F, v20  }
0xba: {  	v31 =	vld.idx.msk [tilespmem:v31+s14+$0x0], $0xffff;
	v36 =	vor.u32 v21, v30;
	v38 =	vor.u32 v1, v38  }
0xbb: {  	v29 =	vld.idx.msk [tilespmem:v29+s14+$0x0], $0xffff;
	v41 =	vor.u32 v26, v38  }
0xbc: {  	v32 =	vld.idx.msk [tilespmem:v32+s14+$0x0], $0xffff;
	v43 =	vor.u32 v27, v38  }
0xbd: {  	v33 =	vadd.s32 $0x7, v0;
	vm9 =	vnez.u8 v6;
	v44 =	vor.u32 v25, v38;
	v35 =	vld.idx.msk [tilespmem:v35+s14+$0x0], $0xffff  }
0xbe: {  	v6 =	vsel vm9, $0x40, v2;
	v20 =	vadd.s32 s29, v33;
	v33 =	vld.idx.msk [tilespmem:v61+s14+$0x0], $0xffff  }
0xbf: {  	v6 =	vor.u32 v34, v6;
	v20 =	vand.u32 $0x3F, v20;
	v1 =	vor.u32 v21, v38;
	v36 =	vld.idx.msk [tilespmem:v36+s14+$0x0], $0xffff  }
0xc0: {  	v34 =	vor.u32 v26, v6;
	v40 =	vor.u32 v20, v30;
	v49 =	vor.u32 v23, v38;
	v41 =	vld.idx.msk [tilespmem:v41+s14+$0x0], $0xffff  }
0xc1: {  	v52 =	vor.u32 v24, v38;
	v58 =	vor.u32 v22, v38;
	v38 =	vor.u32 v20, v38;
	v43 =	vld.idx.msk [tilespmem:v43+s14+$0x0], $0xffff  }
0xc2: {  	v46 =	vadd.f32 $0.0e+00, v28;
	v28 =	vmul.f32 v28, v28;
	v50 =	vadd.f32 $0.0e+00, v31;
	v44 =	vld.idx.msk [tilespmem:v44+s14+$0x0], $0xffff  }
0xc3: {  	v31 =	vmul.f32 v31, v31;
	v47 =	vadd.f32 $0.0e+00, v29;
	v29 =	vmul.f32 v29, v29  }
0xc4: {  	v53 =	vadd.f32 $0.0e+00, v32;
	v32 =	vmul.f32 v32, v32;
	v1 =	vld.idx.msk [tilespmem:v1+s14+$0x0], $0xffff;
	v55 =	vadd.f32 $0.0e+00, v35  }
0xc5: {  	v49 =	vld.idx.msk [tilespmem:v49+s14+$0x0], $0xffff;
	v35 =	vmul.f32 v35, v35;
	v56 =	vadd.f32 $0.0e+00, v33;
	v61 =	vadd.f32 $0.0e+00, v36  }
0xc6: {  	v52 =	vld.idx.msk [tilespmem:v52+s14+$0x0], $0xffff;
	v36 =	vmul.f32 v36, v36;
	v8 =	vmul.f32 v41, v41;
	v41 =	vadd.f32 v41, v46  }
0xc7: {  	v46 =	vmul.f32 v43, v43;
	v37 =	vmul.f32 v44, v44;
	v44 =	vadd.f32 v44, v50  }
0xc8: {  	v50 =	vor.u32 v25, v6;
	v8 =	vadd.f32 v8, v28;
	v28 =	vadd.f32 v43, v47;
	v47 =	vld.idx.msk [tilespmem:v58+s14+$0x0], $0xffff  }
0xc9: {  	v40 =	vld.idx.msk [tilespmem:v40+s14+$0x0], $0xffff;
	v29 =	vadd.f32 v46, v29;
	v31 =	vadd.f32 v37, v31;
	v37 =	vmul.f32 v1, v1  }
0xca: {  	v38 =	vld.idx.msk [tilespmem:v38+s14+$0x0], $0xffff;
	v46 =	vor.u32 v27, v6;
	v43 =	vmul.f32 v49, v49;
	v49 =	vadd.f32 v49, v53  }
0xcb: {  	v53 =	vmul.f32 v52, v52;
	v58 =	vor.u32 v23, v6;
	v36 =	vadd.f32 v37, v36;
	v37 =	vld [tilespmem:$0x1FD90]  }
0xcc: {  	v34 =	vld.idx.msk [tilespmem:v34+s14+$0x0], $0xffff;
	v33 =	vmul.f32 v33, v33;
	v32 =	vadd.f32 v43, v32;
	v43 =	vadd.f32 v52, v55  }
0xcd: {  	v35 =	vadd.f32 v53, v35;
	v53 =	vor.u32 v24, v6;
	v52 =	vmul.f32 v47, v47  }
0xce: {  	v3 =	vadd.f32 $0.0e+00, v40;
	v50 =	vld.idx.msk [tilespmem:v50+s14+$0x0], $0xffff;
	v47 =	vadd.f32 v47, v56;
	v56 =	vor.u32 v22, v6  }
0xcf: {  	v46 =	vld.idx.msk [tilespmem:v46+s14+$0x0], $0xffff;
	v33 =	vadd.f32 v52, v33;
	v52 =	vor.u32 v21, v6  }
0xd0: {  	v40 =	vmul.f32 v40, v40;
	v3 =	vadd.f32 v38, v3;
	v58 =	vld.idx.msk [tilespmem:v58+s14+$0x0], $0xffff;
	vm9 =	vnez.u8 v37  }
0xd1: {  	v55 =	vmul.f32 v38, v38;
	v38 =	vmul.f32 v34, v34;
	v37 =	vsel vm9, $0x40, v2  }
0xd2: {  	v34 =	vadd.f32 v34, v41;
	v6 =	vor.u32 v20, v6;
	v41 =	vld.idx.msk [tilespmem:v53+s14+$0x0], $0xffff;
	v53 =	vor.u32 v39, v37  }
0xd3: {  	v40 =	vadd.f32 v55, v40;
	v8 =	vadd.f32 v38, v8;
	v55 =	vld.idx.msk [tilespmem:v56+s14+$0x0], $0xffff;
	v56 =	vor.u32 v26, v53  }
0xd4: {  	v38 =	vmul.f32 v46, v46;
	v28 =	vadd.f32 v46, v28;
	v46 =	vmul.f32 v50, v50;
	v52 =	vld.idx.msk [tilespmem:v52+s14+$0x0], $0xffff  }
0xd5: {  	v1 =	vadd.f32 v1, v61;
	v37 =	vmul.f32 v58, v58  }
0xd6: {  	v61 =	vor.u32 v27, v53;
	v31 =	vadd.f32 v46, v31;
	v46 =	vadd.f32 v58, v49  }
0xd7: {  	v6 =	vld.idx.msk [tilespmem:v6+s14+$0x0], $0xffff;
	v49 =	vor.u32 v25, v53;
	v32 =	vadd.f32 v37, v32;
	v37 =	vmul.f32 v41, v41  }
0xd8: {  	v29 =	vadd.f32 v38, v29;
	v38 =	vadd.f32 v50, v44;
	v50 =	vor.u32 v23, v53;
	v56 =	vld.idx.msk [tilespmem:v56+s14+$0x0], $0xffff  }
0xd9: {  	v35 =	vadd.f32 v37, v35;
	v37 =	vmul.f32 v52, v52;
	v1 =	vadd.f32 v52, v1;
	v52 =	vld [tilespmem:$0x1FDA0]  }
0xda: {  	v41 =	vadd.f32 v41, v43;
	v58 =	vor.u32 v24, v53;
	v43 =	vmul.f32 v55, v55  }
0xdb: {  	v44 =	vadd.f32 v55, v47;
	v55 =	vld.idx.msk [tilespmem:v61+s14+$0x0], $0xffff;
	v61 =	vor.u32 v22, v53  }
0xdc: {  	v33 =	vadd.f32 v43, v33;
	v43 =	vmul.f32 v6, v6;
	v47 =	vld.idx.msk [tilespmem:v49+s14+$0x0], $0xffff;
	v49 =	vor.u32 v21, v53  }
0xdd: {  	v3 =	vadd.f32 v6, v3  }
0xde: {  	v6 =	vadd.f32 v43, v40;
	v40 =	vld.idx.msk [tilespmem:v50+s14+$0x0], $0xffff;
	v50 =	vmul.f32 v56, v56;
	vm9 =	vnez.u8 v52  }
0xdf: {  	v36 =	vadd.f32 v37, v36;
	v52 =	vld.idx.msk [tilespmem:v58+s14+$0x0], $0xffff;
	v37 =	vsel vm9, $0x40, v2  }
0xe0: {  	v53 =	vor.u32 v20, v53;
	v8 =	vadd.f32 v50, v8;
	v50 =	vld.idx.msk [tilespmem:v61+s14+$0x0], $0xffff;
	v43 =	vor.u32 v42, v37  }
0xe1: {  	v49 =	vld.idx.msk [tilespmem:v49+s14+$0x0], $0xffff;
	v61 =	vor.u32 v25, v43  }
0xe2: {  	v28 =	vadd.f32 v55, v28;
	v37 =	vmul.f32 v55, v55;
	v55 =	vmul.f32 v47, v47  }
0xe3: {  	v34 =	vadd.f32 v56, v34;
	v38 =	vadd.f32 v47, v38;
	v58 =	vor.u32 v26, v43  }
0xe4: {  	v47 =	vmul.f32 v40, v40;
	v56 =	vor.u32 v27, v43;
	v31 =	vadd.f32 v55, v31  }
0xe5: {  	v53 =	vld.idx.msk [tilespmem:v53+s14+$0x0], $0xffff;
	v55 =	vmul.f32 v52, v52;
	v41 =	vadd.f32 v52, v41;
	v52 =	vmul.f32 v50, v50  }
0xe6: {  	v44 =	vadd.f32 v50, v44;
	v50 =	vmul.f32 v49, v49;
	v1 =	vadd.f32 v49, v1;
	v49 =	vld.idx.msk [tilespmem:v61+s14+$0x0], $0xffff  }
0xe7: {  	v29 =	vadd.f32 v37, v29;
	v37 =	vor.u32 v23, v43;
	v61 =	vld [tilespmem:$0x1FDB0]  }
0xe8: {  	v40 =	vadd.f32 v40, v46;
	v32 =	vadd.f32 v47, v32;
	v47 =	vor.u32 v24, v43;
	v46 =	vld.idx.msk [tilespmem:v58+s14+$0x0], $0xffff  }
0xe9: {  	v33 =	vadd.f32 v52, v33;
	v52 =	vor.u32 v21, v43  }
0xea: {  	v35 =	vadd.f32 v55, v35;
	v55 =	vld.idx.msk [tilespmem:v56+s14+$0x0], $0xffff;
	v56 =	vor.u32 v22, v43;
	_ =	sdelay $0x1  }
0xeb: {  	v3 =	vadd.f32 v53, v3;
	v36 =	vadd.f32 v50, v36;
	v37 =	vld.idx.msk [tilespmem:v37+s14+$0x0], $0xffff;
	vm9 =	vnez.u8 v61  }
0xec: {  	v50 =	vmul.f32 v53, v53;
	v47 =	vld.idx.msk [tilespmem:v47+s14+$0x0], $0xffff;
	v53 =	vmul.f32 v46, v46;
	v58 =	vsel vm9, $0x40, v2  }
0xed: {  	v43 =	vor.u32 v20, v43;
	v52 =	vld.idx.msk [tilespmem:v52+s14+$0x0], $0xffff;
	v34 =	vadd.f32 v46, v34;
	v46 =	vor.u32 v45, v58  }
0xee: {  	v6 =	vadd.f32 v50, v6;
	v8 =	vadd.f32 v53, v8;
	v53 =	vld.idx.msk [tilespmem:v56+s14+$0x0], $0xffff;
	v56 =	vor.u32 v26, v46  }
0xef: {  	v50 =	vmul.f32 v55, v55;
	v28 =	vadd.f32 v55, v28;
	v55 =	vor.u32 v25, v46  }
0xf0: {  	v61 =	vmul.f32 v49, v49;
	v38 =	vadd.f32 v49, v38  }
0xf1: {  	v49 =	vmul.f32 v37, v37;
	v37 =	vadd.f32 v37, v40;
	v58 =	vor.u32 v27, v46  }
0xf2: {  	v43 =	vld.idx.msk [tilespmem:v43+s14+$0x0], $0xffff;
	v29 =	vadd.f32 v50, v29;
	v40 =	vor.u32 v23, v46;
	v50 =	vmul.f32 v52, v52  }
0xf3: {  	v31 =	vadd.f32 v61, v31;
	v61 =	vmul.f32 v47, v47;
	v32 =	vadd.f32 v49, v32;
	v49 =	vld.idx.msk [tilespmem:v56+s14+$0x0], $0xffff  }
0xf4: {  	v36 =	vadd.f32 v50, v36;
	v50 =	vld.idx.msk [tilespmem:v55+s14+$0x0], $0xffff  }
0xf5: {  	v35 =	vadd.f32 v61, v35;
	v1 =	vadd.f32 v52, v1;
	v52 =	vor.u32 v21, v46;
	v55 =	vld [tilespmem:$0x1FDC0]  }
0xf6: {  	v61 =	vmul.f32 v53, v53;
	v44 =	vadd.f32 v53, v44;
	v53 =	vld.idx.msk [tilespmem:v58+s14+$0x0], $0xffff;
	v56 =	vor.u32 v24, v46  }
0xf7: {  	v58 =	vor.u32 v22, v46;
	v40 =	vld.idx.msk [tilespmem:v40+s14+$0x0], $0xffff  }
0xf8: {  	v46 =	vor.u32 v20, v46  }
0xf9: {  	v41 =	vadd.f32 v47, v41;
	v33 =	vadd.f32 v61, v33;
	v61 =	vmul.f32 v43, v43  }
0xfa: {  	v3 =	vadd.f32 v43, v3;
	v52 =	vld.idx.msk [tilespmem:v52+s14+$0x0], $0xffff;
	vm9 =	vnez.u8 v55;
	v47 =	vmul.f32 v49, v49  }
0xfb: {  	v6 =	vadd.f32 v61, v6;
	v61 =	vmul.f32 v53, v53;
	v55 =	vld.idx.msk [tilespmem:v56+s14+$0x0], $0xffff;
	v43 =	vsel vm9, $0x40, v2  }
0xfc: {  	v37 =	vadd.f32 v40, v37;
	v43 =	vor.u32 v48, v43;
	v8 =	vadd.f32 v47, v8;
	v47 =	vld.idx.msk [tilespmem:v58+s14+$0x0], $0xffff  }
0xfd: {  	v29 =	vadd.f32 v61, v29;
	v61 =	vmul.f32 v40, v40;
	v40 =	vld.idx.msk [tilespmem:v46+s14+$0x0], $0xffff;
	v58 =	vor.u32 v25, v43;
	_ =	sdelay $0x2  }
0xfe: {  	v56 =	vor.u32 v26, v43;
	v32 =	vadd.f32 v61, v32;
	v61 =	vmul.f32 v55, v55  }
0xff: {  	v28 =	vadd.f32 v53, v28;
	v1 =	vadd.f32 v52, v1;
	v53 =	vor.u32 v27, v43  }
0x100: {  	v35 =	vadd.f32 v61, v35;
	v61 =	vmul.f32 v52, v52;
	v52 =	vld.idx.msk [tilespmem:v58+s14+$0x0], $0xffff;
	v58 =	vmul.f32 v40, v40  }
0x101: {  	v34 =	vadd.f32 v49, v34;
	v49 =	vmul.f32 v50, v50  }
0x102: {  	v38 =	vadd.f32 v50, v38;
	v50 =	vor.u32 v23, v43;
	v6 =	vadd.f32 v58, v6;
	v58 =	vld [tilespmem:$0x1FDE0]  }
0x103: {  	v31 =	vadd.f32 v49, v31;
	v49 =	vld.idx.msk [tilespmem:v56+s14+$0x0], $0xffff;
	v56 =	vor.u32 v24, v43  }
0x104: {  	v41 =	vadd.f32 v55, v41;
	v55 =	vmul.f32 v47, v47;
	v44 =	vadd.f32 v47, v44;
	v47 =	vld.idx.msk [tilespmem:v53+s14+$0x0], $0xffff  }
0x105: {  	v53 =	vor.u32 v22, v43  }
0x106: {  	v33 =	vadd.f32 v55, v33;
	v55 =	vor.u32 v21, v43  }
0x107: {  	v3 =	vadd.f32 v40, v3;
	v50 =	vld.idx.msk [tilespmem:v50+s14+$0x0], $0xffff;
	v36 =	vadd.f32 v61, v36;
	vm9 =	vnez.u8 v58  }
0x108: {  	v61 =	vmul.f32 v49, v49;
	v34 =	vadd.f32 v49, v34;
	v46 =	vld.idx.msk [tilespmem:v56+s14+$0x0], $0xffff;
	v49 =	vsel vm9, $0x40, v2  }
0x109: {  	v43 =	vor.u32 v20, v43;
	v40 =	vmul.f32 v47, v47;
	v49 =	vor.u32 v51, v49  }
0x10a: {  	v53 =	vld.idx.msk [tilespmem:v53+s14+$0x0], $0xffff;
	v8 =	vadd.f32 v61, v8;
	v56 =	vor.u32 v26, v49  }
0x10b: {  	v61 =	vmul.f32 v52, v52;
	v29 =	vadd.f32 v40, v29;
	v40 =	vld.idx.msk [tilespmem:v55+s14+$0x0], $0xffff;
	v58 =	vor.u32 v23, v49  }
0x10c: {  	v28 =	vadd.f32 v47, v28;
	v38 =	vadd.f32 v52, v38;
	v47 =	vmul.f32 v50, v50  }
0x10d: {  	v31 =	vadd.f32 v61, v31;
	v52 =	vor.u32 v27, v49;
	v61 =	vmul.f32 v46, v46  }
0x10e: {  	v37 =	vadd.f32 v50, v37;
	v43 =	vld.idx.msk [tilespmem:v43+s14+$0x0], $0xffff;
	v32 =	vadd.f32 v47, v32;
	v55 =	vor.u32 v25, v49  }
0x10f: {  	v50 =	vor.u32 v24, v49;
	v44 =	vadd.f32 v53, v44;
	v35 =	vadd.f32 v61, v35;
	v47 =	vld.idx.msk [tilespmem:v56+s14+$0x0], $0xffff  }
0x110: {  	v61 =	vmul.f32 v53, v53;
	v53 =	vmul.f32 v40, v40;
	v1 =	vadd.f32 v40, v1;
	v40 =	vld.idx.msk [tilespmem:v58+s14+$0x0], $0xffff  }
0x111: {  	v58 =	vld [tilespmem:$0x1FDF0]  }
0x112: {  	v33 =	vadd.f32 v61, v33;
	v61 =	vor.u32 v21, v49;
	v52 =	vld.idx.msk [tilespmem:v52+s14+$0x0], $0xffff  }
0x113: {  	v41 =	vadd.f32 v46, v41;
	v46 =	vmul.f32 v43, v43;
	v55 =	vld.idx.msk [tilespmem:v55+s14+$0x0], $0xffff  }
0x114: {  	v3 =	vadd.f32 v43, v3  }
0x115: {  	v6 =	vadd.f32 v46, v6;
	v36 =	vadd.f32 v53, v36;
	v56 =	vor.u32 v22, v49;
	v50 =	vld.idx.msk [tilespmem:v50+s14+$0x0], $0xffff  }
0x116: {  	v49 =	vor.u32 v20, v49;
	vm9 =	vnez.u8 v58;
	v46 =	vmul.f32 v47, v47  }
0x117: {  	v34 =	vadd.f32 v47, v34;
	v47 =	vmul.f32 v52, v52;
	v28 =	vadd.f32 v52, v28;
	v52 =	vld.idx.msk [tilespmem:v61+s14+$0x0], $0xffff  }
0x118: {  	v61 =	vmul.f32 v40, v40;
	v38 =	vadd.f32 v55, v38;
	v43 =	vsel vm9, $0x40, v2  }
0x119: {  	v43 =	vor.u32 v54, v43;
	v8 =	vadd.f32 v46, v8;
	v46 =	vmul.f32 v55, v55  }
0x11a: {  	v53 =	vld.idx.msk [tilespmem:v56+s14+$0x0], $0xffff;
	v32 =	vadd.f32 v61, v32;
	v61 =	vmul.f32 v50, v50;
	v56 =	vor.u32 v26, v43  }
0x11b: {  	v29 =	vadd.f32 v47, v29;
	v31 =	vadd.f32 v46, v31;
	v46 =	vor.u32 v25, v43  }
0x11c: {  	v47 =	vld.idx.msk [tilespmem:v49+s14+$0x0], $0xffff;
	v55 =	vor.u32 v23, v43;
	v35 =	vadd.f32 v61, v35;
	v61 =	vmul.f32 v52, v52;
	_ =	sdelay $0x1  }
0x11d: {  	v58 =	vor.u32 v27, v43;
	v36 =	vadd.f32 v61, v36;
	v61 =	vld [tilespmem:$0x1FE00]  }
0x11e: {  	v37 =	vadd.f32 v40, v37;
	v41 =	vadd.f32 v50, v41;
	v50 =	vld.idx.msk [tilespmem:v56+s14+$0x0], $0xffff  }
0x11f: {  	v49 =	vmul.f32 v53, v53;
	v44 =	vadd.f32 v53, v44;
	v53 =	vor.u32 v22, v43;
	v40 =	vld.idx.msk [tilespmem:v46+s14+$0x0], $0xffff  }
0x120: {  	v3 =	vadd.f32 v47, v3;
	v56 =	vor.u32 v24, v43;
	v55 =	vld.idx.msk [tilespmem:v55+s14+$0x0], $0xffff  }
0x121: {  	v46 =	vmul.f32 v47, v47;
	v47 =	vor.u32 v21, v43;
	v43 =	vor.u32 v20, v43  }
0x122: {  	v33 =	vadd.f32 v49, v33;
	v49 =	vld.idx.msk [tilespmem:v58+s14+$0x0], $0xffff  }
0x123: {  	v1 =	vadd.f32 v52, v1;
	vm9 =	vnez.u8 v61  }
0x124: {  	v53 =	vld.idx.msk [tilespmem:v53+s14+$0x0], $0xffff;
	v52 =	vmul.f32 v50, v50;
	v58 =	vsel vm9, $0x40, v2;
	v61 =	vmul.f32 v40, v40  }
0x125: {  	v34 =	vadd.f32 v50, v34;
	v37 =	vadd.f32 v55, v37;
	v50 =	vor.u32 v57, v58  }
0x126: {  	v43 =	vld.idx.msk [tilespmem:v43+s14+$0x0], $0xffff;
	v31 =	vadd.f32 v61, v31;
	v61 =	vmul.f32 v55, v55;
	v55 =	vor.u32 v23, v50  }
0x127: {  	v6 =	vadd.f32 v46, v6;
	v46 =	vld.idx.msk [tilespmem:v56+s14+$0x0], $0xffff;
	v28 =	vadd.f32 v49, v28  }
0x128: {  	v38 =	vadd.f32 v40, v38;
	v8 =	vadd.f32 v52, v8;
	v56 =	vor.u32 v26, v50  }
0x129: {  	v40 =	vld.idx.msk [tilespmem:v47+s14+$0x0], $0xffff;
	v58 =	vor.u32 v27, v50;
	v32 =	vadd.f32 v61, v32;
	v61 =	vmul.f32 v53, v53  }
0x12a: {  	v52 =	vmul.f32 v49, v49;
	v49 =	vor.u32 v25, v50;
	v44 =	vadd.f32 v53, v44  }
0x12b: {  	v3 =	vadd.f32 v43, v3;
	v33 =	vadd.f32 v61, v33;
	v61 =	vmul.f32 v43, v43;
	v43 =	vld.idx.msk [tilespmem:v55+s14+$0x0], $0xffff  }
0x12c: {  	v29 =	vadd.f32 v52, v29;
	v52 =	vmul.f32 v46, v46;
	v53 =	vor.u32 v24, v50;
	v55 =	vld [tilespmem:$0x1FE20]  }
0x12d: {  	v41 =	vadd.f32 v46, v41;
	v47 =	vld.idx.msk [tilespmem:v56+s14+$0x0], $0xffff  }
0x12e: {  	v46 =	vmul.f32 v40, v40;
	v35 =	vadd.f32 v52, v35;
	v52 =	vld.idx.msk [tilespmem:v58+s14+$0x0], $0xffff;
	v58 =	vor.u32 v21, v50  }
0x12f: {  	v56 =	vor.u32 v22, v50;
	v49 =	vld.idx.msk [tilespmem:v49+s14+$0x0], $0xffff  }
0x130: {  	v1 =	vadd.f32 v40, v1;
	v36 =	vadd.f32 v46, v36  }
0x131: {  	v46 =	vor.u32 v20, v50;
	v6 =	vadd.f32 v61, v6;
	v53 =	vld.idx.msk [tilespmem:v53+s14+$0x0], $0xffff;
	vm9 =	vnez.u8 v55  }
0x132: {  	v40 =	vmul.f32 v47, v47;
	v34 =	vadd.f32 v47, v34;
	v50 =	vsel vm9, $0x40, v2  }
0x133: {  	v61 =	vmul.f32 v52, v52;
	v28 =	vadd.f32 v52, v28;
	v55 =	vld.idx.msk [tilespmem:v58+s14+$0x0], $0xffff;
	v50 =	vor.u32 v59, v50  }
0x134: {  	v47 =	vmul.f32 v49, v49;
	v8 =	vadd.f32 v40, v8;
	v40 =	vld.idx.msk [tilespmem:v56+s14+$0x0], $0xffff;
	v52 =	vor.u32 v26, v50  }
0x135: {  	v37 =	vadd.f32 v43, v37;
	v29 =	vadd.f32 v61, v29;
	v56 =	vor.u32 v27, v50  }
0x136: {  	v46 =	vld.idx.msk [tilespmem:v46+s14+$0x0], $0xffff;
	v61 =	vmul.f32 v43, v43;
	v43 =	vmul.f32 v53, v53;
	v58 =	vor.u32 v25, v50  }
0x137: {  	v31 =	vadd.f32 v47, v31;
	v47 =	vor.u32 v23, v50  }
0x138: {  	v41 =	vadd.f32 v53, v41;
	v35 =	vadd.f32 v43, v35;
	v43 =	vmul.f32 v55, v55  }
0x139: {  	v32 =	vadd.f32 v61, v32;
	v53 =	vor.u32 v24, v50;
	v61 =	vmul.f32 v40, v40;
	v52 =	vld.idx.msk [tilespmem:v52+s14+$0x0], $0xffff  }
0x13a: {  	v40 =	vadd.f32 v40, v44;
	v36 =	vadd.f32 v43, v36;
	v43 =	vor.u32 v21, v50;
	v44 =	vld.idx.msk [tilespmem:v56+s14+$0x0], $0xffff  }
0x13b: {  	v3 =	vadd.f32 v46, v3;
	v56 =	vld.idx.msk [tilespmem:v58+s14+$0x0], $0xffff;
	v58 =	vor.u32 v22, v50  }
0x13c: {  	v33 =	vadd.f32 v61, v33;
	v61 =	vmul.f32 v46, v46;
	v46 =	vld.idx.msk [tilespmem:v47+s14+$0x0], $0xffff;
	v50 =	vor.u32 v20, v50  }
0x13d: {  	v38 =	vadd.f32 v49, v38;
	v47 =	vsel vm10, $0x40, v2  }
0x13e: {  	v1 =	vadd.f32 v55, v1;
	v53 =	vld.idx.msk [tilespmem:v53+s14+$0x0], $0xffff;
	v47 =	vor.u32 v60, v47;
	v6 =	vadd.f32 v61, v6  }
0x13f: {  	v55 =	vor.u32 v26, v47;
	v43 =	vld.idx.msk [tilespmem:v43+s14+$0x0], $0xffff;
	v61 =	vmul.f32 v52, v52;
	v34 =	vadd.f32 v52, v34  }
0x140: {  	v52 =	vmul.f32 v44, v44;
	v28 =	vadd.f32 v44, v28;
	v49 =	vld.idx.msk [tilespmem:v58+s14+$0x0], $0xffff;
	v38 =	vadd.f32 v56, v38  }
0x141: {  	v44 =	vmul.f32 v46, v46;
	v37 =	vadd.f32 v46, v37;
	v50 =	vld.idx.msk [tilespmem:v50+s14+$0x0], $0xffff;
	v8 =	vadd.f32 v61, v8  }
0x142: {  	v61 =	vmul.f32 v56, v56;
	v29 =	vadd.f32 v52, v29;
	v52 =	vor.u32 v27, v47  }
0x143: {  	v58 =	vor.u32 v23, v47;
	v41 =	vadd.f32 v53, v41;
	v56 =	vor.u32 v25, v47  }
0x144: {  	v32 =	vadd.f32 v44, v32;
	v44 =	vld.idx.msk [tilespmem:v55+s14+$0x0], $0xffff;
	v55 =	vor.u32 v22, v47;
	v31 =	vadd.f32 v61, v31  }
0x145: {  	v61 =	vmul.f32 v53, v53;
	v53 =	vor.u32 v24, v47;
	v1 =	vadd.f32 v43, v1  }
0x146: {  	v46 =	vmul.f32 v49, v49;
	v40 =	vadd.f32 v49, v40;
	v49 =	vmul.f32 v50, v50  }
0x147: {  	v3 =	vadd.f32 v50, v3;
	v35 =	vadd.f32 v61, v35;
	v61 =	vmul.f32 v43, v43;
	v52 =	vld.idx.msk [tilespmem:v52+s14+$0x0], $0xffff  }
0x148: {  	v33 =	vadd.f32 v46, v33;
	v43 =	vld.idx.msk [tilespmem:v56+s14+$0x0], $0xffff;
	v46 =	vor.u32 v21, v47;
	v47 =	vor.u32 v20, v47  }
0x149: {  	v56 =	vld.idx.msk [tilespmem:v58+s14+$0x0], $0xffff;
	v50 =	vmul.f32 v44, v44;
	v36 =	vadd.f32 v61, v36;
	v61 =	vsel vm11, $0x40, v2  }
0x14a: {  	v6 =	vadd.f32 v49, v6;
	v34 =	vadd.f32 v44, v34;
	v44 =	vld.idx.msk [tilespmem:v53+s14+$0x0], $0xffff;
	v49 =	vor.u32 v62, v61  }
0x14b: {  	v53 =	vld.idx.msk [tilespmem:v55+s14+$0x0], $0xffff;
	v55 =	vor.u32 v26, v49  }
0x14c: {  	v8 =	vadd.f32 v50, v8;
	v58 =	vor.u32 v27, v49;
	v61 =	vmul.f32 v52, v52  }
0x14d: {  	v28 =	vadd.f32 v52, v28;
	v52 =	vmul.f32 v43, v43;
	v46 =	vld.idx.msk [tilespmem:v46+s14+$0x0], $0xffff;
	v38 =	vadd.f32 v43, v38  }
0x14e: {  	v50 =	vor.u32 v25, v49;
	v47 =	vld.idx.msk [tilespmem:v47+s14+$0x0], $0xffff;
	v37 =	vadd.f32 v56, v37;
	v29 =	vadd.f32 v61, v29  }
0x14f: {  	v61 =	vmul.f32 v56, v56;
	v31 =	vadd.f32 v52, v31;
	v43 =	vmul.f32 v44, v44  }
0x150: {  	v52 =	vor.u32 v23, v49;
	v56 =	vor.u32 v24, v49;
	v40 =	vadd.f32 v53, v40;
	v55 =	vld.idx.msk [tilespmem:v55+s14+$0x0], $0xffff  }
0x151: {  	v32 =	vadd.f32 v61, v32;
	v61 =	vmul.f32 v53, v53;
	v35 =	vadd.f32 v43, v35  }
0x152: {  	v53 =	vld.idx.msk [tilespmem:v58+s14+$0x0], $0xffff;
	v58 =	vor.u32 v22, v49;
	v43 =	vmul.f32 v46, v46;
	v1 =	vadd.f32 v46, v1  }
0x153: {  	v46 =	vor.u32 v21, v49;
	v33 =	vadd.f32 v61, v33;
	v61 =	vmul.f32 v47, v47  }
0x154: {  	v41 =	vadd.f32 v44, v41;
	v49 =	vor.u32 v20, v49;
	v36 =	vadd.f32 v43, v36;
	v43 =	vld.idx.msk [tilespmem:v50+s14+$0x0], $0xffff  }
0x155: {  	v44 =	vld.idx.msk [tilespmem:v52+s14+$0x0], $0xffff;
	v6 =	vadd.f32 v61, v6;
	v61 =	vsel vm12, $0x40, v2;
	v50 =	vmul.f32 v55, v55  }
0x156: {  	v3 =	vadd.f32 v47, v3;
	v52 =	vld.idx.msk [tilespmem:v56+s14+$0x0], $0xffff;
	v34 =	vadd.f32 v55, v34;
	v47 =	vor.u32 v63, v61  }
0x157: {  	v61 =	vmul.f32 v53, v53;
	v56 =	vor.u32 v26, v47;
	v8 =	vadd.f32 v50, v8;
	v50 =	vld.idx.msk [tilespmem:v58+s14+$0x0], $0xffff  }
0x158: {  	v28 =	vadd.f32 v53, v28;
	v46 =	vld.idx.msk [tilespmem:v46+s14+$0x0], $0xffff;
	v55 =	vor.u32 v27, v47;
	v58 =	vor.u32 v25, v47  }
0x159: {  	v29 =	vadd.f32 v61, v29;
	v61 =	vmul.f32 v43, v43;
	v38 =	vadd.f32 v43, v38  }
0x15a: {  	v49 =	vld.idx.msk [tilespmem:v49+s14+$0x0], $0xffff;
	v43 =	vmul.f32 v44, v44;
	v37 =	vadd.f32 v44, v37;
	v44 =	vor.u32 v24, v47  }
0x15b: {  	v53 =	vmul.f32 v52, v52;
	v31 =	vadd.f32 v61, v31;
	v61 =	vor.u32 v23, v47  }
0x15c: {  	v41 =	vadd.f32 v52, v41;
	v32 =	vadd.f32 v43, v32;
	v43 =	vld.idx.msk [tilespmem:v56+s14+$0x0], $0xffff;
	v52 =	vmul.f32 v50, v50  }
0x15d: {  	v35 =	vadd.f32 v53, v35;
	v40 =	vadd.f32 v50, v40;
	v50 =	vmul.f32 v46, v46;
	v53 =	vld.idx.msk [tilespmem:v55+s14+$0x0], $0xffff  }
0x15e: {  	v55 =	vor.u32 v22, v47;
	v1 =	vadd.f32 v46, v1;
	v46 =	vld.idx.msk [tilespmem:v58+s14+$0x0], $0xffff;
	v33 =	vadd.f32 v52, v33  }
0x15f: {  	v52 =	vor.u32 v21, v47;
	v36 =	vadd.f32 v50, v36;
	v50 =	vmul.f32 v49, v49;
	v44 =	vld.idx.msk [tilespmem:v44+s14+$0x0], $0xffff  }
0x160: {  	v3 =	vadd.f32 v49, v3;
	v47 =	vor.u32 v20, v47;
	v56 =	vld.idx.msk [tilespmem:v61+s14+$0x0], $0xffff  }
0x161: {  	v61 =	vsel vm13, $0x40, v2;
	v6 =	vadd.f32 v50, v6;
	v49 =	vmul.f32 v43, v43  }
0x162: {  	v34 =	vadd.f32 v43, v34;
	v43 =	vor.u32 v4, v61;
	v28 =	vadd.f32 v53, v28  }
0x163: {  	v50 =	vld.idx.msk [tilespmem:v55+s14+$0x0], $0xffff;
	v61 =	vmul.f32 v46, v46;
	v38 =	vadd.f32 v46, v38;
	v55 =	vor.u32 v26, v43  }
0x164: {  	v58 =	vor.u32 v27, v43;
	v8 =	vadd.f32 v49, v8;
	v49 =	vmul.f32 v53, v53;
	v52 =	vld.idx.msk [tilespmem:v52+s14+$0x0], $0xffff  }
0x165: {  	v31 =	vadd.f32 v61, v31;
	v61 =	vmul.f32 v44, v44;
	v46 =	vmul.f32 v56, v56  }
0x166: {  	v53 =	vor.u32 v25, v43;
	v29 =	vadd.f32 v49, v29;
	v37 =	vadd.f32 v56, v37  }
0x167: {  	v47 =	vld.idx.msk [tilespmem:v47+s14+$0x0], $0xffff;
	v35 =	vadd.f32 v61, v35;
	v32 =	vadd.f32 v46, v32;
	v46 =	vor.u32 v23, v43  }
0x168: {  	v56 =	vor.u32 v24, v43;
	v61 =	vmul.f32 v50, v50;
	v40 =	vadd.f32 v50, v40;
	v49 =	vld.idx.msk [tilespmem:v55+s14+$0x0], $0xffff  }
0x169: {  	v50 =	vmul.f32 v52, v52;
	v1 =	vadd.f32 v52, v1;
	v52 =	vor.u32 v21, v43  }
0x16a: {  	v41 =	vadd.f32 v44, v41;
	v55 =	vld.idx.msk [tilespmem:v58+s14+$0x0], $0xffff;
	v58 =	vor.u32 v22, v43  }
0x16b: {  	v33 =	vadd.f32 v61, v33;
	v36 =	vadd.f32 v50, v36;
	v50 =	vld.idx.msk [tilespmem:v53+s14+$0x0], $0xffff  }
0x16c: {  	v61 =	vmul.f32 v47, v47;
	v3 =	vadd.f32 v47, v3;
	v53 =	vsel vm14, $0x40, v2;
	v44 =	vld.idx.msk [tilespmem:v46+s14+$0x0], $0xffff  }
0x16d: {  	v43 =	vor.u32 v20, v43;
	v47 =	vmul.f32 v49, v49;
	v46 =	vor.u32 v5, v53;
	v53 =	vld.idx.msk [tilespmem:v56+s14+$0x0], $0xffff  }
0x16e: {  	v6 =	vadd.f32 v61, v6;
	v34 =	vadd.f32 v49, v34;
	v52 =	vld.idx.msk [tilespmem:v52+s14+$0x0], $0xffff  }
0x16f: {  	v61 =	vmul.f32 v55, v55;
	v56 =	vor.u32 v26, v46;
	v8 =	vadd.f32 v47, v8;
	v47 =	vld.idx.msk [tilespmem:v58+s14+$0x0], $0xffff  }
0x170: {  	v28 =	vadd.f32 v55, v28;
	v55 =	vor.u32 v27, v46;
	v49 =	vmul.f32 v50, v50  }
0x171: {  	v29 =	vadd.f32 v61, v29;
	v58 =	vor.u32 v25, v46;
	v61 =	vmul.f32 v44, v44  }
0x172: {  	v43 =	vld.idx.msk [tilespmem:v43+s14+$0x0], $0xffff;
	v38 =	vadd.f32 v50, v38;
	v50 =	vor.u32 v23, v46;
	v31 =	vadd.f32 v49, v31  }
0x173: {  	v41 =	vadd.f32 v53, v41;
	v32 =	vadd.f32 v61, v32;
	v61 =	vmul.f32 v53, v53  }
0x174: {  	v49 =	vld.idx.msk [tilespmem:v56+s14+$0x0], $0xffff;
	v56 =	vor.u32 v24, v46;
	v1 =	vadd.f32 v52, v1;
	v53 =	vmul.f32 v47, v47  }
0x175: {  	v40 =	vadd.f32 v47, v40;
	v47 =	vld.idx.msk [tilespmem:v55+s14+$0x0], $0xffff;
	v35 =	vadd.f32 v61, v35  }
0x176: {  	v61 =	vmul.f32 v52, v52;
	v33 =	vadd.f32 v53, v33;
	v52 =	vld.idx.msk [tilespmem:v58+s14+$0x0], $0xffff;
	v53 =	vor.u32 v22, v46  }
0x177: {  	v37 =	vadd.f32 v44, v37;
	v55 =	vor.u32 v21, v46;
	v58 =	vmul.f32 v43, v43  }
0x178: {  	v3 =	vadd.f32 v43, v3;
	v50 =	vld.idx.msk [tilespmem:v50+s14+$0x0], $0xffff;
	v46 =	vor.u32 v20, v46;
	v36 =	vadd.f32 v61, v36  }
0x179: {  	v61 =	vmul.f32 v49, v49;
	v6 =	vadd.f32 v58, v6;
	v44 =	vld.idx.msk [tilespmem:v56+s14+$0x0], $0xffff;
	v58 =	vsel vm15, $0x40, v2  }
0x17a: {  	v34 =	vadd.f32 v49, v34;
	v43 =	vmul.f32 v47, v47;
	v49 =	vor.u32 v7, v58  }
0x17b: {  	v8 =	vadd.f32 v61, v8;
	v56 =	vor.u32 v26, v49;
	v61 =	vmul.f32 v52, v52;
	v53 =	vld.idx.msk [tilespmem:v53+s14+$0x0], $0xffff  }
0x17c: {  	v29 =	vadd.f32 v43, v29;
	v38 =	vadd.f32 v52, v38;
	v43 =	vld.idx.msk [tilespmem:v55+s14+$0x0], $0xffff;
	v52 =	vor.u32 v27, v49  }
0x17d: {  	v28 =	vadd.f32 v47, v28;
	v47 =	vmul.f32 v50, v50;
	v46 =	vld.idx.msk [tilespmem:v46+s14+$0x0], $0xffff;
	v55 =	vor.u32 v25, v49  }
0x17e: {  	v31 =	vadd.f32 v61, v31;
	v61 =	vmul.f32 v44, v44  }
0x17f: {  	v37 =	vadd.f32 v50, v37;
	v58 =	vor.u32 v23, v49;
	v32 =	vadd.f32 v47, v32  }
0x180: {  	v50 =	vor.u32 v24, v49;
	v41 =	vadd.f32 v44, v41;
	v35 =	vadd.f32 v61, v35;
	v47 =	vld.idx.msk [tilespmem:v56+s14+$0x0], $0xffff  }
0x181: {  	v56 =	vor.u32 v22, v49;
	v61 =	vmul.f32 v53, v53;
	v40 =	vadd.f32 v53, v40;
	v52 =	vld.idx.msk [tilespmem:v52+s14+$0x0], $0xffff  }
0x182: {  	v53 =	vmul.f32 v43, v43;
	v44 =	vmul.f32 v46, v46;
	v55 =	vld.idx.msk [tilespmem:v55+s14+$0x0], $0xffff;
	v1 =	vadd.f32 v43, v1  }
0x183: {  	v3 =	vadd.f32 v46, v3;
	v33 =	vadd.f32 v61, v33;
	v61 =	vor.u32 v21, v49  }
0x184: {  	v43 =	vld.idx.msk [tilespmem:v58+s14+$0x0], $0xffff;
	v58 =	vsel vm0, $0x40, v2;
	v36 =	vadd.f32 v53, v36;
	v49 =	vor.u32 v20, v49  }
0x185: {  	v50 =	vld.idx.msk [tilespmem:v50+s14+$0x0], $0xffff;
	v6 =	vadd.f32 v44, v6;
	v44 =	vor.u32 v9, v58;
	v46 =	vmul.f32 v47, v47  }
0x186: {  	v34 =	vadd.f32 v47, v34;
	v53 =	vld.idx.msk [tilespmem:v56+s14+$0x0], $0xffff;
	v56 =	vor.u32 v26, v44;
	v47 =	vmul.f32 v52, v52  }
0x187: {  	v8 =	vadd.f32 v46, v8;
	v46 =	vmul.f32 v55, v55  }
0x188: {  	v58 =	vor.u32 v27, v44;
	v28 =	vadd.f32 v52, v28;
	v52 =	vld.idx.msk [tilespmem:v61+s14+$0x0], $0xffff;
	v29 =	vadd.f32 v47, v29  }
0x189: {  	v61 =	vmul.f32 v43, v43;
	v47 =	vld.idx.msk [tilespmem:v49+s14+$0x0], $0xffff;
	v31 =	vadd.f32 v46, v31;
	v46 =	vor.u32 v25, v44  }
0x18a: {  	v41 =	vadd.f32 v50, v41;
	v38 =	vadd.f32 v55, v38;
	v55 =	vor.u32 v23, v44  }
0x18b: {  	v32 =	vadd.f32 v61, v32;
	v61 =	vmul.f32 v50, v50;
	v49 =	vmul.f32 v53, v53;
	v50 =	vld.idx.msk [tilespmem:v56+s14+$0x0], $0xffff  }
0x18c: {  	v37 =	vadd.f32 v43, v37;
	v56 =	vor.u32 v24, v44;
	v40 =	vadd.f32 v53, v40  }
0x18d: {  	v53 =	vor.u32 v22, v44;
	v35 =	vadd.f32 v61, v35;
	v33 =	vadd.f32 v49, v33;
	v49 =	vld.idx.msk [tilespmem:v58+s14+$0x0], $0xffff  }
0x18e: {  	v61 =	vmul.f32 v52, v52;
	v1 =	vadd.f32 v52, v1;
	v3 =	vadd.f32 v47, v3;
	v43 =	vld.idx.msk [tilespmem:v46+s14+$0x0], $0xffff  }
0x18f: {  	v46 =	vmul.f32 v47, v47;
	v47 =	vor.u32 v21, v44;
	v44 =	vor.u32 v20, v44  }
0x190: {  	v55 =	vld.idx.msk [tilespmem:v55+s14+$0x0], $0xffff;
	v36 =	vadd.f32 v61, v36;
	v52 =	vmul.f32 v50, v50;
	v61 =	vsel vm1, $0x40, v2  }
0x191: {  	v34 =	vadd.f32 v50, v34;
	v6 =	vadd.f32 v46, v6;
	v46 =	vld.idx.msk [tilespmem:v56+s14+$0x0], $0xffff;
	v50 =	vor.u32 v10, v61  }
0x192: {  	v53 =	vld.idx.msk [tilespmem:v53+s14+$0x0], $0xffff;
	v8 =	vadd.f32 v52, v8;
	v56 =	vor.u32 v26, v50  }
0x193: {  	v52 =	vmul.f32 v49, v49;
	v58 =	vor.u32 v27, v50;
	v61 =	vmul.f32 v43, v43  }
0x194: {  	v28 =	vadd.f32 v49, v28;
	v49 =	vor.u32 v25, v50;
	v38 =	vadd.f32 v43, v38;
	v43 =	vld.idx.msk [tilespmem:v47+s14+$0x0], $0xffff  }
0x195: {  	v37 =	vadd.f32 v55, v37;
	v44 =	vld.idx.msk [tilespmem:v44+s14+$0x0], $0xffff;
	v31 =	vadd.f32 v61, v31;
	v61 =	vmul.f32 v55, v55  }
0x196: {  	v29 =	vadd.f32 v52, v29;
	v52 =	vmul.f32 v46, v46;
	v55 =	vor.u32 v23, v50  }
0x197: {  	v40 =	vadd.f32 v53, v40;
	v47 =	vld.idx.msk [tilespmem:v56+s14+$0x0], $0xffff;
	v32 =	vadd.f32 v61, v32  }
0x198: {  	v61 =	vmul.f32 v53, v53;
	v35 =	vadd.f32 v52, v35;
	v52 =	vld.idx.msk [tilespmem:v58+s14+$0x0], $0xffff;
	v53 =	vor.u32 v24, v50  }
0x199: {  	v41 =	vadd.f32 v46, v41;
	v56 =	vor.u32 v22, v50;
	v46 =	vmul.f32 v43, v43  }
0x19a: {  	v49 =	vld.idx.msk [tilespmem:v49+s14+$0x0], $0xffff;
	v58 =	vor.u32 v21, v50;
	v1 =	vadd.f32 v43, v1;
	v3 =	vadd.f32 v44, v3  }
0x19b: {  	v33 =	vadd.f32 v61, v33;
	v61 =	vmul.f32 v44, v44;
	v36 =	vadd.f32 v46, v36;
	v44 =	vld.idx.msk [tilespmem:v55+s14+$0x0], $0xffff  }
0x19c: {  	v46 =	vor.u32 v20, v50;
	v50 =	vsel vm2, $0x40, v2;
	v43 =	vmul.f32 v47, v47  }
0x19d: {  	v6 =	vadd.f32 v61, v6;
	v50 =	vor.u32 v11, v50;
	v61 =	vmul.f32 v52, v52;
	v53 =	vld.idx.msk [tilespmem:v53+s14+$0x0], $0xffff  }
0x19e: {  	v28 =	vadd.f32 v52, v28;
	v52 =	vor.u32 v26, v50;
	v8 =	vadd.f32 v43, v8;
	v43 =	vld.idx.msk [tilespmem:v56+s14+$0x0], $0xffff  }
0x19f: {  	v34 =	vadd.f32 v47, v34;
	v47 =	vmul.f32 v49, v49;
	v55 =	vld.idx.msk [tilespmem:v58+s14+$0x0], $0xffff;
	v56 =	vor.u32 v27, v50  }
0x1a0: {  	v58 =	vor.u32 v25, v50;
	v29 =	vadd.f32 v61, v29;
	v61 =	vmul.f32 v44, v44  }
0x1a1: {  	v31 =	vadd.f32 v47, v31;
	v47 =	vor.u32 v23, v50;
	v46 =	vld.idx.msk [tilespmem:v46+s14+$0x0], $0xffff  }
0x1a2: {  	v37 =	vadd.f32 v44, v37;
	v32 =	vadd.f32 v61, v32;
	v44 =	vmul.f32 v53, v53  }
0x1a3: {  	v41 =	vadd.f32 v53, v41;
	v52 =	vld.idx.msk [tilespmem:v52+s14+$0x0], $0xffff;
	v53 =	vor.u32 v24, v50;
	v61 =	vmul.f32 v43, v43  }
0x1a4: {  	v40 =	vadd.f32 v43, v40;
	v43 =	vmul.f32 v55, v55;
	v35 =	vadd.f32 v44, v35;
	v44 =	vld.idx.msk [tilespmem:v56+s14+$0x0], $0xffff  }
0x1a5: {  	v38 =	vadd.f32 v49, v38;
	v56 =	vld.idx.msk [tilespmem:v58+s14+$0x0], $0xffff;
	v58 =	vor.u32 v22, v50;
	v33 =	vadd.f32 v61, v33  }
0x1a6: {  	v61 =	vmul.f32 v46, v46;
	v36 =	vadd.f32 v43, v36;
	v43 =	vor.u32 v21, v50  }
0x1a7: {  	v3 =	vadd.f32 v46, v3;
	v46 =	vld.idx.msk [tilespmem:v47+s14+$0x0], $0xffff;
	v47 =	vsel vm3, $0x40, v2;
	v50 =	vor.u32 v20, v50  }
0x1a8: {  	v47 =	vor.u32 v12, v47;
	v6 =	vadd.f32 v61, v6;
	v61 =	vmul.f32 v52, v52;
	v53 =	vld.idx.msk [tilespmem:v53+s14+$0x0], $0xffff  }
0x1a9: {  	v1 =	vadd.f32 v55, v1;
	v34 =	vadd.f32 v52, v34;
	v55 =	vor.u32 v26, v47  }
0x1aa: {  	v52 =	vmul.f32 v44, v44;
	v8 =	vadd.f32 v61, v8;
	v28 =	vadd.f32 v44, v28;
	v49 =	vld.idx.msk [tilespmem:v58+s14+$0x0], $0xffff  }
0x1ab: {  	v61 =	vmul.f32 v56, v56;
	v38 =	vadd.f32 v56, v38;
	v56 =	vor.u32 v25, v47;
	v43 =	vld.idx.msk [tilespmem:v43+s14+$0x0], $0xffff  }
0x1ac: {  	v44 =	vmul.f32 v46, v46;
	v29 =	vadd.f32 v52, v29;
	v52 =	vor.u32 v27, v47  }
0x1ad: {  	v58 =	vor.u32 v23, v47;
	v50 =	vld.idx.msk [tilespmem:v50+s14+$0x0], $0xffff;
	v31 =	vadd.f32 v61, v31;
	v61 =	vmul.f32 v53, v53  }
0x1ae: {  	v32 =	vadd.f32 v44, v32;
	v41 =	vadd.f32 v53, v41;
	v44 =	vld.idx.msk [tilespmem:v55+s14+$0x0], $0xffff;
	v53 =	vor.u32 v24, v47  }
0x1af: {  	v37 =	vadd.f32 v46, v37;
	v55 =	vor.u32 v22, v47;
	v46 =	vmul.f32 v49, v49  }
0x1b0: {  	v35 =	vadd.f32 v61, v35;
	v61 =	vmul.f32 v43, v43;
	v1 =	vadd.f32 v43, v1;
	v43 =	vld.idx.msk [tilespmem:v56+s14+$0x0], $0xffff  }
0x1b1: {  	v40 =	vadd.f32 v49, v40;
	v52 =	vld.idx.msk [tilespmem:v52+s14+$0x0], $0xffff;
	v33 =	vadd.f32 v46, v33;
	v46 =	vor.u32 v21, v47  }
0x1b2: {  	v49 =	vmul.f32 v50, v50;
	v56 =	vld.idx.msk [tilespmem:v58+s14+$0x0], $0xffff;
	v3 =	vadd.f32 v50, v3;
	v36 =	vadd.f32 v61, v36  }
0x1b3: {  	v50 =	vmul.f32 v44, v44;
	v61 =	vsel vm4, $0x40, v2;
	v34 =	vadd.f32 v44, v34;
	v44 =	vld.idx.msk [tilespmem:v53+s14+$0x0], $0xffff  }
0x1b4: {  	v47 =	vor.u32 v20, v47;
	v6 =	vadd.f32 v49, v6;
	v49 =	vor.u32 v13, v61  }
0x1b5: {  	v53 =	vld.idx.msk [tilespmem:v55+s14+$0x0], $0xffff;
	v8 =	vadd.f32 v50, v8;
	v55 =	vor.u32 v26, v49  }
0x1b6: {  	v58 =	vor.u32 v27, v49;
	v50 =	vor.u32 v25, v49;
	v61 =	vmul.f32 v52, v52;
	v46 =	vld.idx.msk [tilespmem:v46+s14+$0x0], $0xffff  }
0x1b7: {  	v38 =	vadd.f32 v43, v38;
	v28 =	vadd.f32 v52, v28;
	v52 =	vmul.f32 v43, v43  }
0x1b8: {  	v37 =	vadd.f32 v56, v37;
	v43 =	vmul.f32 v44, v44;
	v29 =	vadd.f32 v61, v29  }
0x1b9: {  	v47 =	vld.idx.msk [tilespmem:v47+s14+$0x0], $0xffff;
	v61 =	vmul.f32 v56, v56;
	v31 =	vadd.f32 v52, v31;
	v52 =	vor.u32 v23, v49  }
0x1ba: {  	v40 =	vadd.f32 v53, v40;
	v56 =	vor.u32 v24, v49;
	v55 =	vld.idx.msk [tilespmem:v55+s14+$0x0], $0xffff;
	v35 =	vadd.f32 v43, v35  }
0x1bb: {  	v32 =	vadd.f32 v61, v32;
	v61 =	vmul.f32 v53, v53;
	v53 =	vld.idx.msk [tilespmem:v58+s14+$0x0], $0xffff;
	v43 =	vmul.f32 v46, v46  }
0x1bc: {  	v41 =	vadd.f32 v44, v41;
	v58 =	vor.u32 v22, v49  }
0x1bd: {  	v1 =	vadd.f32 v46, v1;
	v46 =	vor.u32 v21, v49;
	v36 =	vadd.f32 v43, v36;
	v43 =	vld.idx.msk [tilespmem:v50+s14+$0x0], $0xffff  }
0x1be: {  	v3 =	vadd.f32 v47, v3;
	v33 =	vadd.f32 v61, v33;
	v61 =	vmul.f32 v47, v47;
	v44 =	vld.idx.msk [tilespmem:v52+s14+$0x0], $0xffff  }
0x1bf: {  	v49 =	vor.u32 v20, v49;
	v50 =	vld.idx.msk [tilespmem:v56+s14+$0x0], $0xffff;
	v52 =	vsel vm5, $0x40, v2;
	v47 =	vmul.f32 v55, v55  }
0x1c0: {  	v6 =	vadd.f32 v61, v6;
	v52 =	vor.u32 v14, v52;
	v61 =	vmul.f32 v53, v53  }
0x1c1: {  	v28 =	vadd.f32 v53, v28;
	v53 =	vor.u32 v26, v52;
	v8 =	vadd.f32 v47, v8;
	v47 =	vld.idx.msk [tilespmem:v58+s14+$0x0], $0xffff  }
0x1c2: {  	v34 =	vadd.f32 v55, v34;
	v56 =	vor.u32 v27, v52;
	v46 =	vld.idx.msk [tilespmem:v46+s14+$0x0], $0xffff;
	v58 =	vor.u32 v25, v52  }
0x1c3: {  	v29 =	vadd.f32 v61, v29;
	v55 =	vmul.f32 v43, v43;
	v38 =	vadd.f32 v43, v38  }
0x1c4: {  	v49 =	vld.idx.msk [tilespmem:v49+s14+$0x0], $0xffff;
	v61 =	vmul.f32 v44, v44;
	v37 =	vadd.f32 v44, v37;
	v41 =	vadd.f32 v50, v41  }
0x1c5: {  	v43 =	vor.u32 v23, v52;
	v31 =	vadd.f32 v55, v31;
	v55 =	vmul.f32 v50, v50  }
0x1c6: {  	v32 =	vadd.f32 v61, v32;
	v50 =	vld.idx.msk [tilespmem:v53+s14+$0x0], $0xffff;
	v53 =	vor.u32 v24, v52;
	v44 =	vmul.f32 v47, v47  }
0x1c7: {  	v40 =	vadd.f32 v47, v40;
	v61 =	vmul.f32 v46, v46;
	v1 =	vadd.f32 v46, v1  }
0x1c8: {  	v47 =	vor.u32 v21, v52;
	v35 =	vadd.f32 v55, v35;
	v55 =	vld.idx.msk [tilespmem:v56+s14+$0x0], $0xffff;
	v56 =	vor.u32 v22, v52  }
0x1c9: {  	v33 =	vadd.f32 v44, v33;
	v44 =	vld.idx.msk [tilespmem:v58+s14+$0x0], $0xffff;
	v36 =	vadd.f32 v61, v36;
	v61 =	vmul.f32 v49, v49  }
0x1ca: {  	v3 =	vadd.f32 v49, v3;
	v43 =	vld.idx.msk [tilespmem:v43+s14+$0x0], $0xffff;
	v49 =	vor.u32 v20, v52;
	v58 =	vsel vm6, $0x40, v2  }
0x1cb: {  	v52 =	vor.u32 v15, v58;
	v6 =	vadd.f32 v61, v6;
	v46 =	vmul.f32 v50, v50;
	v53 =	vld.idx.msk [tilespmem:v53+s14+$0x0], $0xffff  }
0x1cc: {  	v34 =	vadd.f32 v50, v34;
	v58 =	vor.u32 v26, v52;
	v50 =	vor.u32 v25, v52  }
0x1cd: {  	v61 =	vmul.f32 v55, v55;
	v56 =	vld.idx.msk [tilespmem:v56+s14+$0x0], $0xffff;
	v8 =	vadd.f32 v46, v8;
	v28 =	vadd.f32 v55, v28  }
0x1ce: {  	v55 =	vmul.f32 v44, v44;
	v38 =	vadd.f32 v44, v38;
	v44 =	vld.idx.msk [tilespmem:v47+s14+$0x0], $0xffff;
	v47 =	vor.u32 v27, v52  }
0x1cf: {  	v37 =	vadd.f32 v43, v37;
	v29 =	vadd.f32 v61, v29;
	v61 =	vmul.f32 v43, v43  }
0x1d0: {  	v49 =	vld.idx.msk [tilespmem:v49+s14+$0x0], $0xffff;
	v31 =	vadd.f32 v55, v31;
	v43 =	vmul.f32 v53, v53;
	v55 =	vor.u32 v23, v52  }
0x1d1: {  	v41 =	vadd.f32 v53, v41;
	v32 =	vadd.f32 v61, v32  }
0x1d2: {  	v53 =	vld.idx.msk [tilespmem:v58+s14+$0x0], $0xffff;
	v61 =	vmul.f32 v56, v56;
	v35 =	vadd.f32 v43, v35;
	v43 =	vor.u32 v24, v52  }
0x1d3: {  	v50 =	vld.idx.msk [tilespmem:v50+s14+$0x0], $0xffff;
	v40 =	vadd.f32 v56, v40;
	v56 =	vor.u32 v22, v52;
	v46 =	vmul.f32 v44, v44  }
0x1d4: {  	v58 =	vor.u32 v21, v52;
	v47 =	vld.idx.msk [tilespmem:v47+s14+$0x0], $0xffff  }
0x1d5: {  	v33 =	vadd.f32 v61, v33;
	v61 =	vmul.f32 v49, v49;
	v36 =	vadd.f32 v46, v36;
	v46 =	vld.idx.msk [tilespmem:v55+s14+$0x0], $0xffff  }
0x1d6: {  	v52 =	vor.u32 v20, v52;
	v1 =	vadd.f32 v44, v1;
	v3 =	vadd.f32 v49, v3  }
0x1d7: {  	v44 =	vmul.f32 v53, v53;
	v6 =	vadd.f32 v61, v6;
	v61 =	vsel vm7, $0x40, v2;
	v43 =	vld.idx.msk [tilespmem:v43+s14+$0x0], $0xffff  }
0x1d8: {  	v34 =	vadd.f32 v53, v34;
	v38 =	vadd.f32 v50, v38;
	v49 =	vor.u32 v18, v61;
	v53 =	vld.idx.msk [tilespmem:v56+s14+$0x0], $0xffff  }
0x1d9: {  	v8 =	vadd.f32 v44, v8;
	v61 =	vmul.f32 v50, v50;
	v56 =	vld.idx.msk [tilespmem:v58+s14+$0x0], $0xffff;
	v44 =	vmul.f32 v47, v47  }
0x1da: {  	v55 =	vor.u32 v26, v49;
	v28 =	vadd.f32 v47, v28;
	v50 =	vmul.f32 v46, v46  }
0x1db: {  	v58 =	vor.u32 v27, v49;
	v47 =	vld.idx.msk [tilespmem:v52+s14+$0x0], $0xffff;
	v31 =	vadd.f32 v61, v31;
	v29 =	vadd.f32 v44, v29  }
0x1dc: {  	v37 =	vadd.f32 v46, v37;
	v46 =	vor.u32 v25, v49;
	v32 =	vadd.f32 v50, v32  }
0x1dd: {  	v61 =	vmul.f32 v43, v43;
	v50 =	vor.u32 v23, v49;
	v41 =	vadd.f32 v43, v41  }
0x1de: {  	v43 =	vmul.f32 v53, v53;
	v44 =	vmul.f32 v56, v56;
	v40 =	vadd.f32 v53, v40  }
0x1df: {  	v1 =	vadd.f32 v56, v1;
	v56 =	vsel vm8, $0x40, v2;
	v52 =	vld.idx.msk [tilespmem:v55+s14+$0x0], $0xffff;
	v55 =	vor.u32 v24, v49  }
0x1e0: {  	v53 =	vmul.f32 v47, v47;
	v35 =	vadd.f32 v61, v35;
	v61 =	vor.u32 v22, v49  }
0x1e1: {  	v58 =	vld.idx.msk [tilespmem:v58+s14+$0x0], $0xffff;
	v3 =	vadd.f32 v47, v3;
	v33 =	vadd.f32 v43, v33;
	v43 =	vor.u32 v21, v49  }
0x1e2: {  	v36 =	vadd.f32 v44, v36;
	v49 =	vor.u32 v20, v49;
	v44 =	vld.idx.msk [tilespmem:v46+s14+$0x0], $0xffff;
	v46 =	vor.u32 v19, v56  }
0x1e3: {  	v6 =	vadd.f32 v53, v6;
	v26 =	vor.u32 v26, v46;
	v27 =	vor.u32 v27, v46;
	v50 =	vld.idx.msk [tilespmem:v50+s14+$0x0], $0xffff  }
0x1e4: {  	v25 =	vor.u32 v25, v46;
	v23 =	vor.u32 v23, v46;
	v24 =	vor.u32 v24, v46;
	v55 =	vld.idx.msk [tilespmem:v55+s14+$0x0], $0xffff  }
0x1e5: {  	v22 =	vor.u32 v22, v46;
	v21 =	vor.u32 v21, v46;
	v47 =	vmul.f32 v52, v52;
	v56 =	vld.idx.msk [tilespmem:v61+s14+$0x0], $0xffff  }
0x1e6: {  	v20 =	vor.u32 v20, v46;
	v53 =	vmul.f32 v58, v58;
	v34 =	vadd.f32 v52, v34;
	v43 =	vld.idx.msk [tilespmem:v43+s14+$0x0], $0xffff  }
0x1e7: {  	v28 =	vadd.f32 v58, v28;
	v49 =	vld.idx.msk [tilespmem:v49+s14+$0x0], $0xffff;
	v8 =	vadd.f32 v47, v8;
	v52 =	vmul.f32 v44, v44  }
0x1e8: {  	v29 =	vadd.f32 v53, v29;
	v38 =	vadd.f32 v44, v38;
	v26 =	vld.idx.msk [tilespmem:v26+s14+$0x0], $0xffff;
	v53 =	vmul.f32 v50, v50  }
0x1e9: {  	v27 =	vld.idx.msk [tilespmem:v27+s14+$0x0], $0xffff;
	v31 =	vadd.f32 v52, v31;
	v37 =	vadd.f32 v50, v37;
	v58 =	vmul.f32 v55, v55  }
0x1ea: {  	v41 =	vadd.f32 v55, v41;
	v32 =	vadd.f32 v53, v32;
	v61 =	vmul.f32 v56, v56  }
0x1eb: {  	v25 =	vld.idx.msk [tilespmem:v25+s14+$0x0], $0xffff;
	v50 =	vmul.f32 v43, v43;
	v40 =	vadd.f32 v56, v40;
	v1 =	vadd.f32 v43, v1  }
0x1ec: {  	v52 =	vmul.f32 v49, v49;
	v3 =	vadd.f32 v49, v3;
	v35 =	vadd.f32 v58, v35  }
0x1ed: {  	v23 =	vld.idx.msk [tilespmem:v23+s14+$0x0], $0xffff;
	v33 =	vadd.f32 v61, v33;
	v53 =	vmul.f32 v26, v26;
	v26 =	vadd.f32 v26, v34  }
0x1ee: {  	v36 =	vadd.f32 v50, v36;
	v55 =	vmul.f32 v27, v27;
	v6 =	vadd.f32 v52, v6  }
0x1ef: {  	v24 =	vld.idx.msk [tilespmem:v24+s14+$0x0], $0xffff;
	v27 =	vadd.f32 v27, v28;
	v8 =	vadd.f32 v53, v8;
	v26 =	vmul.f32 v26, v26  }
0x1f0: {  	v28 =	vadd.f32 v55, v29;
	v29 =	vadd.f32 v25, v38;
	v25 =	vmul.f32 v25, v25  }
0x1f1: {  	v22 =	vld.idx.msk [tilespmem:v22+s14+$0x0], $0xffff;
	v17 =	vadd.f32 v26, v17;
	v8 =	vadd.f32 v8, v16;
	v16 =	vmul.f32 v27, v27  }
0x1f2: {  	v56 =	vadd.f32 v23, v37;
	v23 =	vmul.f32 v23, v23;
	v25 =	vadd.f32 v25, v31  }
0x1f3: {  	v21 =	vld.idx.msk [tilespmem:v21+s14+$0x0], $0xffff;
	v16 =	vadd.f32 v16, v17;
	v8 =	vadd.f32 v28, v8;
	v17 =	vmul.f32 v29, v29  }
0x1f4: {  	v58 =	vadd.f32 v24, v41;
	v24 =	vmul.f32 v24, v24;
	v23 =	vadd.f32 v23, v32  }
0x1f5: {  	v20 =	vld.idx.msk [tilespmem:v20+s14+$0x0], $0xffff;
	v16 =	vadd.f32 v17, v16;
	v8 =	vadd.f32 v25, v8;
	v17 =	vmul.f32 v56, v56  }
0x1f6: {  	v61 =	vadd.f32 v22, v40;
	v22 =	vmul.f32 v22, v22;
	v24 =	vadd.f32 v24, v35  }
0x1f7: {  	v16 =	vadd.f32 v17, v16;
	v8 =	vadd.f32 v23, v8;
	v17 =	vmul.f32 v58, v58  }
0x1f8: {  	v1 =	vadd.f32 v21, v1;
	v21 =	vmul.f32 v21, v21;
	v22 =	vadd.f32 v22, v33  }
0x1f9: {  	v16 =	vadd.f32 v17, v16;
	v8 =	vadd.f32 v24, v8;
	v17 =	vmul.f32 v61, v61  }
0x1fa: {  	p2 =	sne.s32 s29, $0x38;
	v3 =	vadd.f32 v20, v3;
	v20 =	vmul.f32 v20, v20;
	v21 =	vadd.f32 v21, v36  }
.Ltmp4:
0x1fb: {  	v1 =	vmul.f32 v1, v1;
	v16 =	vadd.f32 v17, v16;
	v8 =	vadd.f32 v22, v8;
	(pc) =	sbr.rel @p2 .LBB2_4-.Ltmp4, $3  }
0x1fc: {  	v6 =	vadd.f32 v20, v6  }
0x1fd: {  	v3 =	vmul.f32 v3, v3;
	v1 =	vadd.f32 v1, v16;
	v8 =	vadd.f32 v21, v8;
	_ =	sdelay $0x1  }
0x1fe: {  	s29 =	sadd.s32 $0x8, s29;
	v17 =	vadd.f32 v3, v1;
	v16 =	vadd.f32 v6, v8  }
0x1ff: {  	v1 =	vld [tilespmem:$0x1FC00];
	_ =	sdelay $0x1  }
0x200: {  	v3 =	vld [tilespmem:$0x1FC10];
	_ =	sdelay $0x5  }
0x201: {  	v1 =	vld.idx.msk [tilespmem:v1+s15+$0x0], $0xffff;
	_ =	sdelay $0x1  }
0x202: {  	v3 =	vld.idx.msk [tilespmem:v3+s15+$0x0], $0xffff  }
0x203: {  	v4 =	vld [tilespmem:$0x1FC30];
	_ =	sdelay $0x1  }
0x204: {  	v5 =	vld [tilespmem:$0x1FC50];
	v1 =	vadd.f32 $0.0e+00, v1;
	_ =	sdelay $0x1  }
0x205: {  	v1 =	vadd.f32 v3, v1;
	v3 =	vld [tilespmem:$0x1FC60];
	_ =	sdelay $0x3  }
0x206: {  	v4 =	vld.idx.msk [tilespmem:v4+s15+$0x0], $0xffff;
	_ =	sdelay $0x1  }
0x207: {  	v5 =	vld.idx.msk [tilespmem:v5+s15+$0x0], $0xffff;
	_ =	sdelay $0x1  }
0x208: {  	v3 =	vld.idx.msk [tilespmem:v3+s15+$0x0], $0xffff  }
0x209: {  	v48 =	vld [tilespmem:$0x1FC70];
	v1 =	vadd.f32 v4, v1;
	_ =	sdelay $0x1  }
0x20a: {  	v49 =	vld [tilespmem:$0x1FC80];
	v1 =	vadd.f32 v5, v1;
	_ =	sdelay $0x1  }
0x20b: {  	v1 =	vadd.f32 v3, v1;
	v3 =	vld [tilespmem:$0x1FC90];
	_ =	sdelay $0x3  }
0x20c: {  	v4 =	vld.idx.msk [tilespmem:v48+s15+$0x0], $0xffff;
	_ =	sdelay $0x1  }
0x20d: {  	v5 =	vld.idx.msk [tilespmem:v49+s15+$0x0], $0xffff;
	_ =	sdelay $0x1  }
0x20e: {  	v3 =	vld.idx.msk [tilespmem:v3+s15+$0x0], $0xffff  }
0x20f: {  	v50 =	vld [tilespmem:$0x1FCA0];
	v1 =	vadd.f32 v4, v1;
	_ =	sdelay $0x1  }
0x210: {  	v51 =	vld [tilespmem:$0x1FCB0];
	v1 =	vadd.f32 v5, v1;
	_ =	sdelay $0x1  }
0x211: {  	v1 =	vadd.f32 v3, v1;
	v3 =	vld [tilespmem:$0x1FCC0];
	_ =	sdelay $0x3  }
0x212: {  	v4 =	vld.idx.msk [tilespmem:v50+s15+$0x0], $0xffff;
	_ =	sdelay $0x1  }
0x213: {  	v5 =	vld.idx.msk [tilespmem:v51+s15+$0x0], $0xffff;
	_ =	sdelay $0x1  }
0x214: {  	v3 =	vld.idx.msk [tilespmem:v3+s15+$0x0], $0xffff  }
0x215: {  	v52 =	vld [tilespmem:$0x1FCD0];
	v1 =	vadd.f32 v4, v1;
	_ =	sdelay $0x1  }
0x216: {  	v53 =	vld [tilespmem:$0x1FCE0];
	v1 =	vadd.f32 v5, v1;
	_ =	sdelay $0x1  }
0x217: {  	v1 =	vadd.f32 v3, v1;
	v3 =	vld [tilespmem:$0x1FCF0];
	_ =	sdelay $0x3  }
0x218: {  	v4 =	vld.idx.msk [tilespmem:v52+s15+$0x0], $0xffff;
	_ =	sdelay $0x1  }
0x219: {  	v5 =	vld.idx.msk [tilespmem:v53+s15+$0x0], $0xffff;
	_ =	sdelay $0x1  }
0x21a: {  	v3 =	vld.idx.msk [tilespmem:v3+s15+$0x0], $0xffff  }
0x21b: {  	v54 =	vld [tilespmem:$0x1FD00];
	v1 =	vadd.f32 v4, v1;
	_ =	sdelay $0x1  }
0x21c: {  	v55 =	vld [tilespmem:$0x1FD10];
	v1 =	vadd.f32 v5, v1;
	_ =	sdelay $0x1  }
0x21d: {  	v1 =	vadd.f32 v3, v1;
	v3 =	vld [tilespmem:$0x1FD20];
	_ =	sdelay $0x3  }
0x21e: {  	v4 =	vld.idx.msk [tilespmem:v54+s15+$0x0], $0xffff;
	_ =	sdelay $0x1  }
0x21f: {  	v5 =	vld.idx.msk [tilespmem:v55+s15+$0x0], $0xffff;
	_ =	sdelay $0x1  }
0x220: {  	v3 =	vld.idx.msk [tilespmem:v3+s15+$0x0], $0xffff  }
0x221: {  	v56 =	vld [tilespmem:$0x1FD30];
	v1 =	vadd.f32 v4, v1;
	_ =	sdelay $0x1  }
0x222: {  	v57 =	vld [tilespmem:$0x1FD40];
	v1 =	vadd.f32 v5, v1;
	_ =	sdelay $0x1  }
0x223: {  	v1 =	vadd.f32 v3, v1;
	v3 =	vld [tilespmem:$0x1FD50];
	_ =	sdelay $0x3  }
0x224: {  	v4 =	vld.idx.msk [tilespmem:v56+s15+$0x0], $0xffff;
	_ =	sdelay $0x1  }
0x225: {  	v5 =	vld.idx.msk [tilespmem:v57+s15+$0x0], $0xffff;
	_ =	sdelay $0x1  }
0x226: {  	v3 =	vld.idx.msk [tilespmem:v3+s15+$0x0], $0xffff  }
0x227: {  	v58 =	vld [tilespmem:$0x1FD60];
	v1 =	vadd.f32 v4, v1;
	_ =	sdelay $0x1  }
0x228: {  	v59 =	vld [tilespmem:$0x1FDD0];
	v1 =	vadd.f32 v5, v1;
	_ =	sdelay $0x1  }
0x229: {  	v1 =	vadd.f32 v3, v1;
	v3 =	vld [tilespmem:$0x1FE10];
	_ =	sdelay $0x3  }
0x22a: {  	v4 =	vld.idx.msk [tilespmem:v58+s15+$0x0], $0xffff;
	_ =	sdelay $0x1  }
0x22b: {  	v5 =	vld.idx.msk [tilespmem:v59+s15+$0x0], $0xffff;
	_ =	sdelay $0x1  }
0x22c: {  	v3 =	vld.idx.msk [tilespmem:v3+s15+$0x0], $0xffff  }
0x22d: {  	v60 =	vld [tilespmem:$0x1FE30];
	v1 =	vadd.f32 v4, v1;
	_ =	sdelay $0x1  }
0x22e: {  	v61 =	vld [tilespmem:$0x1FE40];
	v1 =	vadd.f32 v5, v1;
	_ =	sdelay $0x1  }
0x22f: {  	v1 =	vadd.f32 v3, v1;
	v3 =	vld [tilespmem:$0x1FE50];
	_ =	sdelay $0x3  }
0x230: {  	v4 =	vld.idx.msk [tilespmem:v60+s15+$0x0], $0xffff;
	_ =	sdelay $0x1  }
0x231: {  	v5 =	vld.idx.msk [tilespmem:v61+s15+$0x0], $0xffff;
	_ =	sdelay $0x1  }
0x232: {  	v3 =	vld.idx.msk [tilespmem:v3+s15+$0x0], $0xffff  }
0x233: {  	v1 =	vadd.f32 v4, v1;
	_ =	sdelay $0x1  }
0x234: {  	v62 =	vsub.f32 v17, v16;
	v1 =	vadd.f32 v5, v1  }
0x235: {  	v63 =	vld [tilespmem:$0x1BE00]  }
0x236: {  	v1 =	vadd.f32 v3, v1;
	v3 =	vmul.f32 $5.000000000e-01, v62;
	_ =	sdelay $0x1  }
0x237: {  	v1 =	vadd.f32 v1, v3;
	_ =	sdelay $0x1  }
0x238: {  	v1 =	vadd.f32 v1, v63  }
0x239: {  	s20 =	sshll.u32 s20, $0x1  }
.Ltmp5:
0x23a: {  	s20 =	sadd.s32 s20, s8;
	[tilespmem:$0x1BD80] =	vst v1;
	(pc) =	sbr.rel @!p1 .LBB2_7-.Ltmp5, $4  }
0x23b: {  	[hbm4b:s20+s3] =	stream.linear.scatter [tilespmem:s18], [sflag:$0x3], $0x10, $0x38;
	[tilespmem:$0x1BE80] =	vst v63  }
0x23c: {  	_ =	swait.ge [sflag:s11], $0x10  }
0x23d: {  	[sflag:s11] =	ssyncset.done $0x0  }
0x23e: {  	[sflag:s11] =	ssyncadd.s32 $0xFFFFFFF0  }
0x23f: {  	_ =	swait.ge [sflag:s19], $0x3400  }
0x240: {  	[sflag:s19] =	ssyncset.done $0x0  }
0x241: {  	[sflag:s19] =	ssyncadd.s32 $0xFFFFCC00  }
0x242: {  	_ =	swait.ge [sflag:s19], $0x68  }
0x243: {  	[sflag:s19] =	ssyncset.done $0x0  }
0x244: {  	[sflag:s19] =	ssyncadd.s32 $0xFFFFFF98  }
0x245: {  	_ =	swait.ge [sflag:s19], $0x3400  }
0x246: {  	[sflag:s19] =	ssyncset.done $0x0  }
0x247: {  	[sflag:s19] =	ssyncadd.s32 $0xFFFFCC00  }
0x248: {  	_ =	swait.ge [sflag:s19], $0x68  }
0x249: {  	[sflag:s19] =	ssyncset.done $0x0  }
0x24a: {  	[sflag:s19] =	ssyncadd.s32 $0xFFFFFF98  }
0x24b: {  	_ =	swait.ge [sflag:s19], $0x3400  }
0x24c: {  	[sflag:s19] =	ssyncset.done $0x0  }
0x24d: {  	[sflag:s19] =	ssyncadd.s32 $0xFFFFCC00  }
0x24e: {  	_ =	swait.ge [sflag:s19], $0x68  }
0x24f: {  	[sflag:s19] =	ssyncset.done $0x0  }
0x250: {  	[sflag:s19] =	ssyncadd.s32 $0xFFFFFF98  }
0x251: {  	_ =	swait.ge [sflag:s19], $0x3400  }
0x252: {  	[sflag:s19] =	ssyncset.done $0x0  }
0x253: {  	[sflag:s19] =	ssyncadd.s32 $0xFFFFCC00  }
0x254: {  	_ =	swait.ge [sflag:s19], $0x68  }
0x255: {  	[sflag:s19] =	ssyncset.done $0x0  }
0x256: {  	s20 =	simm.s32 @!p0 $0x68;
	s29 =	simm.s32 @!p0 $0x1A00;
	[sflag:s19] =	ssyncadd.s32 $0xFFFFFF98  }
0x257: {  	[tilespmem:s29], [sflag:$0x1] =	stream.indirect.gather @!p0 [hbm4b:s4+s20], $0x80, s24, s20, $0xb8;
	[tilespmem:$0x1BE80] =	vst v63  }
0x258: {  	s29 =	simm.s32 @!p0 $0x1BA00  }
0x259: {  	[tilespmem:s29], [sflag:$0x1] =	stream.indirect.gather @!p0 [hbm4b:s2+s20], $0x1, s23, s20, $0xb8;
	[tilespmem:$0x1BE80] =	vst v63  }
0x25a: {  	s29 =	simm.s32 @!p0 $0x4E00  }
0x25b: {  	[tilespmem:s29], [sflag:$0x1] =	stream.indirect.gather @!p0 [hbm4b:s4+s20], $0x80, s26, s20, $0xb8;
	[tilespmem:$0x1BE80] =	vst v63  }
0x25c: {  	s29 =	simm.s32 @!p0 $0x1BA68  }
0x25d: {  	[tilespmem:s29], [sflag:$0x1] =	stream.indirect.gather @!p0 [hbm4b:s2+s20], $0x1, s25, s20, $0xb8;
	[tilespmem:$0x1BE80] =	vst v63  }
0x25e: {  	s29 =	simm.s32 @!p0 $0x8200  }
0x25f: {  	[tilespmem:s29], [sflag:$0x1] =	stream.indirect.gather @!p0 [hbm4b:s4+s20], $0x80, s5, s20, $0xb8;
	[tilespmem:$0x1BE80] =	vst v63  }
0x260: {  	s29 =	simm.s32 @!p0 $0x1BAD0  }
0x261: {  	[tilespmem:s29], [sflag:$0x1] =	stream.indirect.gather @!p0 [hbm4b:s2+s20], $0x1, s12, s20, $0xb8;
	[tilespmem:$0x1BE80] =	vst v63  }
0x262: {  	s29 =	simm.s32 @!p0 $0xB600  }
0x263: {  	[tilespmem:s29], [sflag:$0x1] =	stream.indirect.gather @!p0 [hbm4b:s4+s20], $0x80, s7, s20, $0xb8;
	[tilespmem:$0x1BE80] =	vst v63  }
.Ltmp6:
0x264: {  	_ = 	snop;
	(pc) =	sbr.rel .LBB2_3-.Ltmp6, $4  }
0x265: {  	s29 =	simm.s32 @!p0 $0x1BB38  }
0x266: {  	[tilespmem:s29], [sflag:$0x1] =	stream.indirect.gather @!p0 [hbm4b:s2+s20], $0x1, s6, s20, $0xb8;
	[tilespmem:$0x1BE80] =	vst v63  }
0x267: {  	p2 =	por @!p0 $0x0, $0x0;
	p1 =	por $0x0, $0x0;
	s29 =	simm.s32 @!p0 $0x1  }
0x268: {  	p1 =	por @!p0 p2, p2;
	s29 =	simm.s32 @p0 $0x1  }
.LBB2_9:
0x269: {  	_ =	sfence.sel $0x180000  }
0x26a: {  	[bflag:$0x0] =	sbarrier.arrive $0xFFFF  }
0x26b: {  	_ =	strace $0x90000047  }
0x26c: {  	s0 =	stileid.u32;
	[bflag:$0x2] =	sbarrier.arrive $0xFFFF  }
0x26d: {  	p0 =	sne.s32 s0, $0x0;
	s0 =	rddreg [dreg:$0x3]  }
0x26e: {  	s0 =	sadd.s32 @!p0 $0x100000, s0  }
0x26f: {  	[sflag:s0] =	ssyncadd.tile.s32 @!p0 $0x1;
	_ =	shalt  }
.Lfunc_end2:
_tile_overlayer_lowered:
.L_overlay_start_2:
0x270: {  	(tag) =	ssettag $0x2  }
0x271: {  	s0 =	rddreg [dreg:$0x0];
	s2 =	stileid.u32  }
0x272: {  	s1 =	rddreg [dreg:$0x1];
	p0 =	sne.s32 s2, $0x0  }
0x273: {  	s3 =	rddreg [dreg:$0x2];
	[bflag:$0x3] =	sbarrier.arrive $0xFFFF;
	s2 =	simm.s32 @!p0 $0x1C03  }
0x274: {  	[timem:s3], [sflag:s2] =	dma.local @!p0 [hbm:s0], s1  }
0x275: {  	s0 =	simm.s32 @!p0 $0x3  }
0x276: {  	_ =	swait.ge @!p0 [sflag:s0], s1  }
0x277: {  	s1 =	ssub.s32 @!p0 $0x0, s1;
	[sflag:s0] =	ssyncset.done @!p0 $0x0  }
0x278: {  	[sflag:s0] =	ssyncadd.s32 @!p0 s1  }
0x279: {  	[bflag:$0x3] =	sbarrier.arrive $0xFFFF  }
0x27a: {  	_ =	shalt  }

</sc_bundles>
